<compile_context>
chip_gen: v7x
topology: tpu7x:2x2x1
jax: 0.10.2.dev20260603
libtpu: 0.0.44.dev20260713+nightly
codegen_flags: <defaults>
</compile_context>

<pallas_src>
import functools

import jax
import jax.numpy as jnp
from jax import lax
from jax.experimental import pallas as pl
from jax.experimental.pallas import tpu as pltpu
from jax.experimental.pallas import tpu_sc as plsc

_NC = 2
_NS = 16
_NW = _NC * _NS
_C = 80


def _premul(x, ws_t, wr_t):
    n, d = x.shape

    def body(x_ref, ws_ref, wr_ref, a_ref, b_ref):
        xv = x_ref[...]
        a_ref[...] = jnp.dot(xv, ws_ref[...], preferred_element_type=jnp.float32)
        b_ref[...] = jnp.dot(xv, wr_ref[...], preferred_element_type=jnp.float32)

    return pl.pallas_call(
        body,
        out_shape=[jax.ShapeDtypeStruct((n, d), jnp.float32),
                   jax.ShapeDtypeStruct((n, d), jnp.float32)],
    )(x, ws_t, wr_t)


_CC = 128


def _sc_gather(xw_s, xw_r, send, recv):
    e = send.shape[0]
    d = xw_s.shape[1]
    ew = e // _NW
    nfull = ew // _CC
    tailc = ew - nfull * _CC
    npairs = nfull // 2
    assert e % _NW == 0 and nfull % 2 == 0 and tailc % 8 == 0
    mesh = plsc.VectorSubcoreMesh(core_axis_name="c", subcore_axis_name="s")

    @functools.partial(
        pl.kernel,
        out_type=jax.ShapeDtypeStruct((e, d), jnp.float32),
        mesh=mesh,
        scratch_types=[
            pltpu.VMEM((2, _CC), jnp.int32),
            pltpu.VMEM((2, _CC), jnp.int32),
            pltpu.VMEM((2, _CC, d), jnp.float32),
            pltpu.VMEM((2, _CC, d), jnp.float32),
            pltpu.SemaphoreType.DMA,
            pltpu.SemaphoreType.DMA,
            pltpu.SemaphoreType.DMA,
            pltpu.SemaphoreType.DMA,
            pltpu.SemaphoreType.DMA,
        ],
    )
    def k(xs_hbm, xr_hbm, send_hbm, recv_hbm, g_hbm,
          idx_s, idx_r, buf_a, buf_b, sem_i, sem_g0, sem_g1, sem_w0, sem_w1):
        wid = lax.axis_index("s") * _NC + lax.axis_index("c")
        base0 = pl.multiple_of(wid * ew, 8)
        semw = (sem_w0, sem_w1)
        semg = (sem_g0, sem_g1)

        def jbase(j):
            return pl.multiple_of(base0 + j * _CC, 8)

        def idx_load(j, sl):
            pltpu.async_copy(send_hbm.at[pl.ds(jbase(j), _CC)], idx_s.at[sl], sem_i)
            pltpu.async_copy(recv_hbm.at[pl.ds(jbase(j), _CC)], idx_r.at[sl], sem_i)

        def idx_wait(sl):
            pltpu.make_async_copy(send_hbm.at[pl.ds(base0, _CC)], idx_s.at[sl], sem_i).wait()
            pltpu.make_async_copy(recv_hbm.at[pl.ds(base0, _CC)], idx_r.at[sl], sem_i).wait()

        def gather_issue(sl):
            pltpu.async_copy(xs_hbm.at[idx_s.at[sl]], buf_a.at[sl], semg[sl])
            pltpu.async_copy(xr_hbm.at[idx_r.at[sl]], buf_b.at[sl], semg[sl])

        def gather_wait(sl):
            pltpu.make_async_copy(xs_hbm.at[idx_s.at[sl]], buf_a.at[sl], semg[sl]).wait()
            pltpu.make_async_copy(xr_hbm.at[idx_r.at[sl]], buf_b.at[sl], semg[sl]).wait()

        def wb_issue(j, sl):
            pltpu.async_copy(buf_a.at[sl], g_hbm.at[pl.ds(jbase(j), _CC)], semw[sl])

        def wb_wait(sl):
            pltpu.make_async_copy(buf_a.at[sl], g_hbm.at[pl.ds(base0, _CC)], semw[sl]).wait()

        def add_rows(sl, nrows):
            def row(r, carry):
                for cc in range(d // 16):
                    buf_a[sl, r, pl.ds(cc * 16, 16)] = (
                        buf_a[sl, r, pl.ds(cc * 16, 16)]
                        + buf_b[sl, r, pl.ds(cc * 16, 16)])
                return carry
            lax.fori_loop(0, nrows, row, 0)

        idx_load(0, 0)
        idx_wait(0)
        gather_issue(0)
        idx_load(1, 1)

        def pair(g, carry):
            j0 = 2 * g
            idx_wait(1)

            @pl.when(g > 0)
            def _():
                wb_wait(1)
            gather_issue(1)
            gather_wait(0)
            add_rows(0, _CC)
            wb_issue(j0, 0)

            @pl.when(g < npairs - 1)
            def _():
                idx_load(j0 + 2, 0)
                idx_wait(0)
                wb_wait(0)
                gather_issue(0)
            gather_wait(1)
            add_rows(1, _CC)
            wb_issue(j0 + 1, 1)

            @pl.when(g < npairs - 1)
            def _():
                idx_load(j0 + 3, 1)
            return carry

        lax.fori_loop(0, npairs, pair, 0)
        wb_wait(1)
        wb_wait(0)
        if tailc:
            tb = pl.multiple_of(base0 + nfull * _CC, 8)
            pltpu.sync_copy(send_hbm.at[pl.ds(tb, tailc)], idx_s.at[0, pl.ds(0, tailc)])
            pltpu.sync_copy(recv_hbm.at[pl.ds(tb, tailc)], idx_r.at[0, pl.ds(0, tailc)])
            cpa = pltpu.async_copy(xs_hbm.at[idx_s.at[0, pl.ds(0, tailc)]],
                                   buf_a.at[0, pl.ds(0, tailc)], sem_g0)
            cpb = pltpu.async_copy(xr_hbm.at[idx_r.at[0, pl.ds(0, tailc)]],
                                   buf_b.at[0, pl.ds(0, tailc)], sem_g1)
            cpa.wait()
            cpb.wait()
            add_rows(0, tailc)
            pltpu.sync_copy(buf_a.at[0, pl.ds(0, tailc)], g_hbm.at[pl.ds(tb, tailc)])

    return k(xw_s, xw_r, send, recv)


def _sc_counts(recv, zeros_nd, ones_cd):
    e = recv.shape[0]
    n, d = zeros_nd.shape
    ew = e // _NW
    nfull = ew // _CC
    tailc = ew - nfull * _CC
    npairs = nfull // 2
    rt = (n // _NS) & ~7
    tail = n - rt * _NS
    assert nfull % 2 == 0 and tailc % 8 == 0 and rt % 8 == 0 and tail % 8 == 0
    mesh = plsc.VectorSubcoreMesh(core_axis_name="c", subcore_axis_name="s")

    @functools.partial(
        pl.kernel,
        out_type=jax.ShapeDtypeStruct((_NC * n, d), jnp.float32),
        mesh=mesh,
        scratch_types=[
            pltpu.VMEM((2, _CC), jnp.int32),
            pltpu.VMEM((_CC, d), jnp.float32),
            pltpu.VMEM_SHARED((n + 16, d), jnp.float32),
            pltpu.SemaphoreType.DMA,
            pltpu.SemaphoreType.DMA,
        ],
    )
    def k(recv_hbm, zs_hbm, ones_hbm, pcnt_hbm, idx2, ones_v, cacc, sem0, sem1):
        c = lax.axis_index("c")
        s = lax.axis_index("s")
        wid = s * _NC + c
        base0 = pl.multiple_of(wid * ew, 8)
        row0 = pl.multiple_of(s * rt, 8)
        out0 = pl.multiple_of(c * n, 8)
        sems = (sem0, sem1)

        def each_acc_slab(fn):
            fn(row0, rt)
            if tail:
                @pl.when(s == _NS - 1)
                def _():
                    fn(rt * _NS, tail)

        each_acc_slab(lambda r0, sz: pltpu.sync_copy(
            zs_hbm.at[pl.ds(r0, sz)], cacc.at[pl.ds(r0, sz)]))
        pltpu.sync_copy(ones_hbm, ones_v)
        plsc.subcore_barrier()

        def idx_load(j, sl):
            pltpu.async_copy(recv_hbm.at[pl.ds(pl.multiple_of(base0 + j * _CC, 8), _CC)],
                             idx2.at[sl], sems[sl])

        def idx_wait(sl):
            pltpu.make_async_copy(recv_hbm.at[pl.ds(base0, _CC)], idx2.at[sl], sems[sl]).wait()

        def scat(sl):
            pltpu.sync_copy(ones_v, cacc.at[idx2.at[sl]], add=True)

        idx_load(0, 0)

        def pair(g, carry):
            j0 = 2 * g
            idx_load(j0 + 1, 1)
            idx_wait(0)
            scat(0)

            @pl.when(g < npairs - 1)
            def _():
                idx_load(j0 + 2, 0)
            idx_wait(1)
            scat(1)
            return carry

        lax.fori_loop(0, npairs, pair, 0)
        if tailc:
            tb = pl.multiple_of(base0 + nfull * _CC, 8)
            pltpu.sync_copy(recv_hbm.at[pl.ds(tb, tailc)], idx2.at[0, pl.ds(0, tailc)])
            for t in range(tailc // 16, _CC // 16):
                idx2[0, pl.ds(t * 16, 16)] = jnp.full((16,), n, jnp.int32)
            scat(0)
        plsc.subcore_barrier()
        each_acc_slab(lambda r0, sz: pltpu.sync_copy(
            cacc.at[pl.ds(r0, sz)], pcnt_hbm.at[pl.ds(out0 + r0, sz)]))

    return k(recv, zeros_nd, ones_cd).reshape(_NC, n, d)


def _edge_mlp(g, ea, w1e_t, b1, w2_t, b2):
    e, d = g.shape
    be = 1280
    assert e % be == 0

    def body(g_ref, ea_ref, w1e_ref, b1_ref, w2_ref, b2_ref, h_ref):
        ea16 = ea_ref[...].astype(jnp.bfloat16)
        t = (g_ref[...] + b1_ref[...]
             + jnp.dot(ea16, w1e_ref[...], preferred_element_type=jnp.float32))
        t = t * jax.nn.sigmoid(t)
        t2 = (jnp.dot(t.astype(jnp.bfloat16), w2_ref[...],
                      preferred_element_type=jnp.float32) + b2_ref[...])
        h_ref[...] = t2 * jax.nn.sigmoid(t2)

    row = lambda i: (i, 0)
    rep = lambda i: (0, 0)
    return pl.pallas_call(
        body,
        grid=(e // be,),
        in_specs=[
            pl.BlockSpec((be, d), row),
            pl.BlockSpec((be, d), row),
            pl.BlockSpec((d, d), rep),
            pl.BlockSpec((1, d), rep),
            pl.BlockSpec((d, d), rep),
            pl.BlockSpec((1, d), rep),
        ],
        out_specs=pl.BlockSpec((be, d), row),
        out_shape=jax.ShapeDtypeStruct((e, d), jnp.float32),
        compiler_params=pltpu.CompilerParams(
            dimension_semantics=("arbitrary",)),
    )(g, ea, w1e_t.astype(jnp.bfloat16), b1.reshape(1, d),
      w2_t.astype(jnp.bfloat16), b2.reshape(1, d))


def _sc_scatter(h, recv, zsum):
    e, d = h.shape
    n = zsum.shape[0]
    ew = e // _NW
    rt = (n // _NS) & ~7
    tail = n - rt * _NS
    assert e % _NW == 0 and ew % _C == 0 and rt % 8 == 0 and tail % 8 == 0
    mesh = plsc.VectorSubcoreMesh(core_axis_name="c", subcore_axis_name="s")

    nfull = ew // _CC
    tailc = ew - nfull * _CC
    npairs = nfull // 2
    assert nfull % 2 == 0 and tailc % 8 == 0

    @functools.partial(
        pl.kernel,
        out_type=jax.ShapeDtypeStruct((_NC * n, d), jnp.float32),
        mesh=mesh,
        scratch_types=[
            pltpu.VMEM((2, _CC), jnp.int32),
            pltpu.VMEM((2, _CC, d), jnp.float32),
            pltpu.VMEM_SHARED((n + 16, d), jnp.float32),
            pltpu.SemaphoreType.DMA,
            pltpu.SemaphoreType.DMA,
        ],
    )
    def k(h_hbm, recv_hbm, zs_hbm, psum_hbm, idx2, buf, acc, sem0, sem1):
        c = lax.axis_index("c")
        s = lax.axis_index("s")
        wid = s * _NC + c
        base0 = pl.multiple_of(wid * ew, 8)
        row0 = pl.multiple_of(s * rt, 8)
        out0 = pl.multiple_of(c * n, 8)
        sems = (sem0, sem1)

        def each_acc_slab(fn):
            fn(row0, rt)
            if tail:
                @pl.when(s == _NS - 1)
                def _():
                    fn(rt * _NS, tail)

        each_acc_slab(lambda r0, sz: pltpu.sync_copy(
            zs_hbm.at[pl.ds(r0, sz)], acc.at[pl.ds(r0, sz)]))
        plsc.subcore_barrier()

        def load(j, sl):
            base = pl.multiple_of(base0 + j * _CC, 8)
            pltpu.async_copy(recv_hbm.at[pl.ds(base, _CC)], idx2.at[sl], sems[sl])
            pltpu.async_copy(h_hbm.at[pl.ds(base, _CC)], buf.at[sl], sems[sl])

        def load_wait(sl):
            pltpu.make_async_copy(recv_hbm.at[pl.ds(base0, _CC)], idx2.at[sl], sems[sl]).wait()
            pltpu.make_async_copy(h_hbm.at[pl.ds(base0, _CC)], buf.at[sl], sems[sl]).wait()

        def scat(sl):
            pltpu.sync_copy(buf.at[sl], acc.at[idx2.at[sl]], add=True)

        load(0, 0)

        def pair(g, carry):
            j0 = 2 * g
            load(j0 + 1, 1)
            load_wait(0)
            scat(0)

            @pl.when(g < npairs - 1)
            def _():
                load(j0 + 2, 0)
            load_wait(1)
            scat(1)
            return carry

        lax.fori_loop(0, npairs, pair, 0)
        if tailc:
            tb = pl.multiple_of(base0 + nfull * _CC, 8)
            pltpu.sync_copy(recv_hbm.at[pl.ds(tb, tailc)], idx2.at[0, pl.ds(0, tailc)])
            pltpu.sync_copy(h_hbm.at[pl.ds(tb, tailc)], buf.at[0, pl.ds(0, tailc)])
            for t in range(tailc // 16, _CC // 16):
                idx2[0, pl.ds(t * 16, 16)] = jnp.full((16,), n, jnp.int32)
            scat(0)
        plsc.subcore_barrier()
        each_acc_slab(lambda r0, sz: pltpu.sync_copy(
            acc.at[pl.ds(r0, sz)], psum_hbm.at[pl.ds(out0 + r0, sz)]))

    return k(h, recv, zsum).reshape(_NC, n, d)


def _update(x, psum, pcnt, u1_t, ub1, u2_t, ub2):
    n, d = x.shape

    def body(x_ref, ps_ref, pc_ref, u1_ref, ub1_ref, u2_ref, ub2_ref, out_ref):
        cnt = pc_ref[0, :, 0:1] + pc_ref[1, :, 0:1]
        mean = (ps_ref[0] + ps_ref[1]) / jnp.maximum(cnt, 1.0)
        x_new = x_ref[...] + mean
        t = jnp.dot(x_new, u1_ref[...], preferred_element_type=jnp.float32) + ub1_ref[...]
        t = t * jax.nn.sigmoid(t)
        u = jnp.dot(t, u2_ref[...], preferred_element_type=jnp.float32) + ub2_ref[...]
        out_ref[...] = x_new + u

    return pl.pallas_call(
        body,
        out_shape=jax.ShapeDtypeStruct((n, d), jnp.float32),
    )(x, psum, pcnt, u1_t, ub1.reshape(1, -1), u2_t, ub2.reshape(1, -1))


def kernel(x, edge_attr, edges, W1, b1, W2, b2, U1, ub1, U2, ub2):
    n, d = x.shape
    send = edges[0]
    recv = edges[1]
    w1s_t = W1[:, :d].T
    w1r_t = W1[:, d:2 * d].T
    w1e_t = W1[:, 2 * d:].T
    w2_t = W2.T
    u1_t = U1.T
    u2_t = U2.T

    xw_s, xw_r = _premul(x, w1s_t, w1r_t)
    zsum = jnp.zeros((n, d), jnp.float32)
    ones_cd = jnp.ones((_CC, d), jnp.float32)
    g = _sc_gather(xw_s, xw_r, send, recv)
    h = _edge_mlp(g, edge_attr, w1e_t, b1, w2_t, b2)
    pcnt = _sc_counts(recv, zsum, ones_cd)
    psum = _sc_scatter(h, recv, zsum)
    x_out = _update(x, psum, pcnt, u1_t, ub1, u2_t, ub2)
    return (x_out, h)

# --- scband reference (transcript-rebuilt; emitter-appended) ---
"""Pipeline reference for scband-gnnlayer-7215545057969 (READ-ONLY COPY).

The authoritative reference and input builder live on the scoring server;
editing this copy changes nothing except your own understanding.
"""

import jax, jax.numpy as jnp
import numpy as np

N = 10000
E = 320000
D = 128  # input_size == hidden_size == 128


def setup_inputs(seed: int = 0) -> dict:
    key = jax.random.key(seed)
    ks = jax.random.split(key, 12)
    inp = {}
    inp["x"] = jax.random.normal(ks[0], (N, D), dtype=jnp.float32)
    inp["edge_attr"] = jax.random.normal(ks[1], (E, D), dtype=jnp.float32)
    inp["edges"] = jax.random.randint(ks[2], (2, E), 0, N, dtype=jnp.int32)
    # message_fn: Linear(3*D -> D), SiLU, Linear(D -> D), SiLU
    inp["W1"] = jax.random.normal(ks[3], (D, 3 * D), dtype=jnp.float32) * (1.0 / np.sqrt(3 * D))
    inp["b1"] = jnp.zeros((D,), dtype=jnp.float32)
    inp["W2"] = jax.random.normal(ks[4], (D, D), dtype=jnp.float32) * (1.0 / np.sqrt(D))
    inp["b2"] = jnp.zeros((D,), dtype=jnp.float32)
    # res is Identity since input_size == hidden_size
    # update_fn: Linear(D -> 2D), SiLU, Linear(2D -> D)
    inp["U1"] = jax.random.normal(ks[5], (2 * D, D), dtype=jnp.float32) * (1.0 / np.sqrt(D))
    inp["ub1"] = jnp.zeros((2 * D,), dtype=jnp.float32)
    inp["U2"] = jax.random.normal(ks[6], (D, 2 * D), dtype=jnp.float32) * (1.0 / np.sqrt(2 * D))
    inp["ub2"] = jnp.zeros((D,), dtype=jnp.float32)
    return inp


def reference(x, edge_attr, edges, W1, b1, W2, b2, U1, ub1, U2, ub2):
    send_edges = edges[0]
    recv_edges = edges[1]
    # only_edge_attr=False: concat gathered node features with edge_attr
    ea = jnp.concatenate([x[send_edges], x[recv_edges], edge_attr], axis=-1)
    # message_fn
    h = jax.nn.silu(ea @ W1.T + b1)
    h = jax.nn.silu(h @ W2.T + b2)
    # scatter(..., reduce='mean') over recv_edges
    n_nodes = x.shape[0]
    seg_sum = jax.ops.segment_sum(h, recv_edges, num_segments=n_nodes)
    counts = jax.ops.segment_sum(jnp.ones((h.shape[0], 1), dtype=h.dtype), recv_edges, num_segments=n_nodes)
    message_aggr = seg_sum / jnp.maximum(counts, 1.0)
    # res is Identity (input_size == hidden_size)
    x_new = x + message_aggr
    # update_fn residual
    u = jax.nn.silu(x_new @ U1.T + ub1)
    u = u @ U2.T + ub2
    x_out = x_new + u
    return (x_out, h)

if __name__ == "__main__":
    import jax
    _d = setup_inputs()
    print(jax.jit(kernel)(*tuple(_d.values())))

</pallas_src>

<mosaic_0001>
#map = affine_map<(d0, d1) -> (0)>
#map1 = affine_map<(d0, d1) -> (0, 0)>
module attributes {stable_mosaic.version = 14 : i64} {
  func.func @k(%arg0: i32, %arg1: i32, %arg2: memref<320000xi32, #tpu.memory_space<hbm>>, %arg3: memref<10000x128xf32, #tpu.memory_space<hbm>>, %arg4: memref<128x128xf32, #tpu.memory_space<hbm>>, %arg5: memref<20000x128xf32, #tpu.memory_space<hbm>>, %arg6: memref<2x128xi32, #tpu.memory_space<vmem>>, %arg7: memref<128x128xf32, #tpu.memory_space<vmem>>, %arg8: memref<10016x128xf32, #tpu.memory_space<vmem_shared>>, %arg9: memref<!tpu.dma_semaphore, #tpu.memory_space<semaphore_mem>>, %arg10: memref<!tpu.dma_semaphore, #tpu.memory_space<semaphore_mem>>) attributes {dimension_semantics = [#tpu.dimension_semantics<core_parallel>, #tpu.dimension_semantics<subcore_parallel>], iteration_bounds = array<i64: 2, 16>, scalar_prefetch = 0 : i64, scratch_operands = 5 : i64, tpu.core_type = #tpu.core_type<sc_vector_subcore>, window_params = [{transform_indices = #map}, {transform_indices = #map1}, {transform_indices = #map1}, {transform_indices = #map1}]} {
    %mul3A = arith.constant 2 : i32
    %mul3A_0 = arith.muli %arg1, %mul3A : i32
    %add3A = arith.addi %mul3A_0, %arg0 : i32
    %mul3A_1 = arith.constant 10000 : i32
    %mul3A_2 = arith.muli %add3A, %mul3A_1 : i32
    %multiple_of3A = tpu.assume_multiple %mul3A_2, 8 : i32
    %mul3A_3 = arith.constant 624 : i32
    %mul3A_4 = arith.muli %arg1, %mul3A_3 : i32
    %multiple_of3A_5 = tpu.assume_multiple %mul3A_4, 8 : i32
    %mul3A_6 = arith.constant 10000 : i32
    %mul3A_7 = arith.muli %arg0, %mul3A_6 : i32
    %multiple_of3A_8 = tpu.assume_multiple %mul3A_7, 8 : i32
    "tpu.region"() ({
      %run_scoped3A_92 = tpu.sem_alloc : memref<!tpu.dma_semaphore, #tpu.memory_space<semaphore_mem>>
      %dma_start3A_93 = arith.constant 0 : i32
      %dma_start3A_94 = tpu.memref_slice %arg8[%multiple_of3A_5, %dma_start3A_93] : memref<10016x128xf32, #tpu.memory_space<vmem_shared>> -> memref<624x128xf32, #tpu.memory_space<vmem_shared>>
      %dma_start3A_95 = arith.constant 0 : i32
      %dma_start3A_96 = tpu.memref_slice %arg3[%multiple_of3A_5, %dma_start3A_95] : memref<10000x128xf32, #tpu.memory_space<hbm>> -> memref<624x128xf32, #tpu.memory_space<hbm>>
      tpu.enqueue_dma source(%dma_start3A_96 : memref<624x128xf32, #tpu.memory_space<hbm>>) target(%dma_start3A_94 : memref<624x128xf32, #tpu.memory_space<vmem_shared>>) target_semaphore(%run_scoped3A_92 : memref<!tpu.dma_semaphore, #tpu.memory_space<semaphore_mem>>)
      %dma_wait3A = arith.constant 0 : i32
      %dma_wait3A_97 = tpu.memref_slice %arg8[%multiple_of3A_5, %dma_wait3A] : memref<10016x128xf32, #tpu.memory_space<vmem_shared>> -> memref<624x128xf32, #tpu.memory_space<vmem_shared>>
      %dma_wait3A_98 = arith.constant 0 : i32
      %dma_wait3A_99 = tpu.memref_slice %arg3[%multiple_of3A_5, %dma_wait3A_98] : memref<10000x128xf32, #tpu.memory_space<hbm>> -> memref<624x128xf32, #tpu.memory_space<hbm>>
      tpu.wait_dma2 semaphore(%run_scoped3A_92 : memref<!tpu.dma_semaphore, #tpu.memory_space<semaphore_mem>>) src(%dma_wait3A_99 : memref<624x128xf32, #tpu.memory_space<hbm>>) dst(%dma_wait3A_97 : memref<624x128xf32, #tpu.memory_space<vmem_shared>>)
      tpu.yield
    }) : () -> ()
    %eq3A = arith.constant 15 : i32
    %eq3A_9 = arith.cmpi eq, %arg1, %eq3A : i32
    %convert_element_type3A = arith.extui %eq3A_9 : i1 to i32
    %cond3A = arith.constant 0 : i32
    %cond3A_10 = arith.cmpi ne, %convert_element_type3A, %cond3A : i32
    scf.if %cond3A_10 {
      "tpu.region"() ({
        %run_scoped3A_92 = tpu.sem_alloc : memref<!tpu.dma_semaphore, #tpu.memory_space<semaphore_mem>>
        %dma_start3A_93 = arith.constant 9984 : i32
        %dma_start3A_94 = arith.constant 0 : i32
        %dma_start3A_95 = tpu.memref_slice %arg8[%dma_start3A_93, %dma_start3A_94] : memref<10016x128xf32, #tpu.memory_space<vmem_shared>> -> memref<16x128xf32, #tpu.memory_space<vmem_shared>>
        %dma_start3A_96 = arith.constant 9984 : i32
        %dma_start3A_97 = arith.constant 0 : i32
        %dma_start3A_98 = tpu.memref_slice %arg3[%dma_start3A_96, %dma_start3A_97] : memref<10000x128xf32, #tpu.memory_space<hbm>> -> memref<16x128xf32, #tpu.memory_space<hbm>>
        tpu.enqueue_dma source(%dma_start3A_98 : memref<16x128xf32, #tpu.memory_space<hbm>>) target(%dma_start3A_95 : memref<16x128xf32, #tpu.memory_space<vmem_shared>>) target_semaphore(%run_scoped3A_92 : memref<!tpu.dma_semaphore, #tpu.memory_space<semaphore_mem>>)
        %dma_wait3A = arith.constant 9984 : i32
        %dma_wait3A_99 = arith.constant 0 : i32
        %dma_wait3A_100 = tpu.memref_slice %arg8[%dma_wait3A, %dma_wait3A_99] : memref<10016x128xf32, #tpu.memory_space<vmem_shared>> -> memref<16x128xf32, #tpu.memory_space<vmem_shared>>
        %dma_wait3A_101 = arith.constant 9984 : i32
        %dma_wait3A_102 = arith.constant 0 : i32
        %dma_wait3A_103 = tpu.memref_slice %arg3[%dma_wait3A_101, %dma_wait3A_102] : memref<10000x128xf32, #tpu.memory_space<hbm>> -> memref<16x128xf32, #tpu.memory_space<hbm>>
        tpu.wait_dma2 semaphore(%run_scoped3A_92 : memref<!tpu.dma_semaphore, #tpu.memory_space<semaphore_mem>>) src(%dma_wait3A_103 : memref<16x128xf32, #tpu.memory_space<hbm>>) dst(%dma_wait3A_100 : memref<16x128xf32, #tpu.memory_space<vmem_shared>>)
        tpu.yield
      }) : () -> ()
    } else {
    }
    "tpu.region"() ({
      %run_scoped3A_92 = tpu.sem_alloc : memref<!tpu.dma_semaphore, #tpu.memory_space<semaphore_mem>>
      tpu.enqueue_dma source(%arg4 : memref<128x128xf32, #tpu.memory_space<hbm>>) target(%arg7 : memref<128x128xf32, #tpu.memory_space<vmem>>) target_semaphore(%run_scoped3A_92 : memref<!tpu.dma_semaphore, #tpu.memory_space<semaphore_mem>>)
      tpu.wait_dma2 semaphore(%run_scoped3A_92 : memref<!tpu.dma_semaphore, #tpu.memory_space<semaphore_mem>>) src(%arg4 : memref<128x128xf32, #tpu.memory_space<hbm>>) dst(%arg7 : memref<128x128xf32, #tpu.memory_space<vmem>>)
      tpu.yield
    }) : () -> ()
    %barrier3A = arith.constant 0 : index
    tpu.barrier barrier_id(%barrier3A)
    %add3A_11 = arith.constant 0 : i32
    %add3A_12 = arith.addi %multiple_of3A, %add3A_11 : i32
    %multiple_of3A_13 = tpu.assume_multiple %add3A_12, 8 : i32
    %dma_start3A = arith.constant 0 : i32
    %dma_start3A_14 = arith.constant 0 : i32
    %dma_start3A_15 = tpu.memref_slice %arg6[%dma_start3A, %dma_start3A_14] : memref<2x128xi32, #tpu.memory_space<vmem>> -> memref<1x128xi32, #tpu.memory_space<vmem>>
    %dma_start3A_16 = tpu.memref_squeeze %dma_start3A_15 : memref<1x128xi32, #tpu.memory_space<vmem>> -> memref<128xi32, #tpu.memory_space<vmem>>
    %dma_start3A_17 = tpu.memref_slice %arg2[%multiple_of3A_13] : memref<320000xi32, #tpu.memory_space<hbm>> -> memref<128xi32, #tpu.memory_space<hbm>>
    %dma_start3A_18 = arith.constant 0 : i32
    %dma_start3A_19 = tpu.memref_slice %arg6[%dma_start3A, %dma_start3A_18] : memref<2x128xi32, #tpu.memory_space<vmem>> -> memref<1x128xi32, #tpu.memory_space<vmem>>
    %dma_start3A_20 = tpu.memref_squeeze %dma_start3A_19 : memref<1x128xi32, #tpu.memory_space<vmem>> -> memref<128xi32, #tpu.memory_space<vmem>>
    %dma_start3A_21 = tpu.memref_slice %arg2[%multiple_of3A_13] : memref<320000xi32, #tpu.memory_space<hbm>> -> memref<128xi32, #tpu.memory_space<hbm>>
    tpu.enqueue_dma source(%dma_start3A_21 : memref<128xi32, #tpu.memory_space<hbm>>) target(%dma_start3A_20 : memref<128xi32, #tpu.memory_space<vmem>>) target_semaphore(%arg9 : memref<!tpu.dma_semaphore, #tpu.memory_space<semaphore_mem>>)
    %scan3A = arith.constant 0 : i32
    %scan3A_22 = arith.constant 0 : i32
    %scan3A_23 = arith.constant 39 : i32
    %scan3A_24 = arith.addi %scan3A_22, %scan3A_23 : i32
    %scan3A_25 = arith.constant 1 : i32
    scf.for %scan3A_92 = %scan3A_22 to %scan3A_24 step %scan3A_25  : i32 {
      %mul3A_93 = arith.constant 2 : i32
      %mul3A_94 = arith.muli %mul3A_93, %scan3A_92 : i32
      %add3A_95 = arith.constant 1 : i32
      %add3A_96 = arith.addi %mul3A_94, %add3A_95 : i32
      %mul3A_97 = arith.constant 128 : i32
      %mul3A_98 = arith.muli %add3A_96, %mul3A_97 : i32
      %add3A_99 = arith.addi %multiple_of3A, %mul3A_98 : i32
      %multiple_of3A_100 = tpu.assume_multiple %add3A_99, 8 : i32
      %dma_start3A_101 = arith.constant 1 : i32
      %dma_start3A_102 = arith.constant 0 : i32
      %dma_start3A_103 = tpu.memref_slice %arg6[%dma_start3A_101, %dma_start3A_102] : memref<2x128xi32, #tpu.memory_space<vmem>> -> memref<1x128xi32, #tpu.memory_space<vmem>>
      %dma_start3A_104 = tpu.memref_squeeze %dma_start3A_103 : memref<1x128xi32, #tpu.memory_space<vmem>> -> memref<128xi32, #tpu.memory_space<vmem>>
      %dma_start3A_105 = tpu.memref_slice %arg2[%multiple_of3A_100] : memref<320000xi32, #tpu.memory_space<hbm>> -> memref<128xi32, #tpu.memory_space<hbm>>
      %dma_start3A_106 = arith.constant 0 : i32
      %dma_start3A_107 = tpu.memref_slice %arg6[%dma_start3A_101, %dma_start3A_106] : memref<2x128xi32, #tpu.memory_space<vmem>> -> memref<1x128xi32, #tpu.memory_space<vmem>>
      %dma_start3A_108 = tpu.memref_squeeze %dma_start3A_107 : memref<1x128xi32, #tpu.memory_space<vmem>> -> memref<128xi32, #tpu.memory_space<vmem>>
      %dma_start3A_109 = tpu.memref_slice %arg2[%multiple_of3A_100] : memref<320000xi32, #tpu.memory_space<hbm>> -> memref<128xi32, #tpu.memory_space<hbm>>
      tpu.enqueue_dma source(%dma_start3A_109 : memref<128xi32, #tpu.memory_space<hbm>>) target(%dma_start3A_108 : memref<128xi32, #tpu.memory_space<vmem>>) target_semaphore(%arg10 : memref<!tpu.dma_semaphore, #tpu.memory_space<semaphore_mem>>)
      %dma_wait3A = arith.constant 0 : i32
      %dma_wait3A_110 = arith.constant 0 : i32
      %dma_wait3A_111 = tpu.memref_slice %arg6[%dma_wait3A, %dma_wait3A_110] : memref<2x128xi32, #tpu.memory_space<vmem>> -> memref<1x128xi32, #tpu.memory_space<vmem>>
      %dma_wait3A_112 = tpu.memref_squeeze %dma_wait3A_111 : memref<1x128xi32, #tpu.memory_space<vmem>> -> memref<128xi32, #tpu.memory_space<vmem>>
      %dma_wait3A_113 = tpu.memref_slice %arg2[%multiple_of3A] : memref<320000xi32, #tpu.memory_space<hbm>> -> memref<128xi32, #tpu.memory_space<hbm>>
      %dma_wait3A_114 = arith.constant 0 : i32
      %dma_wait3A_115 = tpu.memref_slice %arg6[%dma_wait3A, %dma_wait3A_114] : memref<2x128xi32, #tpu.memory_space<vmem>> -> memref<1x128xi32, #tpu.memory_space<vmem>>
      %dma_wait3A_116 = tpu.memref_squeeze %dma_wait3A_115 : memref<1x128xi32, #tpu.memory_space<vmem>> -> memref<128xi32, #tpu.memory_space<vmem>>
      %dma_wait3A_117 = tpu.memref_slice %arg2[%multiple_of3A] : memref<320000xi32, #tpu.memory_space<hbm>> -> memref<128xi32, #tpu.memory_space<hbm>>
      tpu.wait_dma2 semaphore(%arg9 : memref<!tpu.dma_semaphore, #tpu.memory_space<semaphore_mem>>) src(%dma_wait3A_117 : memref<128xi32, #tpu.memory_space<hbm>>) dst(%dma_wait3A_116 : memref<128xi32, #tpu.memory_space<vmem>>)
      %run_scoped3A_118 = arith.constant 0 : i32
      "tpu.region"() ({
        %run_scoped3A_133 = tpu.sem_alloc : memref<!tpu.dma_semaphore, #tpu.memory_space<semaphore_mem>>
        %dma_start3A_134 = arith.constant 0 : i32
        %dma_start3A_135 = tpu.memref_slice %arg6[%run_scoped3A_118, %dma_start3A_134] : memref<2x128xi32, #tpu.memory_space<vmem>> -> memref<1x128xi32, #tpu.memory_space<vmem>>
        %dma_start3A_136 = tpu.memref_squeeze %dma_start3A_135 : memref<1x128xi32, #tpu.memory_space<vmem>> -> memref<128xi32, #tpu.memory_space<vmem>>
        %dma_start3A_137 = arith.constant 0 : i32
        %dma_start3A_138 = arith.constant 0 : i32
        %dma_start3A_139 = tpu.memref_slice %arg8[%dma_start3A_137, %dma_start3A_138] : memref<10016x128xf32, #tpu.memory_space<vmem_shared>> -> memref<10016x128xf32, #tpu.memory_space<vmem_shared>>
        tpu.enqueue_indirect_dma source(%arg7 : memref<128x128xf32, #tpu.memory_space<vmem>>) target(%dma_start3A_139 : memref<10016x128xf32, #tpu.memory_space<vmem_shared>>) offsets(%dma_start3A_136 : memref<128xi32, #tpu.memory_space<vmem>>) semaphore(%run_scoped3A_133 : memref<!tpu.dma_semaphore, #tpu.memory_space<semaphore_mem>>) {add = true}
        %dma_wait3A_140 = arith.constant 0 : i32
        %dma_wait3A_141 = tpu.memref_slice %arg6[%run_scoped3A_118, %dma_wait3A_140] : memref<2x128xi32, #tpu.memory_space<vmem>> -> memref<1x128xi32, #tpu.memory_space<vmem>>
        %dma_wait3A_142 = tpu.memref_squeeze %dma_wait3A_141 : memref<1x128xi32, #tpu.memory_space<vmem>> -> memref<128xi32, #tpu.memory_space<vmem>>
        %dma_wait3A_143 = arith.constant 0 : i32
        %dma_wait3A_144 = arith.constant 0 : i32
        %dma_wait3A_145 = tpu.memref_slice %arg8[%dma_wait3A_143, %dma_wait3A_144] : memref<10016x128xf32, #tpu.memory_space<vmem_shared>> -> memref<10016x128xf32, #tpu.memory_space<vmem_shared>>
        tpu.wait_indirect_dma semaphore(%run_scoped3A_133 : memref<!tpu.dma_semaphore, #tpu.memory_space<semaphore_mem>>) src(%arg7 : memref<128x128xf32, #tpu.memory_space<vmem>>) dst(%dma_wait3A_145 : memref<10016x128xf32, #tpu.memory_space<vmem_shared>>)
        tpu.yield
      }) : () -> ()
      %lt3A = arith.constant 38 : i32
      %lt3A_119 = arith.cmpi slt, %scan3A_92, %lt3A : i32
      %convert_element_type3A_120 = arith.extui %lt3A_119 : i1 to i32
      %cond3A_121 = arith.constant 0 : i32
      %cond3A_122 = arith.cmpi ne, %convert_element_type3A_120, %cond3A_121 : i32
      scf.if %cond3A_122 {
        %add3A_133 = arith.constant 2 : i32
        %add3A_134 = arith.addi %mul3A_94, %add3A_133 : i32
        %mul3A_135 = arith.constant 128 : i32
        %mul3A_136 = arith.muli %add3A_134, %mul3A_135 : i32
        %add3A_137 = arith.addi %multiple_of3A, %mul3A_136 : i32
        %multiple_of3A_138 = tpu.assume_multiple %add3A_137, 8 : i32
        %dma_start3A_139 = arith.constant 0 : i32
        %dma_start3A_140 = arith.constant 0 : i32
        %dma_start3A_141 = tpu.memref_slice %arg6[%dma_start3A_139, %dma_start3A_140] : memref<2x128xi32, #tpu.memory_space<vmem>> -> memref<1x128xi32, #tpu.memory_space<vmem>>
        %dma_start3A_142 = tpu.memref_squeeze %dma_start3A_141 : memref<1x128xi32, #tpu.memory_space<vmem>> -> memref<128xi32, #tpu.memory_space<vmem>>
        %dma_start3A_143 = tpu.memref_slice %arg2[%multiple_of3A_138] : memref<320000xi32, #tpu.memory_space<hbm>> -> memref<128xi32, #tpu.memory_space<hbm>>
        %dma_start3A_144 = arith.constant 0 : i32
        %dma_start3A_145 = tpu.memref_slice %arg6[%dma_start3A_139, %dma_start3A_144] : memref<2x128xi32, #tpu.memory_space<vmem>> -> memref<1x128xi32, #tpu.memory_space<vmem>>
        %dma_start3A_146 = tpu.memref_squeeze %dma_start3A_145 : memref<1x128xi32, #tpu.memory_space<vmem>> -> memref<128xi32, #tpu.memory_space<vmem>>
        %dma_start3A_147 = tpu.memref_slice %arg2[%multiple_of3A_138] : memref<320000xi32, #tpu.memory_space<hbm>> -> memref<128xi32, #tpu.memory_space<hbm>>
        tpu.enqueue_dma source(%dma_start3A_147 : memref<128xi32, #tpu.memory_space<hbm>>) target(%dma_start3A_146 : memref<128xi32, #tpu.memory_space<vmem>>) target_semaphore(%arg9 : memref<!tpu.dma_semaphore, #tpu.memory_space<semaphore_mem>>)
      } else {
      }
      %dma_wait3A_123 = arith.constant 1 : i32
      %dma_wait3A_124 = arith.constant 0 : i32
      %dma_wait3A_125 = tpu.memref_slice %arg6[%dma_wait3A_123, %dma_wait3A_124] : memref<2x128xi32, #tpu.memory_space<vmem>> -> memref<1x128xi32, #tpu.memory_space<vmem>>
      %dma_wait3A_126 = tpu.memref_squeeze %dma_wait3A_125 : memref<1x128xi32, #tpu.memory_space<vmem>> -> memref<128xi32, #tpu.memory_space<vmem>>
      %dma_wait3A_127 = tpu.memref_slice %arg2[%multiple_of3A] : memref<320000xi32, #tpu.memory_space<hbm>> -> memref<128xi32, #tpu.memory_space<hbm>>
      %dma_wait3A_128 = arith.constant 0 : i32
      %dma_wait3A_129 = tpu.memref_slice %arg6[%dma_wait3A_123, %dma_wait3A_128] : memref<2x128xi32, #tpu.memory_space<vmem>> -> memref<1x128xi32, #tpu.memory_space<vmem>>
      %dma_wait3A_130 = tpu.memref_squeeze %dma_wait3A_129 : memref<1x128xi32, #tpu.memory_space<vmem>> -> memref<128xi32, #tpu.memory_space<vmem>>
      %dma_wait3A_131 = tpu.memref_slice %arg2[%multiple_of3A] : memref<320000xi32, #tpu.memory_space<hbm>> -> memref<128xi32, #tpu.memory_space<hbm>>
      tpu.wait_dma2 semaphore(%arg10 : memref<!tpu.dma_semaphore, #tpu.memory_space<semaphore_mem>>) src(%dma_wait3A_131 : memref<128xi32, #tpu.memory_space<hbm>>) dst(%dma_wait3A_130 : memref<128xi32, #tpu.memory_space<vmem>>)
      %run_scoped3A_132 = arith.constant 1 : i32
      "tpu.region"() ({
        %run_scoped3A_133 = tpu.sem_alloc : memref<!tpu.dma_semaphore, #tpu.memory_space<semaphore_mem>>
        %dma_start3A_134 = arith.constant 0 : i32
        %dma_start3A_135 = tpu.memref_slice %arg6[%run_scoped3A_132, %dma_start3A_134] : memref<2x128xi32, #tpu.memory_space<vmem>> -> memref<1x128xi32, #tpu.memory_space<vmem>>
        %dma_start3A_136 = tpu.memref_squeeze %dma_start3A_135 : memref<1x128xi32, #tpu.memory_space<vmem>> -> memref<128xi32, #tpu.memory_space<vmem>>
        %dma_start3A_137 = arith.constant 0 : i32
        %dma_start3A_138 = arith.constant 0 : i32
        %dma_start3A_139 = tpu.memref_slice %arg8[%dma_start3A_137, %dma_start3A_138] : memref<10016x128xf32, #tpu.memory_space<vmem_shared>> -> memref<10016x128xf32, #tpu.memory_space<vmem_shared>>
        tpu.enqueue_indirect_dma source(%arg7 : memref<128x128xf32, #tpu.memory_space<vmem>>) target(%dma_start3A_139 : memref<10016x128xf32, #tpu.memory_space<vmem_shared>>) offsets(%dma_start3A_136 : memref<128xi32, #tpu.memory_space<vmem>>) semaphore(%run_scoped3A_133 : memref<!tpu.dma_semaphore, #tpu.memory_space<semaphore_mem>>) {add = true}
        %dma_wait3A_140 = arith.constant 0 : i32
        %dma_wait3A_141 = tpu.memref_slice %arg6[%run_scoped3A_132, %dma_wait3A_140] : memref<2x128xi32, #tpu.memory_space<vmem>> -> memref<1x128xi32, #tpu.memory_space<vmem>>
        %dma_wait3A_142 = tpu.memref_squeeze %dma_wait3A_141 : memref<1x128xi32, #tpu.memory_space<vmem>> -> memref<128xi32, #tpu.memory_space<vmem>>
        %dma_wait3A_143 = arith.constant 0 : i32
        %dma_wait3A_144 = arith.constant 0 : i32
        %dma_wait3A_145 = tpu.memref_slice %arg8[%dma_wait3A_143, %dma_wait3A_144] : memref<10016x128xf32, #tpu.memory_space<vmem_shared>> -> memref<10016x128xf32, #tpu.memory_space<vmem_shared>>
        tpu.wait_indirect_dma semaphore(%run_scoped3A_133 : memref<!tpu.dma_semaphore, #tpu.memory_space<semaphore_mem>>) src(%arg7 : memref<128x128xf32, #tpu.memory_space<vmem>>) dst(%dma_wait3A_145 : memref<10016x128xf32, #tpu.memory_space<vmem_shared>>)
        tpu.yield
      }) : () -> ()
    }
    %scan3A_26 = arith.constant 39 : i32
    %add3A_27 = arith.constant 9984 : i32
    %add3A_28 = arith.addi %multiple_of3A, %add3A_27 : i32
    %multiple_of3A_29 = tpu.assume_multiple %add3A_28, 8 : i32
    %run_scoped3A = arith.constant 0 : i32
    "tpu.region"() ({
      %run_scoped3A_92 = tpu.sem_alloc : memref<!tpu.dma_semaphore, #tpu.memory_space<semaphore_mem>>
      %dma_start3A_93 = arith.constant 0 : i32
      %dma_start3A_94 = tpu.memref_slice %arg6[%run_scoped3A, %dma_start3A_93] : memref<2x128xi32, #tpu.memory_space<vmem>> -> memref<1x16xi32, #tpu.memory_space<vmem>>
      %dma_start3A_95 = tpu.memref_squeeze %dma_start3A_94 : memref<1x16xi32, #tpu.memory_space<vmem>> -> memref<16xi32, #tpu.memory_space<vmem>>
      %dma_start3A_96 = tpu.memref_slice %arg2[%multiple_of3A_29] : memref<320000xi32, #tpu.memory_space<hbm>> -> memref<16xi32, #tpu.memory_space<hbm>>
      %dma_start3A_97 = arith.constant 0 : i32
      %dma_start3A_98 = tpu.memref_slice %arg6[%run_scoped3A, %dma_start3A_97] : memref<2x128xi32, #tpu.memory_space<vmem>> -> memref<1x16xi32, #tpu.memory_space<vmem>>
      %dma_start3A_99 = tpu.memref_squeeze %dma_start3A_98 : memref<1x16xi32, #tpu.memory_space<vmem>> -> memref<16xi32, #tpu.memory_space<vmem>>
      %dma_start3A_100 = tpu.memref_slice %arg2[%multiple_of3A_29] : memref<320000xi32, #tpu.memory_space<hbm>> -> memref<16xi32, #tpu.memory_space<hbm>>
      tpu.enqueue_dma source(%dma_start3A_100 : memref<16xi32, #tpu.memory_space<hbm>>) target(%dma_start3A_99 : memref<16xi32, #tpu.memory_space<vmem>>) target_semaphore(%run_scoped3A_92 : memref<!tpu.dma_semaphore, #tpu.memory_space<semaphore_mem>>)
      %dma_wait3A = arith.constant 0 : i32
      %dma_wait3A_101 = tpu.memref_slice %arg6[%run_scoped3A, %dma_wait3A] : memref<2x128xi32, #tpu.memory_space<vmem>> -> memref<1x16xi32, #tpu.memory_space<vmem>>
      %dma_wait3A_102 = tpu.memref_squeeze %dma_wait3A_101 : memref<1x16xi32, #tpu.memory_space<vmem>> -> memref<16xi32, #tpu.memory_space<vmem>>
      %dma_wait3A_103 = tpu.memref_slice %arg2[%multiple_of3A_29] : memref<320000xi32, #tpu.memory_space<hbm>> -> memref<16xi32, #tpu.memory_space<hbm>>
      %dma_wait3A_104 = arith.constant 0 : i32
      %dma_wait3A_105 = tpu.memref_slice %arg6[%run_scoped3A, %dma_wait3A_104] : memref<2x128xi32, #tpu.memory_space<vmem>> -> memref<1x16xi32, #tpu.memory_space<vmem>>
      %dma_wait3A_106 = tpu.memref_squeeze %dma_wait3A_105 : memref<1x16xi32, #tpu.memory_space<vmem>> -> memref<16xi32, #tpu.memory_space<vmem>>
      %dma_wait3A_107 = tpu.memref_slice %arg2[%multiple_of3A_29] : memref<320000xi32, #tpu.memory_space<hbm>> -> memref<16xi32, #tpu.memory_space<hbm>>
      tpu.wait_dma2 semaphore(%run_scoped3A_92 : memref<!tpu.dma_semaphore, #tpu.memory_space<semaphore_mem>>) src(%dma_wait3A_107 : memref<16xi32, #tpu.memory_space<hbm>>) dst(%dma_wait3A_106 : memref<16xi32, #tpu.memory_space<vmem>>)
      tpu.yield
    }) : () -> ()
    %broadcast_in_dim3A = arith.constant 10000 : i32
    %broadcast_in_dim3A_30 = vector.broadcast %broadcast_in_dim3A : i32 to vector<16xi32>
    %swap3A = arith.constant 0 : i32
    %swap3A_31 = arith.index_cast %swap3A : i32 to index
    %swap3A_32 = arith.constant 16 : index
    %swap3A_33 = tpu.vector_load %arg6[%swap3A_31, %swap3A_32] {strides = array<i32>} : memref<2x128xi32, #tpu.memory_space<vmem>>, vector<1x16xi32>,
    %swap3A_34 = vector.shape_cast %swap3A_33 : vector<1x16xi32> to vector<16xi32>
    %swap3A_35 = vector.shape_cast %broadcast_in_dim3A_30 : vector<16xi32> to vector<1x16xi32>
    tpu.vector_store %arg6[%swap3A_31, %swap3A_32], %swap3A_35 {strides = array<i32>} : memref<2x128xi32, #tpu.memory_space<vmem>>, vector<1x16xi32>,
    %broadcast_in_dim3A_36 = arith.constant 10000 : i32
    %broadcast_in_dim3A_37 = vector.broadcast %broadcast_in_dim3A_36 : i32 to vector<16xi32>
    %swap3A_38 = arith.constant 0 : i32
    %swap3A_39 = arith.index_cast %swap3A_38 : i32 to index
    %swap3A_40 = arith.constant 32 : index
    %swap3A_41 = tpu.vector_load %arg6[%swap3A_39, %swap3A_40] {strides = array<i32>} : memref<2x128xi32, #tpu.memory_space<vmem>>, vector<1x16xi32>,
    %swap3A_42 = vector.shape_cast %swap3A_41 : vector<1x16xi32> to vector<16xi32>
    %swap3A_43 = vector.shape_cast %broadcast_in_dim3A_37 : vector<16xi32> to vector<1x16xi32>
    tpu.vector_store %arg6[%swap3A_39, %swap3A_40], %swap3A_43 {strides = array<i32>} : memref<2x128xi32, #tpu.memory_space<vmem>>, vector<1x16xi32>,
    %broadcast_in_dim3A_44 = arith.constant 10000 : i32
    %broadcast_in_dim3A_45 = vector.broadcast %broadcast_in_dim3A_44 : i32 to vector<16xi32>
    %swap3A_46 = arith.constant 0 : i32
    %swap3A_47 = arith.index_cast %swap3A_46 : i32 to index
    %swap3A_48 = arith.constant 48 : index
    %swap3A_49 = tpu.vector_load %arg6[%swap3A_47, %swap3A_48] {strides = array<i32>} : memref<2x128xi32, #tpu.memory_space<vmem>>, vector<1x16xi32>,
    %swap3A_50 = vector.shape_cast %swap3A_49 : vector<1x16xi32> to vector<16xi32>
    %swap3A_51 = vector.shape_cast %broadcast_in_dim3A_45 : vector<16xi32> to vector<1x16xi32>
    tpu.vector_store %arg6[%swap3A_47, %swap3A_48], %swap3A_51 {strides = array<i32>} : memref<2x128xi32, #tpu.memory_space<vmem>>, vector<1x16xi32>,
    %broadcast_in_dim3A_52 = arith.constant 10000 : i32
    %broadcast_in_dim3A_53 = vector.broadcast %broadcast_in_dim3A_52 : i32 to vector<16xi32>
    %swap3A_54 = arith.constant 0 : i32
    %swap3A_55 = arith.index_cast %swap3A_54 : i32 to index
    %swap3A_56 = arith.constant 64 : index
    %swap3A_57 = tpu.vector_load %arg6[%swap3A_55, %swap3A_56] {strides = array<i32>} : memref<2x128xi32, #tpu.memory_space<vmem>>, vector<1x16xi32>,
    %swap3A_58 = vector.shape_cast %swap3A_57 : vector<1x16xi32> to vector<16xi32>
    %swap3A_59 = vector.shape_cast %broadcast_in_dim3A_53 : vector<16xi32> to vector<1x16xi32>
    tpu.vector_store %arg6[%swap3A_55, %swap3A_56], %swap3A_59 {strides = array<i32>} : memref<2x128xi32, #tpu.memory_space<vmem>>, vector<1x16xi32>,
    %broadcast_in_dim3A_60 = arith.constant 10000 : i32
    %broadcast_in_dim3A_61 = vector.broadcast %broadcast_in_dim3A_60 : i32 to vector<16xi32>
    %swap3A_62 = arith.constant 0 : i32
    %swap3A_63 = arith.index_cast %swap3A_62 : i32 to index
    %swap3A_64 = arith.constant 80 : index
    %swap3A_65 = tpu.vector_load %arg6[%swap3A_63, %swap3A_64] {strides = array<i32>} : memref<2x128xi32, #tpu.memory_space<vmem>>, vector<1x16xi32>,
    %swap3A_66 = vector.shape_cast %swap3A_65 : vector<1x16xi32> to vector<16xi32>
    %swap3A_67 = vector.shape_cast %broadcast_in_dim3A_61 : vector<16xi32> to vector<1x16xi32>
    tpu.vector_store %arg6[%swap3A_63, %swap3A_64], %swap3A_67 {strides = array<i32>} : memref<2x128xi32, #tpu.memory_space<vmem>>, vector<1x16xi32>,
    %broadcast_in_dim3A_68 = arith.constant 10000 : i32
    %broadcast_in_dim3A_69 = vector.broadcast %broadcast_in_dim3A_68 : i32 to vector<16xi32>
    %swap3A_70 = arith.constant 0 : i32
    %swap3A_71 = arith.index_cast %swap3A_70 : i32 to index
    %swap3A_72 = arith.constant 96 : index
    %swap3A_73 = tpu.vector_load %arg6[%swap3A_71, %swap3A_72] {strides = array<i32>} : memref<2x128xi32, #tpu.memory_space<vmem>>, vector<1x16xi32>,
    %swap3A_74 = vector.shape_cast %swap3A_73 : vector<1x16xi32> to vector<16xi32>
    %swap3A_75 = vector.shape_cast %broadcast_in_dim3A_69 : vector<16xi32> to vector<1x16xi32>
    tpu.vector_store %arg6[%swap3A_71, %swap3A_72], %swap3A_75 {strides = array<i32>} : memref<2x128xi32, #tpu.memory_space<vmem>>, vector<1x16xi32>,
    %broadcast_in_dim3A_76 = arith.constant 10000 : i32
    %broadcast_in_dim3A_77 = vector.broadcast %broadcast_in_dim3A_76 : i32 to vector<16xi32>
    %swap3A_78 = arith.constant 0 : i32
    %swap3A_79 = arith.index_cast %swap3A_78 : i32 to index
    %swap3A_80 = arith.constant 112 : index
    %swap3A_81 = tpu.vector_load %arg6[%swap3A_79, %swap3A_80] {strides = array<i32>} : memref<2x128xi32, #tpu.memory_space<vmem>>, vector<1x16xi32>,
    %swap3A_82 = vector.shape_cast %swap3A_81 : vector<1x16xi32> to vector<16xi32>
    %swap3A_83 = vector.shape_cast %broadcast_in_dim3A_77 : vector<16xi32> to vector<1x16xi32>
    tpu.vector_store %arg6[%swap3A_79, %swap3A_80], %swap3A_83 {strides = array<i32>} : memref<2x128xi32, #tpu.memory_space<vmem>>, vector<1x16xi32>,
    %run_scoped3A_84 = arith.constant 0 : i32
    "tpu.region"() ({
      %run_scoped3A_92 = tpu.sem_alloc : memref<!tpu.dma_semaphore, #tpu.memory_space<semaphore_mem>>
      %dma_start3A_93 = arith.constant 0 : i32
      %dma_start3A_94 = tpu.memref_slice %arg6[%run_scoped3A_84, %dma_start3A_93] : memref<2x128xi32, #tpu.memory_space<vmem>> -> memref<1x128xi32, #tpu.memory_space<vmem>>
      %dma_start3A_95 = tpu.memref_squeeze %dma_start3A_94 : memref<1x128xi32, #tpu.memory_space<vmem>> -> memref<128xi32, #tpu.memory_space<vmem>>
      %dma_start3A_96 = arith.constant 0 : i32
      %dma_start3A_97 = arith.constant 0 : i32
      %dma_start3A_98 = tpu.memref_slice %arg8[%dma_start3A_96, %dma_start3A_97] : memref<10016x128xf32, #tpu.memory_space<vmem_shared>> -> memref<10016x128xf32, #tpu.memory_space<vmem_shared>>
      tpu.enqueue_indirect_dma source(%arg7 : memref<128x128xf32, #tpu.memory_space<vmem>>) target(%dma_start3A_98 : memref<10016x128xf32, #tpu.memory_space<vmem_shared>>) offsets(%dma_start3A_95 : memref<128xi32, #tpu.memory_space<vmem>>) semaphore(%run_scoped3A_92 : memref<!tpu.dma_semaphore, #tpu.memory_space<semaphore_mem>>) {add = true}
      %dma_wait3A = arith.constant 0 : i32
      %dma_wait3A_99 = tpu.memref_slice %arg6[%run_scoped3A_84, %dma_wait3A] : memref<2x128xi32, #tpu.memory_space<vmem>> -> memref<1x128xi32, #tpu.memory_space<vmem>>
      %dma_wait3A_100 = tpu.memref_squeeze %dma_wait3A_99 : memref<1x128xi32, #tpu.memory_space<vmem>> -> memref<128xi32, #tpu.memory_space<vmem>>
      %dma_wait3A_101 = arith.constant 0 : i32
      %dma_wait3A_102 = arith.constant 0 : i32
      %dma_wait3A_103 = tpu.memref_slice %arg8[%dma_wait3A_101, %dma_wait3A_102] : memref<10016x128xf32, #tpu.memory_space<vmem_shared>> -> memref<10016x128xf32, #tpu.memory_space<vmem_shared>>
      tpu.wait_indirect_dma semaphore(%run_scoped3A_92 : memref<!tpu.dma_semaphore, #tpu.memory_space<semaphore_mem>>) src(%arg7 : memref<128x128xf32, #tpu.memory_space<vmem>>) dst(%dma_wait3A_103 : memref<10016x128xf32, #tpu.memory_space<vmem_shared>>)
      tpu.yield
    }) : () -> ()
    %barrier3A_85 = arith.constant 0 : index
    tpu.barrier barrier_id(%barrier3A_85)
    %add3A_86 = arith.addi %multiple_of3A_8, %multiple_of3A_5 : i32
    "tpu.region"() ({
      %run_scoped3A_92 = tpu.sem_alloc : memref<!tpu.dma_semaphore, #tpu.memory_space<semaphore_mem>>
      %dma_start3A_93 = arith.constant 0 : i32
      %dma_start3A_94 = tpu.memref_slice %arg5[%add3A_86, %dma_start3A_93] : memref<20000x128xf32, #tpu.memory_space<hbm>> -> memref<624x128xf32, #tpu.memory_space<hbm>>
      %dma_start3A_95 = arith.constant 0 : i32
      %dma_start3A_96 = tpu.memref_slice %arg8[%multiple_of3A_5, %dma_start3A_95] : memref<10016x128xf32, #tpu.memory_space<vmem_shared>> -> memref<624x128xf32, #tpu.memory_space<vmem_shared>>
      tpu.enqueue_dma source(%dma_start3A_96 : memref<624x128xf32, #tpu.memory_space<vmem_shared>>) target(%dma_start3A_94 : memref<624x128xf32, #tpu.memory_space<hbm>>) target_semaphore(%run_scoped3A_92 : memref<!tpu.dma_semaphore, #tpu.memory_space<semaphore_mem>>)
      %dma_wait3A = arith.constant 0 : i32
      %dma_wait3A_97 = tpu.memref_slice %arg5[%add3A_86, %dma_wait3A] : memref<20000x128xf32, #tpu.memory_space<hbm>> -> memref<624x128xf32, #tpu.memory_space<hbm>>
      %dma_wait3A_98 = arith.constant 0 : i32
      %dma_wait3A_99 = tpu.memref_slice %arg8[%multiple_of3A_5, %dma_wait3A_98] : memref<10016x128xf32, #tpu.memory_space<vmem_shared>> -> memref<624x128xf32, #tpu.memory_space<vmem_shared>>
      tpu.wait_dma2 semaphore(%run_scoped3A_92 : memref<!tpu.dma_semaphore, #tpu.memory_space<semaphore_mem>>) src(%dma_wait3A_99 : memref<624x128xf32, #tpu.memory_space<vmem_shared>>) dst(%dma_wait3A_97 : memref<624x128xf32, #tpu.memory_space<hbm>>)
      tpu.yield
    }) : () -> ()
    %eq3A_87 = arith.constant 15 : i32
    %eq3A_88 = arith.cmpi eq, %arg1, %eq3A_87 : i32
    %convert_element_type3A_89 = arith.extui %eq3A_88 : i1 to i32
    %cond3A_90 = arith.constant 0 : i32
    %cond3A_91 = arith.cmpi ne, %convert_element_type3A_89, %cond3A_90 : i32
    scf.if %cond3A_91 {
      %add3A_92 = arith.constant 9984 : i32
      %add3A_93 = arith.addi %multiple_of3A_8, %add3A_92 : i32
      "tpu.region"() ({
        %run_scoped3A_94 = tpu.sem_alloc : memref<!tpu.dma_semaphore, #tpu.memory_space<semaphore_mem>>
        %dma_start3A_95 = arith.constant 0 : i32
        %dma_start3A_96 = tpu.memref_slice %arg5[%add3A_93, %dma_start3A_95] : memref<20000x128xf32, #tpu.memory_space<hbm>> -> memref<16x128xf32, #tpu.memory_space<hbm>>
        %dma_start3A_97 = arith.constant 9984 : i32
        %dma_start3A_98 = arith.constant 0 : i32
        %dma_start3A_99 = tpu.memref_slice %arg8[%dma_start3A_97, %dma_start3A_98] : memref<10016x128xf32, #tpu.memory_space<vmem_shared>> -> memref<16x128xf32, #tpu.memory_space<vmem_shared>>
        tpu.enqueue_dma source(%dma_start3A_99 : memref<16x128xf32, #tpu.memory_space<vmem_shared>>) target(%dma_start3A_96 : memref<16x128xf32, #tpu.memory_space<hbm>>) target_semaphore(%run_scoped3A_94 : memref<!tpu.dma_semaphore, #tpu.memory_space<semaphore_mem>>)
        %dma_wait3A = arith.constant 0 : i32
        %dma_wait3A_100 = tpu.memref_slice %arg5[%add3A_93, %dma_wait3A] : memref<20000x128xf32, #tpu.memory_space<hbm>> -> memref<16x128xf32, #tpu.memory_space<hbm>>
        %dma_wait3A_101 = arith.constant 9984 : i32
        %dma_wait3A_102 = arith.constant 0 : i32
        %dma_wait3A_103 = tpu.memref_slice %arg8[%dma_wait3A_101, %dma_wait3A_102] : memref<10016x128xf32, #tpu.memory_space<vmem_shared>> -> memref<16x128xf32, #tpu.memory_space<vmem_shared>>
        tpu.wait_dma2 semaphore(%run_scoped3A_94 : memref<!tpu.dma_semaphore, #tpu.memory_space<semaphore_mem>>) src(%dma_wait3A_103 : memref<16x128xf32, #tpu.memory_space<vmem_shared>>) dst(%dma_wait3A_100 : memref<16x128xf32, #tpu.memory_space<hbm>>)
        tpu.yield
      }) : () -> ()
    } else {
    }
    return
  }
}

#map = affine_map<(d0, d1) -> (0, 0)>
#map1 = affine_map<(d0, d1) -> (0)>
module attributes {stable_mosaic.version = 14 : i64} {
  func.func @k(%arg0: i32, %arg1: i32, %arg2: memref<320000x128xf32, #tpu.memory_space<hbm>>, %arg3: memref<320000xi32, #tpu.memory_space<hbm>>, %arg4: memref<10000x128xf32, #tpu.memory_space<hbm>>, %arg5: memref<20000x128xf32, #tpu.memory_space<hbm>>, %arg6: memref<2x128xi32, #tpu.memory_space<vmem>>, %arg7: memref<2x128x128xf32, #tpu.memory_space<vmem>>, %arg8: memref<10016x128xf32, #tpu.memory_space<vmem_shared>>, %arg9: memref<!tpu.dma_semaphore, #tpu.memory_space<semaphore_mem>>, %arg10: memref<!tpu.dma_semaphore, #tpu.memory_space<semaphore_mem>>) attributes {dimension_semantics = [#tpu.dimension_semantics<core_parallel>, #tpu.dimension_semantics<subcore_parallel>], iteration_bounds = array<i64: 2, 16>, scalar_prefetch = 0 : i64, scratch_operands = 5 : i64, tpu.core_type = #tpu.core_type<sc_vector_subcore>, window_params = [{transform_indices = #map}, {transform_indices = #map1}, {transform_indices = #map}, {transform_indices = #map}]} {
    %mul3A = arith.constant 2 : i32
    %mul3A_0 = arith.muli %arg1, %mul3A : i32
    %add3A = arith.addi %mul3A_0, %arg0 : i32
    %mul3A_1 = arith.constant 10000 : i32
    %mul3A_2 = arith.muli %add3A, %mul3A_1 : i32
    %multiple_of3A = tpu.assume_multiple %mul3A_2, 8 : i32
    %mul3A_3 = arith.constant 624 : i32
    %mul3A_4 = arith.muli %arg1, %mul3A_3 : i32
    %multiple_of3A_5 = tpu.assume_multiple %mul3A_4, 8 : i32
    %mul3A_6 = arith.constant 10000 : i32
    %mul3A_7 = arith.muli %arg0, %mul3A_6 : i32
    %multiple_of3A_8 = tpu.assume_multiple %mul3A_7, 8 : i32
    "tpu.region"() ({
      %run_scoped3A_107 = tpu.sem_alloc : memref<!tpu.dma_semaphore, #tpu.memory_space<semaphore_mem>>
      %dma_start3A_108 = arith.constant 0 : i32
      %dma_start3A_109 = tpu.memref_slice %arg8[%multiple_of3A_5, %dma_start3A_108] : memref<10016x128xf32, #tpu.memory_space<vmem_shared>> -> memref<624x128xf32, #tpu.memory_space<vmem_shared>>
      %dma_start3A_110 = arith.constant 0 : i32
      %dma_start3A_111 = tpu.memref_slice %arg4[%multiple_of3A_5, %dma_start3A_110] : memref<10000x128xf32, #tpu.memory_space<hbm>> -> memref<624x128xf32, #tpu.memory_space<hbm>>
      tpu.enqueue_dma source(%dma_start3A_111 : memref<624x128xf32, #tpu.memory_space<hbm>>) target(%dma_start3A_109 : memref<624x128xf32, #tpu.memory_space<vmem_shared>>) target_semaphore(%run_scoped3A_107 : memref<!tpu.dma_semaphore, #tpu.memory_space<semaphore_mem>>)
      %dma_wait3A = arith.constant 0 : i32
      %dma_wait3A_112 = tpu.memref_slice %arg8[%multiple_of3A_5, %dma_wait3A] : memref<10016x128xf32, #tpu.memory_space<vmem_shared>> -> memref<624x128xf32, #tpu.memory_space<vmem_shared>>
      %dma_wait3A_113 = arith.constant 0 : i32
      %dma_wait3A_114 = tpu.memref_slice %arg4[%multiple_of3A_5, %dma_wait3A_113] : memref<10000x128xf32, #tpu.memory_space<hbm>> -> memref<624x128xf32, #tpu.memory_space<hbm>>
      tpu.wait_dma2 semaphore(%run_scoped3A_107 : memref<!tpu.dma_semaphore, #tpu.memory_space<semaphore_mem>>) src(%dma_wait3A_114 : memref<624x128xf32, #tpu.memory_space<hbm>>) dst(%dma_wait3A_112 : memref<624x128xf32, #tpu.memory_space<vmem_shared>>)
      tpu.yield
    }) : () -> ()
    %eq3A = arith.constant 15 : i32
    %eq3A_9 = arith.cmpi eq, %arg1, %eq3A : i32
    %convert_element_type3A = arith.extui %eq3A_9 : i1 to i32
    %cond3A = arith.constant 0 : i32
    %cond3A_10 = arith.cmpi ne, %convert_element_type3A, %cond3A : i32
    scf.if %cond3A_10 {
      "tpu.region"() ({
        %run_scoped3A_107 = tpu.sem_alloc : memref<!tpu.dma_semaphore, #tpu.memory_space<semaphore_mem>>
        %dma_start3A_108 = arith.constant 9984 : i32
        %dma_start3A_109 = arith.constant 0 : i32
        %dma_start3A_110 = tpu.memref_slice %arg8[%dma_start3A_108, %dma_start3A_109] : memref<10016x128xf32, #tpu.memory_space<vmem_shared>> -> memref<16x128xf32, #tpu.memory_space<vmem_shared>>
        %dma_start3A_111 = arith.constant 9984 : i32
        %dma_start3A_112 = arith.constant 0 : i32
        %dma_start3A_113 = tpu.memref_slice %arg4[%dma_start3A_111, %dma_start3A_112] : memref<10000x128xf32, #tpu.memory_space<hbm>> -> memref<16x128xf32, #tpu.memory_space<hbm>>
        tpu.enqueue_dma source(%dma_start3A_113 : memref<16x128xf32, #tpu.memory_space<hbm>>) target(%dma_start3A_110 : memref<16x128xf32, #tpu.memory_space<vmem_shared>>) target_semaphore(%run_scoped3A_107 : memref<!tpu.dma_semaphore, #tpu.memory_space<semaphore_mem>>)
        %dma_wait3A = arith.constant 9984 : i32
        %dma_wait3A_114 = arith.constant 0 : i32
        %dma_wait3A_115 = tpu.memref_slice %arg8[%dma_wait3A, %dma_wait3A_114] : memref<10016x128xf32, #tpu.memory_space<vmem_shared>> -> memref<16x128xf32, #tpu.memory_space<vmem_shared>>
        %dma_wait3A_116 = arith.constant 9984 : i32
        %dma_wait3A_117 = arith.constant 0 : i32
        %dma_wait3A_118 = tpu.memref_slice %arg4[%dma_wait3A_116, %dma_wait3A_117] : memref<10000x128xf32, #tpu.memory_space<hbm>> -> memref<16x128xf32, #tpu.memory_space<hbm>>
        tpu.wait_dma2 semaphore(%run_scoped3A_107 : memref<!tpu.dma_semaphore, #tpu.memory_space<semaphore_mem>>) src(%dma_wait3A_118 : memref<16x128xf32, #tpu.memory_space<hbm>>) dst(%dma_wait3A_115 : memref<16x128xf32, #tpu.memory_space<vmem_shared>>)
        tpu.yield
      }) : () -> ()
    } else {
    }
    %barrier3A = arith.constant 0 : index
    tpu.barrier barrier_id(%barrier3A)
    %add3A_11 = arith.constant 0 : i32
    %add3A_12 = arith.addi %multiple_of3A, %add3A_11 : i32
    %multiple_of3A_13 = tpu.assume_multiple %add3A_12, 8 : i32
    %dma_start3A = arith.constant 0 : i32
    %dma_start3A_14 = arith.constant 0 : i32
    %dma_start3A_15 = tpu.memref_slice %arg6[%dma_start3A, %dma_start3A_14] : memref<2x128xi32, #tpu.memory_space<vmem>> -> memref<1x128xi32, #tpu.memory_space<vmem>>
    %dma_start3A_16 = tpu.memref_squeeze %dma_start3A_15 : memref<1x128xi32, #tpu.memory_space<vmem>> -> memref<128xi32, #tpu.memory_space<vmem>>
    %dma_start3A_17 = tpu.memref_slice %arg3[%multiple_of3A_13] : memref<320000xi32, #tpu.memory_space<hbm>> -> memref<128xi32, #tpu.memory_space<hbm>>
    %dma_start3A_18 = arith.constant 0 : i32
    %dma_start3A_19 = tpu.memref_slice %arg6[%dma_start3A, %dma_start3A_18] : memref<2x128xi32, #tpu.memory_space<vmem>> -> memref<1x128xi32, #tpu.memory_space<vmem>>
    %dma_start3A_20 = tpu.memref_squeeze %dma_start3A_19 : memref<1x128xi32, #tpu.memory_space<vmem>> -> memref<128xi32, #tpu.memory_space<vmem>>
    %dma_start3A_21 = tpu.memref_slice %arg3[%multiple_of3A_13] : memref<320000xi32, #tpu.memory_space<hbm>> -> memref<128xi32, #tpu.memory_space<hbm>>
    tpu.enqueue_dma source(%dma_start3A_21 : memref<128xi32, #tpu.memory_space<hbm>>) target(%dma_start3A_20 : memref<128xi32, #tpu.memory_space<vmem>>) target_semaphore(%arg9 : memref<!tpu.dma_semaphore, #tpu.memory_space<semaphore_mem>>)
    %dma_start3A_22 = arith.constant 0 : i32
    %dma_start3A_23 = arith.constant 0 : i32
    %dma_start3A_24 = arith.constant 0 : i32
    %dma_start3A_25 = tpu.memref_slice %arg7[%dma_start3A_22, %dma_start3A_23, %dma_start3A_24] : memref<2x128x128xf32, #tpu.memory_space<vmem>> -> memref<1x128x128xf32, #tpu.memory_space<vmem>>
    %dma_start3A_26 = tpu.memref_squeeze %dma_start3A_25 : memref<1x128x128xf32, #tpu.memory_space<vmem>> -> memref<128x128xf32, #tpu.memory_space<vmem>>
    %dma_start3A_27 = arith.constant 0 : i32
    %dma_start3A_28 = tpu.memref_slice %arg2[%multiple_of3A_13, %dma_start3A_27] : memref<320000x128xf32, #tpu.memory_space<hbm>> -> memref<128x128xf32, #tpu.memory_space<hbm>>
    %dma_start3A_29 = arith.constant 0 : i32
    %dma_start3A_30 = arith.constant 0 : i32
    %dma_start3A_31 = tpu.memref_slice %arg7[%dma_start3A_22, %dma_start3A_29, %dma_start3A_30] : memref<2x128x128xf32, #tpu.memory_space<vmem>> -> memref<1x128x128xf32, #tpu.memory_space<vmem>>
    %dma_start3A_32 = tpu.memref_squeeze %dma_start3A_31 : memref<1x128x128xf32, #tpu.memory_space<vmem>> -> memref<128x128xf32, #tpu.memory_space<vmem>>
    %dma_start3A_33 = arith.constant 0 : i32
    %dma_start3A_34 = tpu.memref_slice %arg2[%multiple_of3A_13, %dma_start3A_33] : memref<320000x128xf32, #tpu.memory_space<hbm>> -> memref<128x128xf32, #tpu.memory_space<hbm>>
    tpu.enqueue_dma source(%dma_start3A_34 : memref<128x128xf32, #tpu.memory_space<hbm>>) target(%dma_start3A_32 : memref<128x128xf32, #tpu.memory_space<vmem>>) target_semaphore(%arg9 : memref<!tpu.dma_semaphore, #tpu.memory_space<semaphore_mem>>)
    %scan3A = arith.constant 0 : i32
    %scan3A_35 = arith.constant 0 : i32
    %scan3A_36 = arith.constant 39 : i32
    %scan3A_37 = arith.addi %scan3A_35, %scan3A_36 : i32
    %scan3A_38 = arith.constant 1 : i32
    scf.for %scan3A_107 = %scan3A_35 to %scan3A_37 step %scan3A_38  : i32 {
      %mul3A_108 = arith.constant 2 : i32
      %mul3A_109 = arith.muli %mul3A_108, %scan3A_107 : i32
      %add3A_110 = arith.constant 1 : i32
      %add3A_111 = arith.addi %mul3A_109, %add3A_110 : i32
      %mul3A_112 = arith.constant 128 : i32
      %mul3A_113 = arith.muli %add3A_111, %mul3A_112 : i32
      %add3A_114 = arith.addi %multiple_of3A, %mul3A_113 : i32
      %multiple_of3A_115 = tpu.assume_multiple %add3A_114, 8 : i32
      %dma_start3A_116 = arith.constant 1 : i32
      %dma_start3A_117 = arith.constant 0 : i32
      %dma_start3A_118 = tpu.memref_slice %arg6[%dma_start3A_116, %dma_start3A_117] : memref<2x128xi32, #tpu.memory_space<vmem>> -> memref<1x128xi32, #tpu.memory_space<vmem>>
      %dma_start3A_119 = tpu.memref_squeeze %dma_start3A_118 : memref<1x128xi32, #tpu.memory_space<vmem>> -> memref<128xi32, #tpu.memory_space<vmem>>
      %dma_start3A_120 = tpu.memref_slice %arg3[%multiple_of3A_115] : memref<320000xi32, #tpu.memory_space<hbm>> -> memref<128xi32, #tpu.memory_space<hbm>>
      %dma_start3A_121 = arith.constant 0 : i32
      %dma_start3A_122 = tpu.memref_slice %arg6[%dma_start3A_116, %dma_start3A_121] : memref<2x128xi32, #tpu.memory_space<vmem>> -> memref<1x128xi32, #tpu.memory_space<vmem>>
      %dma_start3A_123 = tpu.memref_squeeze %dma_start3A_122 : memref<1x128xi32, #tpu.memory_space<vmem>> -> memref<128xi32, #tpu.memory_space<vmem>>
      %dma_start3A_124 = tpu.memref_slice %arg3[%multiple_of3A_115] : memref<320000xi32, #tpu.memory_space<hbm>> -> memref<128xi32, #tpu.memory_space<hbm>>
      tpu.enqueue_dma source(%dma_start3A_124 : memref<128xi32, #tpu.memory_space<hbm>>) target(%dma_start3A_123 : memref<128xi32, #tpu.memory_space<vmem>>) target_semaphore(%arg10 : memref<!tpu.dma_semaphore, #tpu.memory_space<semaphore_mem>>)
      %dma_start3A_125 = arith.constant 1 : i32
      %dma_start3A_126 = arith.constant 0 : i32
      %dma_start3A_127 = arith.constant 0 : i32
      %dma_start3A_128 = tpu.memref_slice %arg7[%dma_start3A_125, %dma_start3A_126, %dma_start3A_127] : memref<2x128x128xf32, #tpu.memory_space<vmem>> -> memref<1x128x128xf32, #tpu.memory_space<vmem>>
      %dma_start3A_129 = tpu.memref_squeeze %dma_start3A_128 : memref<1x128x128xf32, #tpu.memory_space<vmem>> -> memref<128x128xf32, #tpu.memory_space<vmem>>
      %dma_start3A_130 = arith.constant 0 : i32
      %dma_start3A_131 = tpu.memref_slice %arg2[%multiple_of3A_115, %dma_start3A_130] : memref<320000x128xf32, #tpu.memory_space<hbm>> -> memref<128x128xf32, #tpu.memory_space<hbm>>
      %dma_start3A_132 = arith.constant 0 : i32
      %dma_start3A_133 = arith.constant 0 : i32
      %dma_start3A_134 = tpu.memref_slice %arg7[%dma_start3A_125, %dma_start3A_132, %dma_start3A_133] : memref<2x128x128xf32, #tpu.memory_space<vmem>> -> memref<1x128x128xf32, #tpu.memory_space<vmem>>
      %dma_start3A_135 = tpu.memref_squeeze %dma_start3A_134 : memref<1x128x128xf32, #tpu.memory_space<vmem>> -> memref<128x128xf32, #tpu.memory_space<vmem>>
      %dma_start3A_136 = arith.constant 0 : i32
      %dma_start3A_137 = tpu.memref_slice %arg2[%multiple_of3A_115, %dma_start3A_136] : memref<320000x128xf32, #tpu.memory_space<hbm>> -> memref<128x128xf32, #tpu.memory_space<hbm>>
      tpu.enqueue_dma source(%dma_start3A_137 : memref<128x128xf32, #tpu.memory_space<hbm>>) target(%dma_start3A_135 : memref<128x128xf32, #tpu.memory_space<vmem>>) target_semaphore(%arg10 : memref<!tpu.dma_semaphore, #tpu.memory_space<semaphore_mem>>)
      %dma_wait3A = arith.constant 0 : i32
      %dma_wait3A_138 = arith.constant 0 : i32
      %dma_wait3A_139 = tpu.memref_slice %arg6[%dma_wait3A, %dma_wait3A_138] : memref<2x128xi32, #tpu.memory_space<vmem>> -> memref<1x128xi32, #tpu.memory_space<vmem>>
      %dma_wait3A_140 = tpu.memref_squeeze %dma_wait3A_139 : memref<1x128xi32, #tpu.memory_space<vmem>> -> memref<128xi32, #tpu.memory_space<vmem>>
      %dma_wait3A_141 = tpu.memref_slice %arg3[%multiple_of3A] : memref<320000xi32, #tpu.memory_space<hbm>> -> memref<128xi32, #tpu.memory_space<hbm>>
      %dma_wait3A_142 = arith.constant 0 : i32
      %dma_wait3A_143 = tpu.memref_slice %arg6[%dma_wait3A, %dma_wait3A_142] : memref<2x128xi32, #tpu.memory_space<vmem>> -> memref<1x128xi32, #tpu.memory_space<vmem>>
      %dma_wait3A_144 = tpu.memref_squeeze %dma_wait3A_143 : memref<1x128xi32, #tpu.memory_space<vmem>> -> memref<128xi32, #tpu.memory_space<vmem>>
      %dma_wait3A_145 = tpu.memref_slice %arg3[%multiple_of3A] : memref<320000xi32, #tpu.memory_space<hbm>> -> memref<128xi32, #tpu.memory_space<hbm>>
      tpu.wait_dma2 semaphore(%arg9 : memref<!tpu.dma_semaphore, #tpu.memory_space<semaphore_mem>>) src(%dma_wait3A_145 : memref<128xi32, #tpu.memory_space<hbm>>) dst(%dma_wait3A_144 : memref<128xi32, #tpu.memory_space<vmem>>)
      %dma_wait3A_146 = arith.constant 0 : i32
      %dma_wait3A_147 = arith.constant 0 : i32
      %dma_wait3A_148 = arith.constant 0 : i32
      %dma_wait3A_149 = tpu.memref_slice %arg7[%dma_wait3A_146, %dma_wait3A_147, %dma_wait3A_148] : memref<2x128x128xf32, #tpu.memory_space<vmem>> -> memref<1x128x128xf32, #tpu.memory_space<vmem>>
      %dma_wait3A_150 = tpu.memref_squeeze %dma_wait3A_149 : memref<1x128x128xf32, #tpu.memory_space<vmem>> -> memref<128x128xf32, #tpu.memory_space<vmem>>
      %dma_wait3A_151 = arith.constant 0 : i32
      %dma_wait3A_152 = tpu.memref_slice %arg2[%multiple_of3A, %dma_wait3A_151] : memref<320000x128xf32, #tpu.memory_space<hbm>> -> memref<128x128xf32, #tpu.memory_space<hbm>>
      %dma_wait3A_153 = arith.constant 0 : i32
      %dma_wait3A_154 = arith.constant 0 : i32
      %dma_wait3A_155 = tpu.memref_slice %arg7[%dma_wait3A_146, %dma_wait3A_153, %dma_wait3A_154] : memref<2x128x128xf32, #tpu.memory_space<vmem>> -> memref<1x128x128xf32, #tpu.memory_space<vmem>>
      %dma_wait3A_156 = tpu.memref_squeeze %dma_wait3A_155 : memref<1x128x128xf32, #tpu.memory_space<vmem>> -> memref<128x128xf32, #tpu.memory_space<vmem>>
      %dma_wait3A_157 = arith.constant 0 : i32
      %dma_wait3A_158 = tpu.memref_slice %arg2[%multiple_of3A, %dma_wait3A_157] : memref<320000x128xf32, #tpu.memory_space<hbm>> -> memref<128x128xf32, #tpu.memory_space<hbm>>
      tpu.wait_dma2 semaphore(%arg9 : memref<!tpu.dma_semaphore, #tpu.memory_space<semaphore_mem>>) src(%dma_wait3A_158 : memref<128x128xf32, #tpu.memory_space<hbm>>) dst(%dma_wait3A_156 : memref<128x128xf32, #tpu.memory_space<vmem>>)
      %run_scoped3A_159 = arith.constant 0 : i32
      %run_scoped3A_160 = arith.constant 0 : i32
      "tpu.region"() ({
        %run_scoped3A_189 = tpu.sem_alloc : memref<!tpu.dma_semaphore, #tpu.memory_space<semaphore_mem>>
        %dma_start3A_190 = arith.constant 0 : i32
        %dma_start3A_191 = arith.constant 0 : i32
        %dma_start3A_192 = tpu.memref_slice %arg7[%run_scoped3A_159, %dma_start3A_190, %dma_start3A_191] : memref<2x128x128xf32, #tpu.memory_space<vmem>> -> memref<1x128x128xf32, #tpu.memory_space<vmem>>
        %dma_start3A_193 = tpu.memref_squeeze %dma_start3A_192 : memref<1x128x128xf32, #tpu.memory_space<vmem>> -> memref<128x128xf32, #tpu.memory_space<vmem>>
        %dma_start3A_194 = arith.constant 0 : i32
        %dma_start3A_195 = tpu.memref_slice %arg6[%run_scoped3A_160, %dma_start3A_194] : memref<2x128xi32, #tpu.memory_space<vmem>> -> memref<1x128xi32, #tpu.memory_space<vmem>>
        %dma_start3A_196 = tpu.memref_squeeze %dma_start3A_195 : memref<1x128xi32, #tpu.memory_space<vmem>> -> memref<128xi32, #tpu.memory_space<vmem>>
        %dma_start3A_197 = arith.constant 0 : i32
        %dma_start3A_198 = arith.constant 0 : i32
        %dma_start3A_199 = tpu.memref_slice %arg8[%dma_start3A_197, %dma_start3A_198] : memref<10016x128xf32, #tpu.memory_space<vmem_shared>> -> memref<10016x128xf32, #tpu.memory_space<vmem_shared>>
        tpu.enqueue_indirect_dma source(%dma_start3A_193 : memref<128x128xf32, #tpu.memory_space<vmem>>) target(%dma_start3A_199 : memref<10016x128xf32, #tpu.memory_space<vmem_shared>>) offsets(%dma_start3A_196 : memref<128xi32, #tpu.memory_space<vmem>>) semaphore(%run_scoped3A_189 : memref<!tpu.dma_semaphore, #tpu.memory_space<semaphore_mem>>) {add = true}
        %dma_wait3A_200 = arith.constant 0 : i32
        %dma_wait3A_201 = arith.constant 0 : i32
        %dma_wait3A_202 = tpu.memref_slice %arg7[%run_scoped3A_159, %dma_wait3A_200, %dma_wait3A_201] : memref<2x128x128xf32, #tpu.memory_space<vmem>> -> memref<1x128x128xf32, #tpu.memory_space<vmem>>
        %dma_wait3A_203 = tpu.memref_squeeze %dma_wait3A_202 : memref<1x128x128xf32, #tpu.memory_space<vmem>> -> memref<128x128xf32, #tpu.memory_space<vmem>>
        %dma_wait3A_204 = arith.constant 0 : i32
        %dma_wait3A_205 = tpu.memref_slice %arg6[%run_scoped3A_160, %dma_wait3A_204] : memref<2x128xi32, #tpu.memory_space<vmem>> -> memref<1x128xi32, #tpu.memory_space<vmem>>
        %dma_wait3A_206 = tpu.memref_squeeze %dma_wait3A_205 : memref<1x128xi32, #tpu.memory_space<vmem>> -> memref<128xi32, #tpu.memory_space<vmem>>
        %dma_wait3A_207 = arith.constant 0 : i32
        %dma_wait3A_208 = arith.constant 0 : i32
        %dma_wait3A_209 = tpu.memref_slice %arg8[%dma_wait3A_207, %dma_wait3A_208] : memref<10016x128xf32, #tpu.memory_space<vmem_shared>> -> memref<10016x128xf32, #tpu.memory_space<vmem_shared>>
        tpu.wait_indirect_dma semaphore(%run_scoped3A_189 : memref<!tpu.dma_semaphore, #tpu.memory_space<semaphore_mem>>) src(%dma_wait3A_203 : memref<128x128xf32, #tpu.memory_space<vmem>>) dst(%dma_wait3A_209 : memref<10016x128xf32, #tpu.memory_space<vmem_shared>>)
        tpu.yield
      }) : () -> ()
      %lt3A = arith.constant 38 : i32
      %lt3A_161 = arith.cmpi slt, %scan3A_107, %lt3A : i32
      %convert_element_type3A_162 = arith.extui %lt3A_161 : i1 to i32
      %cond3A_163 = arith.constant 0 : i32
      %cond3A_164 = arith.cmpi ne, %convert_element_type3A_162, %cond3A_163 : i32
      scf.if %cond3A_164 {
        %add3A_189 = arith.constant 2 : i32
        %add3A_190 = arith.addi %mul3A_109, %add3A_189 : i32
        %mul3A_191 = arith.constant 128 : i32
        %mul3A_192 = arith.muli %add3A_190, %mul3A_191 : i32
        %add3A_193 = arith.addi %multiple_of3A, %mul3A_192 : i32
        %multiple_of3A_194 = tpu.assume_multiple %add3A_193, 8 : i32
        %dma_start3A_195 = arith.constant 0 : i32
        %dma_start3A_196 = arith.constant 0 : i32
        %dma_start3A_197 = tpu.memref_slice %arg6[%dma_start3A_195, %dma_start3A_196] : memref<2x128xi32, #tpu.memory_space<vmem>> -> memref<1x128xi32, #tpu.memory_space<vmem>>
        %dma_start3A_198 = tpu.memref_squeeze %dma_start3A_197 : memref<1x128xi32, #tpu.memory_space<vmem>> -> memref<128xi32, #tpu.memory_space<vmem>>
        %dma_start3A_199 = tpu.memref_slice %arg3[%multiple_of3A_194] : memref<320000xi32, #tpu.memory_space<hbm>> -> memref<128xi32, #tpu.memory_space<hbm>>
        %dma_start3A_200 = arith.constant 0 : i32
        %dma_start3A_201 = tpu.memref_slice %arg6[%dma_start3A_195, %dma_start3A_200] : memref<2x128xi32, #tpu.memory_space<vmem>> -> memref<1x128xi32, #tpu.memory_space<vmem>>
        %dma_start3A_202 = tpu.memref_squeeze %dma_start3A_201 : memref<1x128xi32, #tpu.memory_space<vmem>> -> memref<128xi32, #tpu.memory_space<vmem>>
        %dma_start3A_203 = tpu.memref_slice %arg3[%multiple_of3A_194] : memref<320000xi32, #tpu.memory_space<hbm>> -> memref<128xi32, #tpu.memory_space<hbm>>
        tpu.enqueue_dma source(%dma_start3A_203 : memref<128xi32, #tpu.memory_space<hbm>>) target(%dma_start3A_202 : memref<128xi32, #tpu.memory_space<vmem>>) target_semaphore(%arg9 : memref<!tpu.dma_semaphore, #tpu.memory_space<semaphore_mem>>)
        %dma_start3A_204 = arith.constant 0 : i32
        %dma_start3A_205 = arith.constant 0 : i32
        %dma_start3A_206 = arith.constant 0 : i32
        %dma_start3A_207 = tpu.memref_slice %arg7[%dma_start3A_204, %dma_start3A_205, %dma_start3A_206] : memref<2x128x128xf32, #tpu.memory_space<vmem>> -> memref<1x128x128xf32, #tpu.memory_space<vmem>>
        %dma_start3A_208 = tpu.memref_squeeze %dma_start3A_207 : memref<1x128x128xf32, #tpu.memory_space<vmem>> -> memref<128x128xf32, #tpu.memory_space<vmem>>
        %dma_start3A_209 = arith.constant 0 : i32
        %dma_start3A_210 = tpu.memref_slice %arg2[%multiple_of3A_194, %dma_start3A_209] : memref<320000x128xf32, #tpu.memory_space<hbm>> -> memref<128x128xf32, #tpu.memory_space<hbm>>
        %dma_start3A_211 = arith.constant 0 : i32
        %dma_start3A_212 = arith.constant 0 : i32
        %dma_start3A_213 = tpu.memref_slice %arg7[%dma_start3A_204, %dma_start3A_211, %dma_start3A_212] : memref<2x128x128xf32, #tpu.memory_space<vmem>> -> memref<1x128x128xf32, #tpu.memory_space<vmem>>
        %dma_start3A_214 = tpu.memref_squeeze %dma_start3A_213 : memref<1x128x128xf32, #tpu.memory_space<vmem>> -> memref<128x128xf32, #tpu.memory_space<vmem>>
        %dma_start3A_215 = arith.constant 0 : i32
        %dma_start3A_216 = tpu.memref_slice %arg2[%multiple_of3A_194, %dma_start3A_215] : memref<320000x128xf32, #tpu.memory_space<hbm>> -> memref<128x128xf32, #tpu.memory_space<hbm>>
        tpu.enqueue_dma source(%dma_start3A_216 : memref<128x128xf32, #tpu.memory_space<hbm>>) target(%dma_start3A_214 : memref<128x128xf32, #tpu.memory_space<vmem>>) target_semaphore(%arg9 : memref<!tpu.dma_semaphore, #tpu.memory_space<semaphore_mem>>)
      } else {
      }
      %dma_wait3A_165 = arith.constant 1 : i32
      %dma_wait3A_166 = arith.constant 0 : i32
      %dma_wait3A_167 = tpu.memref_slice %arg6[%dma_wait3A_165, %dma_wait3A_166] : memref<2x128xi32, #tpu.memory_space<vmem>> -> memref<1x128xi32, #tpu.memory_space<vmem>>
      %dma_wait3A_168 = tpu.memref_squeeze %dma_wait3A_167 : memref<1x128xi32, #tpu.memory_space<vmem>> -> memref<128xi32, #tpu.memory_space<vmem>>
      %dma_wait3A_169 = tpu.memref_slice %arg3[%multiple_of3A] : memref<320000xi32, #tpu.memory_space<hbm>> -> memref<128xi32, #tpu.memory_space<hbm>>
      %dma_wait3A_170 = arith.constant 0 : i32
      %dma_wait3A_171 = tpu.memref_slice %arg6[%dma_wait3A_165, %dma_wait3A_170] : memref<2x128xi32, #tpu.memory_space<vmem>> -> memref<1x128xi32, #tpu.memory_space<vmem>>
      %dma_wait3A_172 = tpu.memref_squeeze %dma_wait3A_171 : memref<1x128xi32, #tpu.memory_space<vmem>> -> memref<128xi32, #tpu.memory_space<vmem>>
      %dma_wait3A_173 = tpu.memref_slice %arg3[%multiple_of3A] : memref<320000xi32, #tpu.memory_space<hbm>> -> memref<128xi32, #tpu.memory_space<hbm>>
      tpu.wait_dma2 semaphore(%arg10 : memref<!tpu.dma_semaphore, #tpu.memory_space<semaphore_mem>>) src(%dma_wait3A_173 : memref<128xi32, #tpu.memory_space<hbm>>) dst(%dma_wait3A_172 : memref<128xi32, #tpu.memory_space<vmem>>)
      %dma_wait3A_174 = arith.constant 1 : i32
      %dma_wait3A_175 = arith.constant 0 : i32
      %dma_wait3A_176 = arith.constant 0 : i32
      %dma_wait3A_177 = tpu.memref_slice %arg7[%dma_wait3A_174, %dma_wait3A_175, %dma_wait3A_176] : memref<2x128x128xf32, #tpu.memory_space<vmem>> -> memref<1x128x128xf32, #tpu.memory_space<vmem>>
      %dma_wait3A_178 = tpu.memref_squeeze %dma_wait3A_177 : memref<1x128x128xf32, #tpu.memory_space<vmem>> -> memref<128x128xf32, #tpu.memory_space<vmem>>
      %dma_wait3A_179 = arith.constant 0 : i32
      %dma_wait3A_180 = tpu.memref_slice %arg2[%multiple_of3A, %dma_wait3A_179] : memref<320000x128xf32, #tpu.memory_space<hbm>> -> memref<128x128xf32, #tpu.memory_space<hbm>>
      %dma_wait3A_181 = arith.constant 0 : i32
      %dma_wait3A_182 = arith.constant 0 : i32
      %dma_wait3A_183 = tpu.memref_slice %arg7[%dma_wait3A_174, %dma_wait3A_181, %dma_wait3A_182] : memref<2x128x128xf32, #tpu.memory_space<vmem>> -> memref<1x128x128xf32, #tpu.memory_space<vmem>>
      %dma_wait3A_184 = tpu.memref_squeeze %dma_wait3A_183 : memref<1x128x128xf32, #tpu.memory_space<vmem>> -> memref<128x128xf32, #tpu.memory_space<vmem>>
      %dma_wait3A_185 = arith.constant 0 : i32
      %dma_wait3A_186 = tpu.memref_slice %arg2[%multiple_of3A, %dma_wait3A_185] : memref<320000x128xf32, #tpu.memory_space<hbm>> -> memref<128x128xf32, #tpu.memory_space<hbm>>
      tpu.wait_dma2 semaphore(%arg10 : memref<!tpu.dma_semaphore, #tpu.memory_space<semaphore_mem>>) src(%dma_wait3A_186 : memref<128x128xf32, #tpu.memory_space<hbm>>) dst(%dma_wait3A_184 : memref<128x128xf32, #tpu.memory_space<vmem>>)
      %run_scoped3A_187 = arith.constant 1 : i32
      %run_scoped3A_188 = arith.constant 1 : i32
      "tpu.region"() ({
        %run_scoped3A_189 = tpu.sem_alloc : memref<!tpu.dma_semaphore, #tpu.memory_space<semaphore_mem>>
        %dma_start3A_190 = arith.constant 0 : i32
        %dma_start3A_191 = arith.constant 0 : i32
        %dma_start3A_192 = tpu.memref_slice %arg7[%run_scoped3A_187, %dma_start3A_190, %dma_start3A_191] : memref<2x128x128xf32, #tpu.memory_space<vmem>> -> memref<1x128x128xf32, #tpu.memory_space<vmem>>
        %dma_start3A_193 = tpu.memref_squeeze %dma_start3A_192 : memref<1x128x128xf32, #tpu.memory_space<vmem>> -> memref<128x128xf32, #tpu.memory_space<vmem>>
        %dma_start3A_194 = arith.constant 0 : i32
        %dma_start3A_195 = tpu.memref_slice %arg6[%run_scoped3A_188, %dma_start3A_194] : memref<2x128xi32, #tpu.memory_space<vmem>> -> memref<1x128xi32, #tpu.memory_space<vmem>>
        %dma_start3A_196 = tpu.memref_squeeze %dma_start3A_195 : memref<1x128xi32, #tpu.memory_space<vmem>> -> memref<128xi32, #tpu.memory_space<vmem>>
        %dma_start3A_197 = arith.constant 0 : i32
        %dma_start3A_198 = arith.constant 0 : i32
        %dma_start3A_199 = tpu.memref_slice %arg8[%dma_start3A_197, %dma_start3A_198] : memref<10016x128xf32, #tpu.memory_space<vmem_shared>> -> memref<10016x128xf32, #tpu.memory_space<vmem_shared>>
        tpu.enqueue_indirect_dma source(%dma_start3A_193 : memref<128x128xf32, #tpu.memory_space<vmem>>) target(%dma_start3A_199 : memref<10016x128xf32, #tpu.memory_space<vmem_shared>>) offsets(%dma_start3A_196 : memref<128xi32, #tpu.memory_space<vmem>>) semaphore(%run_scoped3A_189 : memref<!tpu.dma_semaphore, #tpu.memory_space<semaphore_mem>>) {add = true}
        %dma_wait3A_200 = arith.constant 0 : i32
        %dma_wait3A_201 = arith.constant 0 : i32
        %dma_wait3A_202 = tpu.memref_slice %arg7[%run_scoped3A_187, %dma_wait3A_200, %dma_wait3A_201] : memref<2x128x128xf32, #tpu.memory_space<vmem>> -> memref<1x128x128xf32, #tpu.memory_space<vmem>>
        %dma_wait3A_203 = tpu.memref_squeeze %dma_wait3A_202 : memref<1x128x128xf32, #tpu.memory_space<vmem>> -> memref<128x128xf32, #tpu.memory_space<vmem>>
        %dma_wait3A_204 = arith.constant 0 : i32
        %dma_wait3A_205 = tpu.memref_slice %arg6[%run_scoped3A_188, %dma_wait3A_204] : memref<2x128xi32, #tpu.memory_space<vmem>> -> memref<1x128xi32, #tpu.memory_space<vmem>>
        %dma_wait3A_206 = tpu.memref_squeeze %dma_wait3A_205 : memref<1x128xi32, #tpu.memory_space<vmem>> -> memref<128xi32, #tpu.memory_space<vmem>>
        %dma_wait3A_207 = arith.constant 0 : i32
        %dma_wait3A_208 = arith.constant 0 : i32
        %dma_wait3A_209 = tpu.memref_slice %arg8[%dma_wait3A_207, %dma_wait3A_208] : memref<10016x128xf32, #tpu.memory_space<vmem_shared>> -> memref<10016x128xf32, #tpu.memory_space<vmem_shared>>
        tpu.wait_indirect_dma semaphore(%run_scoped3A_189 : memref<!tpu.dma_semaphore, #tpu.memory_space<semaphore_mem>>) src(%dma_wait3A_203 : memref<128x128xf32, #tpu.memory_space<vmem>>) dst(%dma_wait3A_209 : memref<10016x128xf32, #tpu.memory_space<vmem_shared>>)
        tpu.yield
      }) : () -> ()
    }
    %scan3A_39 = arith.constant 39 : i32
    %add3A_40 = arith.constant 9984 : i32
    %add3A_41 = arith.addi %multiple_of3A, %add3A_40 : i32
    %multiple_of3A_42 = tpu.assume_multiple %add3A_41, 8 : i32
    %run_scoped3A = arith.constant 0 : i32
    "tpu.region"() ({
      %run_scoped3A_107 = tpu.sem_alloc : memref<!tpu.dma_semaphore, #tpu.memory_space<semaphore_mem>>
      %dma_start3A_108 = arith.constant 0 : i32
      %dma_start3A_109 = tpu.memref_slice %arg6[%run_scoped3A, %dma_start3A_108] : memref<2x128xi32, #tpu.memory_space<vmem>> -> memref<1x16xi32, #tpu.memory_space<vmem>>
      %dma_start3A_110 = tpu.memref_squeeze %dma_start3A_109 : memref<1x16xi32, #tpu.memory_space<vmem>> -> memref<16xi32, #tpu.memory_space<vmem>>
      %dma_start3A_111 = tpu.memref_slice %arg3[%multiple_of3A_42] : memref<320000xi32, #tpu.memory_space<hbm>> -> memref<16xi32, #tpu.memory_space<hbm>>
      %dma_start3A_112 = arith.constant 0 : i32
      %dma_start3A_113 = tpu.memref_slice %arg6[%run_scoped3A, %dma_start3A_112] : memref<2x128xi32, #tpu.memory_space<vmem>> -> memref<1x16xi32, #tpu.memory_space<vmem>>
      %dma_start3A_114 = tpu.memref_squeeze %dma_start3A_113 : memref<1x16xi32, #tpu.memory_space<vmem>> -> memref<16xi32, #tpu.memory_space<vmem>>
      %dma_start3A_115 = tpu.memref_slice %arg3[%multiple_of3A_42] : memref<320000xi32, #tpu.memory_space<hbm>> -> memref<16xi32, #tpu.memory_space<hbm>>
      tpu.enqueue_dma source(%dma_start3A_115 : memref<16xi32, #tpu.memory_space<hbm>>) target(%dma_start3A_114 : memref<16xi32, #tpu.memory_space<vmem>>) target_semaphore(%run_scoped3A_107 : memref<!tpu.dma_semaphore, #tpu.memory_space<semaphore_mem>>)
      %dma_wait3A = arith.constant 0 : i32
      %dma_wait3A_116 = tpu.memref_slice %arg6[%run_scoped3A, %dma_wait3A] : memref<2x128xi32, #tpu.memory_space<vmem>> -> memref<1x16xi32, #tpu.memory_space<vmem>>
      %dma_wait3A_117 = tpu.memref_squeeze %dma_wait3A_116 : memref<1x16xi32, #tpu.memory_space<vmem>> -> memref<16xi32, #tpu.memory_space<vmem>>
      %dma_wait3A_118 = tpu.memref_slice %arg3[%multiple_of3A_42] : memref<320000xi32, #tpu.memory_space<hbm>> -> memref<16xi32, #tpu.memory_space<hbm>>
      %dma_wait3A_119 = arith.constant 0 : i32
      %dma_wait3A_120 = tpu.memref_slice %arg6[%run_scoped3A, %dma_wait3A_119] : memref<2x128xi32, #tpu.memory_space<vmem>> -> memref<1x16xi32, #tpu.memory_space<vmem>>
      %dma_wait3A_121 = tpu.memref_squeeze %dma_wait3A_120 : memref<1x16xi32, #tpu.memory_space<vmem>> -> memref<16xi32, #tpu.memory_space<vmem>>
      %dma_wait3A_122 = tpu.memref_slice %arg3[%multiple_of3A_42] : memref<320000xi32, #tpu.memory_space<hbm>> -> memref<16xi32, #tpu.memory_space<hbm>>
      tpu.wait_dma2 semaphore(%run_scoped3A_107 : memref<!tpu.dma_semaphore, #tpu.memory_space<semaphore_mem>>) src(%dma_wait3A_122 : memref<16xi32, #tpu.memory_space<hbm>>) dst(%dma_wait3A_121 : memref<16xi32, #tpu.memory_space<vmem>>)
      tpu.yield
    }) : () -> ()
    %run_scoped3A_43 = arith.constant 0 : i32
    "tpu.region"() ({
      %run_scoped3A_107 = tpu.sem_alloc : memref<!tpu.dma_semaphore, #tpu.memory_space<semaphore_mem>>
      %dma_start3A_108 = arith.constant 0 : i32
      %dma_start3A_109 = arith.constant 0 : i32
      %dma_start3A_110 = tpu.memref_slice %arg7[%run_scoped3A_43, %dma_start3A_108, %dma_start3A_109] : memref<2x128x128xf32, #tpu.memory_space<vmem>> -> memref<1x16x128xf32, #tpu.memory_space<vmem>>
      %dma_start3A_111 = tpu.memref_squeeze %dma_start3A_110 : memref<1x16x128xf32, #tpu.memory_space<vmem>> -> memref<16x128xf32, #tpu.memory_space<vmem>>
      %dma_start3A_112 = arith.constant 0 : i32
      %dma_start3A_113 = tpu.memref_slice %arg2[%multiple_of3A_42, %dma_start3A_112] : memref<320000x128xf32, #tpu.memory_space<hbm>> -> memref<16x128xf32, #tpu.memory_space<hbm>>
      %dma_start3A_114 = arith.constant 0 : i32
      %dma_start3A_115 = arith.constant 0 : i32
      %dma_start3A_116 = tpu.memref_slice %arg7[%run_scoped3A_43, %dma_start3A_114, %dma_start3A_115] : memref<2x128x128xf32, #tpu.memory_space<vmem>> -> memref<1x16x128xf32, #tpu.memory_space<vmem>>
      %dma_start3A_117 = tpu.memref_squeeze %dma_start3A_116 : memref<1x16x128xf32, #tpu.memory_space<vmem>> -> memref<16x128xf32, #tpu.memory_space<vmem>>
      %dma_start3A_118 = arith.constant 0 : i32
      %dma_start3A_119 = tpu.memref_slice %arg2[%multiple_of3A_42, %dma_start3A_118] : memref<320000x128xf32, #tpu.memory_space<hbm>> -> memref<16x128xf32, #tpu.memory_space<hbm>>
      tpu.enqueue_dma source(%dma_start3A_119 : memref<16x128xf32, #tpu.memory_space<hbm>>) target(%dma_start3A_117 : memref<16x128xf32, #tpu.memory_space<vmem>>) target_semaphore(%run_scoped3A_107 : memref<!tpu.dma_semaphore, #tpu.memory_space<semaphore_mem>>)
      %dma_wait3A = arith.constant 0 : i32
      %dma_wait3A_120 = arith.constant 0 : i32
      %dma_wait3A_121 = tpu.memref_slice %arg7[%run_scoped3A_43, %dma_wait3A, %dma_wait3A_120] : memref<2x128x128xf32, #tpu.memory_space<vmem>> -> memref<1x16x128xf32, #tpu.memory_space<vmem>>
      %dma_wait3A_122 = tpu.memref_squeeze %dma_wait3A_121 : memref<1x16x128xf32, #tpu.memory_space<vmem>> -> memref<16x128xf32, #tpu.memory_space<vmem>>
      %dma_wait3A_123 = arith.constant 0 : i32
      %dma_wait3A_124 = tpu.memref_slice %arg2[%multiple_of3A_42, %dma_wait3A_123] : memref<320000x128xf32, #tpu.memory_space<hbm>> -> memref<16x128xf32, #tpu.memory_space<hbm>>
      %dma_wait3A_125 = arith.constant 0 : i32
      %dma_wait3A_126 = arith.constant 0 : i32
      %dma_wait3A_127 = tpu.memref_slice %arg7[%run_scoped3A_43, %dma_wait3A_125, %dma_wait3A_126] : memref<2x128x128xf32, #tpu.memory_space<vmem>> -> memref<1x16x128xf32, #tpu.memory_space<vmem>>
      %dma_wait3A_128 = tpu.memref_squeeze %dma_wait3A_127 : memref<1x16x128xf32, #tpu.memory_space<vmem>> -> memref<16x128xf32, #tpu.memory_space<vmem>>
      %dma_wait3A_129 = arith.constant 0 : i32
      %dma_wait3A_130 = tpu.memref_slice %arg2[%multiple_of3A_42, %dma_wait3A_129] : memref<320000x128xf32, #tpu.memory_space<hbm>> -> memref<16x128xf32, #tpu.memory_space<hbm>>
      tpu.wait_dma2 semaphore(%run_scoped3A_107 : memref<!tpu.dma_semaphore, #tpu.memory_space<semaphore_mem>>) src(%dma_wait3A_130 : memref<16x128xf32, #tpu.memory_space<hbm>>) dst(%dma_wait3A_128 : memref<16x128xf32, #tpu.memory_space<vmem>>)
      tpu.yield
    }) : () -> ()
    %broadcast_in_dim3A = arith.constant 10000 : i32
    %broadcast_in_dim3A_44 = vector.broadcast %broadcast_in_dim3A : i32 to vector<16xi32>
    %swap3A = arith.constant 0 : i32
    %swap3A_45 = arith.index_cast %swap3A : i32 to index
    %swap3A_46 = arith.constant 16 : index
    %swap3A_47 = tpu.vector_load %arg6[%swap3A_45, %swap3A_46] {strides = array<i32>} : memref<2x128xi32, #tpu.memory_space<vmem>>, vector<1x16xi32>,
    %swap3A_48 = vector.shape_cast %swap3A_47 : vector<1x16xi32> to vector<16xi32>
    %swap3A_49 = vector.shape_cast %broadcast_in_dim3A_44 : vector<16xi32> to vector<1x16xi32>
    tpu.vector_store %arg6[%swap3A_45, %swap3A_46], %swap3A_49 {strides = array<i32>} : memref<2x128xi32, #tpu.memory_space<vmem>>, vector<1x16xi32>,
    %broadcast_in_dim3A_50 = arith.constant 10000 : i32
    %broadcast_in_dim3A_51 = vector.broadcast %broadcast_in_dim3A_50 : i32 to vector<16xi32>
    %swap3A_52 = arith.constant 0 : i32
    %swap3A_53 = arith.index_cast %swap3A_52 : i32 to index
    %swap3A_54 = arith.constant 32 : index
    %swap3A_55 = tpu.vector_load %arg6[%swap3A_53, %swap3A_54] {strides = array<i32>} : memref<2x128xi32, #tpu.memory_space<vmem>>, vector<1x16xi32>,
    %swap3A_56 = vector.shape_cast %swap3A_55 : vector<1x16xi32> to vector<16xi32>
    %swap3A_57 = vector.shape_cast %broadcast_in_dim3A_51 : vector<16xi32> to vector<1x16xi32>
    tpu.vector_store %arg6[%swap3A_53, %swap3A_54], %swap3A_57 {strides = array<i32>} : memref<2x128xi32, #tpu.memory_space<vmem>>, vector<1x16xi32>,
    %broadcast_in_dim3A_58 = arith.constant 10000 : i32
    %broadcast_in_dim3A_59 = vector.broadcast %broadcast_in_dim3A_58 : i32 to vector<16xi32>
    %swap3A_60 = arith.constant 0 : i32
    %swap3A_61 = arith.index_cast %swap3A_60 : i32 to index
    %swap3A_62 = arith.constant 48 : index
    %swap3A_63 = tpu.vector_load %arg6[%swap3A_61, %swap3A_62] {strides = array<i32>} : memref<2x128xi32, #tpu.memory_space<vmem>>, vector<1x16xi32>,
    %swap3A_64 = vector.shape_cast %swap3A_63 : vector<1x16xi32> to vector<16xi32>
    %swap3A_65 = vector.shape_cast %broadcast_in_dim3A_59 : vector<16xi32> to vector<1x16xi32>
    tpu.vector_store %arg6[%swap3A_61, %swap3A_62], %swap3A_65 {strides = array<i32>} : memref<2x128xi32, #tpu.memory_space<vmem>>, vector<1x16xi32>,
    %broadcast_in_dim3A_66 = arith.constant 10000 : i32
    %broadcast_in_dim3A_67 = vector.broadcast %broadcast_in_dim3A_66 : i32 to vector<16xi32>
    %swap3A_68 = arith.constant 0 : i32
    %swap3A_69 = arith.index_cast %swap3A_68 : i32 to index
    %swap3A_70 = arith.constant 64 : index
    %swap3A_71 = tpu.vector_load %arg6[%swap3A_69, %swap3A_70] {strides = array<i32>} : memref<2x128xi32, #tpu.memory_space<vmem>>, vector<1x16xi32>,
    %swap3A_72 = vector.shape_cast %swap3A_71 : vector<1x16xi32> to vector<16xi32>
    %swap3A_73 = vector.shape_cast %broadcast_in_dim3A_67 : vector<16xi32> to vector<1x16xi32>
    tpu.vector_store %arg6[%swap3A_69, %swap3A_70], %swap3A_73 {strides = array<i32>} : memref<2x128xi32, #tpu.memory_space<vmem>>, vector<1x16xi32>,
    %broadcast_in_dim3A_74 = arith.constant 10000 : i32
    %broadcast_in_dim3A_75 = vector.broadcast %broadcast_in_dim3A_74 : i32 to vector<16xi32>
    %swap3A_76 = arith.constant 0 : i32
    %swap3A_77 = arith.index_cast %swap3A_76 : i32 to index
    %swap3A_78 = arith.constant 80 : index
    %swap3A_79 = tpu.vector_load %arg6[%swap3A_77, %swap3A_78] {strides = array<i32>} : memref<2x128xi32, #tpu.memory_space<vmem>>, vector<1x16xi32>,
    %swap3A_80 = vector.shape_cast %swap3A_79 : vector<1x16xi32> to vector<16xi32>
    %swap3A_81 = vector.shape_cast %broadcast_in_dim3A_75 : vector<16xi32> to vector<1x16xi32>
    tpu.vector_store %arg6[%swap3A_77, %swap3A_78], %swap3A_81 {strides = array<i32>} : memref<2x128xi32, #tpu.memory_space<vmem>>, vector<1x16xi32>,
    %broadcast_in_dim3A_82 = arith.constant 10000 : i32
    %broadcast_in_dim3A_83 = vector.broadcast %broadcast_in_dim3A_82 : i32 to vector<16xi32>
    %swap3A_84 = arith.constant 0 : i32
    %swap3A_85 = arith.index_cast %swap3A_84 : i32 to index
    %swap3A_86 = arith.constant 96 : index
    %swap3A_87 = tpu.vector_load %arg6[%swap3A_85, %swap3A_86] {strides = array<i32>} : memref<2x128xi32, #tpu.memory_space<vmem>>, vector<1x16xi32>,
    %swap3A_88 = vector.shape_cast %swap3A_87 : vector<1x16xi32> to vector<16xi32>
    %swap3A_89 = vector.shape_cast %broadcast_in_dim3A_83 : vector<16xi32> to vector<1x16xi32>
    tpu.vector_store %arg6[%swap3A_85, %swap3A_86], %swap3A_89 {strides = array<i32>} : memref<2x128xi32, #tpu.memory_space<vmem>>, vector<1x16xi32>,
    %broadcast_in_dim3A_90 = arith.constant 10000 : i32
    %broadcast_in_dim3A_91 = vector.broadcast %broadcast_in_dim3A_90 : i32 to vector<16xi32>
    %swap3A_92 = arith.constant 0 : i32
    %swap3A_93 = arith.index_cast %swap3A_92 : i32 to index
    %swap3A_94 = arith.constant 112 : index
    %swap3A_95 = tpu.vector_load %arg6[%swap3A_93, %swap3A_94] {strides = array<i32>} : memref<2x128xi32, #tpu.memory_space<vmem>>, vector<1x16xi32>,
    %swap3A_96 = vector.shape_cast %swap3A_95 : vector<1x16xi32> to vector<16xi32>
    %swap3A_97 = vector.shape_cast %broadcast_in_dim3A_91 : vector<16xi32> to vector<1x16xi32>
    tpu.vector_store %arg6[%swap3A_93, %swap3A_94], %swap3A_97 {strides = array<i32>} : memref<2x128xi32, #tpu.memory_space<vmem>>, vector<1x16xi32>,
    %run_scoped3A_98 = arith.constant 0 : i32
    %run_scoped3A_99 = arith.constant 0 : i32
    "tpu.region"() ({
      %run_scoped3A_107 = tpu.sem_alloc : memref<!tpu.dma_semaphore, #tpu.memory_space<semaphore_mem>>
      %dma_start3A_108 = arith.constant 0 : i32
      %dma_start3A_109 = arith.constant 0 : i32
      %dma_start3A_110 = tpu.memref_slice %arg7[%run_scoped3A_98, %dma_start3A_108, %dma_start3A_109] : memref<2x128x128xf32, #tpu.memory_space<vmem>> -> memref<1x128x128xf32, #tpu.memory_space<vmem>>
      %dma_start3A_111 = tpu.memref_squeeze %dma_start3A_110 : memref<1x128x128xf32, #tpu.memory_space<vmem>> -> memref<128x128xf32, #tpu.memory_space<vmem>>
      %dma_start3A_112 = arith.constant 0 : i32
      %dma_start3A_113 = tpu.memref_slice %arg6[%run_scoped3A_99, %dma_start3A_112] : memref<2x128xi32, #tpu.memory_space<vmem>> -> memref<1x128xi32, #tpu.memory_space<vmem>>
      %dma_start3A_114 = tpu.memref_squeeze %dma_start3A_113 : memref<1x128xi32, #tpu.memory_space<vmem>> -> memref<128xi32, #tpu.memory_space<vmem>>
      %dma_start3A_115 = arith.constant 0 : i32
      %dma_start3A_116 = arith.constant 0 : i32
      %dma_start3A_117 = tpu.memref_slice %arg8[%dma_start3A_115, %dma_start3A_116] : memref<10016x128xf32, #tpu.memory_space<vmem_shared>> -> memref<10016x128xf32, #tpu.memory_space<vmem_shared>>
      tpu.enqueue_indirect_dma source(%dma_start3A_111 : memref<128x128xf32, #tpu.memory_space<vmem>>) target(%dma_start3A_117 : memref<10016x128xf32, #tpu.memory_space<vmem_shared>>) offsets(%dma_start3A_114 : memref<128xi32, #tpu.memory_space<vmem>>) semaphore(%run_scoped3A_107 : memref<!tpu.dma_semaphore, #tpu.memory_space<semaphore_mem>>) {add = true}
      %dma_wait3A = arith.constant 0 : i32
      %dma_wait3A_118 = arith.constant 0 : i32
      %dma_wait3A_119 = tpu.memref_slice %arg7[%run_scoped3A_98, %dma_wait3A, %dma_wait3A_118] : memref<2x128x128xf32, #tpu.memory_space<vmem>> -> memref<1x128x128xf32, #tpu.memory_space<vmem>>
      %dma_wait3A_120 = tpu.memref_squeeze %dma_wait3A_119 : memref<1x128x128xf32, #tpu.memory_space<vmem>> -> memref<128x128xf32, #tpu.memory_space<vmem>>
      %dma_wait3A_121 = arith.constant 0 : i32
      %dma_wait3A_122 = tpu.memref_slice %arg6[%run_scoped3A_99, %dma_wait3A_121] : memref<2x128xi32, #tpu.memory_space<vmem>> -> memref<1x128xi32, #tpu.memory_space<vmem>>
      %dma_wait3A_123 = tpu.memref_squeeze %dma_wait3A_122 : memref<1x128xi32, #tpu.memory_space<vmem>> -> memref<128xi32, #tpu.memory_space<vmem>>
      %dma_wait3A_124 = arith.constant 0 : i32
      %dma_wait3A_125 = arith.constant 0 : i32
      %dma_wait3A_126 = tpu.memref_slice %arg8[%dma_wait3A_124, %dma_wait3A_125] : memref<10016x128xf32, #tpu.memory_space<vmem_shared>> -> memref<10016x128xf32, #tpu.memory_space<vmem_shared>>
      tpu.wait_indirect_dma semaphore(%run_scoped3A_107 : memref<!tpu.dma_semaphore, #tpu.memory_space<semaphore_mem>>) src(%dma_wait3A_120 : memref<128x128xf32, #tpu.memory_space<vmem>>) dst(%dma_wait3A_126 : memref<10016x128xf32, #tpu.memory_space<vmem_shared>>)
      tpu.yield
    }) : () -> ()
    %barrier3A_100 = arith.constant 0 : index
    tpu.barrier barrier_id(%barrier3A_100)
    %add3A_101 = arith.addi %multiple_of3A_8, %multiple_of3A_5 : i32
    "tpu.region"() ({
      %run_scoped3A_107 = tpu.sem_alloc : memref<!tpu.dma_semaphore, #tpu.memory_space<semaphore_mem>>
      %dma_start3A_108 = arith.constant 0 : i32
      %dma_start3A_109 = tpu.memref_slice %arg5[%add3A_101, %dma_start3A_108] : memref<20000x128xf32, #tpu.memory_space<hbm>> -> memref<624x128xf32, #tpu.memory_space<hbm>>
      %dma_start3A_110 = arith.constant 0 : i32
      %dma_start3A_111 = tpu.memref_slice %arg8[%multiple_of3A_5, %dma_start3A_110] : memref<10016x128xf32, #tpu.memory_space<vmem_shared>> -> memref<624x128xf32, #tpu.memory_space<vmem_shared>>
      tpu.enqueue_dma source(%dma_start3A_111 : memref<624x128xf32, #tpu.memory_space<vmem_shared>>) target(%dma_start3A_109 : memref<624x128xf32, #tpu.memory_space<hbm>>) target_semaphore(%run_scoped3A_107 : memref<!tpu.dma_semaphore, #tpu.memory_space<semaphore_mem>>)
      %dma_wait3A = arith.constant 0 : i32
      %dma_wait3A_112 = tpu.memref_slice %arg5[%add3A_101, %dma_wait3A] : memref<20000x128xf32, #tpu.memory_space<hbm>> -> memref<624x128xf32, #tpu.memory_space<hbm>>
      %dma_wait3A_113 = arith.constant 0 : i32
      %dma_wait3A_114 = tpu.memref_slice %arg8[%multiple_of3A_5, %dma_wait3A_113] : memref<10016x128xf32, #tpu.memory_space<vmem_shared>> -> memref<624x128xf32, #tpu.memory_space<vmem_shared>>
      tpu.wait_dma2 semaphore(%run_scoped3A_107 : memref<!tpu.dma_semaphore, #tpu.memory_space<semaphore_mem>>) src(%dma_wait3A_114 : memref<624x128xf32, #tpu.memory_space<vmem_shared>>) dst(%dma_wait3A_112 : memref<624x128xf32, #tpu.memory_space<hbm>>)
      tpu.yield
    }) : () -> ()
    %eq3A_102 = arith.constant 15 : i32
    %eq3A_103 = arith.cmpi eq, %arg1, %eq3A_102 : i32
    %convert_element_type3A_104 = arith.extui %eq3A_103 : i1 to i32
    %cond3A_105 = arith.constant 0 : i32
    %cond3A_106 = arith.cmpi ne, %convert_element_type3A_104, %cond3A_105 : i32
    scf.if %cond3A_106 {
      %add3A_107 = arith.constant 9984 : i32
      %add3A_108 = arith.addi %multiple_of3A_8, %add3A_107 : i32
      "tpu.region"() ({
        %run_scoped3A_109 = tpu.sem_alloc : memref<!tpu.dma_semaphore, #tpu.memory_space<semaphore_mem>>
        %dma_start3A_110 = arith.constant 0 : i32
        %dma_start3A_111 = tpu.memref_slice %arg5[%add3A_108, %dma_start3A_110] : memref<20000x128xf32, #tpu.memory_space<hbm>> -> memref<16x128xf32, #tpu.memory_space<hbm>>
        %dma_start3A_112 = arith.constant 9984 : i32
        %dma_start3A_113 = arith.constant 0 : i32
        %dma_start3A_114 = tpu.memref_slice %arg8[%dma_start3A_112, %dma_start3A_113] : memref<10016x128xf32, #tpu.memory_space<vmem_shared>> -> memref<16x128xf32, #tpu.memory_space<vmem_shared>>
        tpu.enqueue_dma source(%dma_start3A_114 : memref<16x128xf32, #tpu.memory_space<vmem_shared>>) target(%dma_start3A_111 : memref<16x128xf32, #tpu.memory_space<hbm>>) target_semaphore(%run_scoped3A_109 : memref<!tpu.dma_semaphore, #tpu.memory_space<semaphore_mem>>)
        %dma_wait3A = arith.constant 0 : i32
        %dma_wait3A_115 = tpu.memref_slice %arg5[%add3A_108, %dma_wait3A] : memref<20000x128xf32, #tpu.memory_space<hbm>> -> memref<16x128xf32, #tpu.memory_space<hbm>>
        %dma_wait3A_116 = arith.constant 9984 : i32
        %dma_wait3A_117 = arith.constant 0 : i32
        %dma_wait3A_118 = tpu.memref_slice %arg8[%dma_wait3A_116, %dma_wait3A_117] : memref<10016x128xf32, #tpu.memory_space<vmem_shared>> -> memref<16x128xf32, #tpu.memory_space<vmem_shared>>
        tpu.wait_dma2 semaphore(%run_scoped3A_109 : memref<!tpu.dma_semaphore, #tpu.memory_space<semaphore_mem>>) src(%dma_wait3A_118 : memref<16x128xf32, #tpu.memory_space<vmem_shared>>) dst(%dma_wait3A_115 : memref<16x128xf32, #tpu.memory_space<hbm>>)
        tpu.yield
      }) : () -> ()
    } else {
    }
    return
  }
}

#map = affine_map<(d0, d1) -> (0, 0)>
#map1 = affine_map<(d0, d1) -> (0)>
module attributes {stable_mosaic.version = 14 : i64} {
  func.func @k(%arg0: i32, %arg1: i32, %arg2: memref<10000x128xf32, #tpu.memory_space<hbm>>, %arg3: memref<10000x128xf32, #tpu.memory_space<hbm>>, %arg4: memref<320000xi32, #tpu.memory_space<hbm>>, %arg5: memref<320000xi32, #tpu.memory_space<hbm>>, %arg6: memref<320000x128xf32, #tpu.memory_space<hbm>>, %arg7: memref<2x128xi32, #tpu.memory_space<vmem>>, %arg8: memref<2x128xi32, #tpu.memory_space<vmem>>, %arg9: memref<2x128x128xf32, #tpu.memory_space<vmem>>, %arg10: memref<2x128x128xf32, #tpu.memory_space<vmem>>, %arg11: memref<!tpu.dma_semaphore, #tpu.memory_space<semaphore_mem>>, %arg12: memref<!tpu.dma_semaphore, #tpu.memory_space<semaphore_mem>>, %arg13: memref<!tpu.dma_semaphore, #tpu.memory_space<semaphore_mem>>, %arg14: memref<!tpu.dma_semaphore, #tpu.memory_space<semaphore_mem>>, %arg15: memref<!tpu.dma_semaphore, #tpu.memory_space<semaphore_mem>>) attributes {dimension_semantics = [#tpu.dimension_semantics<core_parallel>, #tpu.dimension_semantics<subcore_parallel>], iteration_bounds = array<i64: 2, 16>, scalar_prefetch = 0 : i64, scratch_operands = 9 : i64, tpu.core_type = #tpu.core_type<sc_vector_subcore>, window_params = [{transform_indices = #map}, {transform_indices = #map}, {transform_indices = #map1}, {transform_indices = #map1}, {transform_indices = #map}]} {
    %mul3A = arith.constant 2 : i32
    %mul3A_0 = arith.muli %arg1, %mul3A : i32
    %add3A = arith.addi %mul3A_0, %arg0 : i32
    %mul3A_1 = arith.constant 10000 : i32
    %mul3A_2 = arith.muli %add3A, %mul3A_1 : i32
    %multiple_of3A = tpu.assume_multiple %mul3A_2, 8 : i32
    %add3A_3 = arith.constant 0 : i32
    %add3A_4 = arith.addi %multiple_of3A, %add3A_3 : i32
    %multiple_of3A_5 = tpu.assume_multiple %add3A_4, 8 : i32
    %dma_start3A = arith.constant 0 : i32
    %dma_start3A_6 = arith.constant 0 : i32
    %dma_start3A_7 = tpu.memref_slice %arg7[%dma_start3A, %dma_start3A_6] : memref<2x128xi32, #tpu.memory_space<vmem>> -> memref<1x128xi32, #tpu.memory_space<vmem>>
    %dma_start3A_8 = tpu.memref_squeeze %dma_start3A_7 : memref<1x128xi32, #tpu.memory_space<vmem>> -> memref<128xi32, #tpu.memory_space<vmem>>
    %dma_start3A_9 = tpu.memref_slice %arg4[%multiple_of3A_5] : memref<320000xi32, #tpu.memory_space<hbm>> -> memref<128xi32, #tpu.memory_space<hbm>>
    %dma_start3A_10 = arith.constant 0 : i32
    %dma_start3A_11 = tpu.memref_slice %arg7[%dma_start3A, %dma_start3A_10] : memref<2x128xi32, #tpu.memory_space<vmem>> -> memref<1x128xi32, #tpu.memory_space<vmem>>
    %dma_start3A_12 = tpu.memref_squeeze %dma_start3A_11 : memref<1x128xi32, #tpu.memory_space<vmem>> -> memref<128xi32, #tpu.memory_space<vmem>>
    %dma_start3A_13 = tpu.memref_slice %arg4[%multiple_of3A_5] : memref<320000xi32, #tpu.memory_space<hbm>> -> memref<128xi32, #tpu.memory_space<hbm>>
    tpu.enqueue_dma source(%dma_start3A_13 : memref<128xi32, #tpu.memory_space<hbm>>) target(%dma_start3A_12 : memref<128xi32, #tpu.memory_space<vmem>>) target_semaphore(%arg11 : memref<!tpu.dma_semaphore, #tpu.memory_space<semaphore_mem>>)
    %add3A_14 = arith.constant 0 : i32
    %add3A_15 = arith.addi %multiple_of3A, %add3A_14 : i32
    %multiple_of3A_16 = tpu.assume_multiple %add3A_15, 8 : i32
    %dma_start3A_17 = arith.constant 0 : i32
    %dma_start3A_18 = arith.constant 0 : i32
    %dma_start3A_19 = tpu.memref_slice %arg8[%dma_start3A_17, %dma_start3A_18] : memref<2x128xi32, #tpu.memory_space<vmem>> -> memref<1x128xi32, #tpu.memory_space<vmem>>
    %dma_start3A_20 = tpu.memref_squeeze %dma_start3A_19 : memref<1x128xi32, #tpu.memory_space<vmem>> -> memref<128xi32, #tpu.memory_space<vmem>>
    %dma_start3A_21 = tpu.memref_slice %arg5[%multiple_of3A_16] : memref<320000xi32, #tpu.memory_space<hbm>> -> memref<128xi32, #tpu.memory_space<hbm>>
    %dma_start3A_22 = arith.constant 0 : i32
    %dma_start3A_23 = tpu.memref_slice %arg8[%dma_start3A_17, %dma_start3A_22] : memref<2x128xi32, #tpu.memory_space<vmem>> -> memref<1x128xi32, #tpu.memory_space<vmem>>
    %dma_start3A_24 = tpu.memref_squeeze %dma_start3A_23 : memref<1x128xi32, #tpu.memory_space<vmem>> -> memref<128xi32, #tpu.memory_space<vmem>>
    %dma_start3A_25 = tpu.memref_slice %arg5[%multiple_of3A_16] : memref<320000xi32, #tpu.memory_space<hbm>> -> memref<128xi32, #tpu.memory_space<hbm>>
    tpu.enqueue_dma source(%dma_start3A_25 : memref<128xi32, #tpu.memory_space<hbm>>) target(%dma_start3A_24 : memref<128xi32, #tpu.memory_space<vmem>>) target_semaphore(%arg11 : memref<!tpu.dma_semaphore, #tpu.memory_space<semaphore_mem>>)
    %dma_wait3A = arith.constant 0 : i32
    %dma_wait3A_26 = arith.constant 0 : i32
    %dma_wait3A_27 = tpu.memref_slice %arg7[%dma_wait3A, %dma_wait3A_26] : memref<2x128xi32, #tpu.memory_space<vmem>> -> memref<1x128xi32, #tpu.memory_space<vmem>>
    %dma_wait3A_28 = tpu.memref_squeeze %dma_wait3A_27 : memref<1x128xi32, #tpu.memory_space<vmem>> -> memref<128xi32, #tpu.memory_space<vmem>>
    %dma_wait3A_29 = tpu.memref_slice %arg4[%multiple_of3A] : memref<320000xi32, #tpu.memory_space<hbm>> -> memref<128xi32, #tpu.memory_space<hbm>>
    %dma_wait3A_30 = arith.constant 0 : i32
    %dma_wait3A_31 = tpu.memref_slice %arg7[%dma_wait3A, %dma_wait3A_30] : memref<2x128xi32, #tpu.memory_space<vmem>> -> memref<1x128xi32, #tpu.memory_space<vmem>>
    %dma_wait3A_32 = tpu.memref_squeeze %dma_wait3A_31 : memref<1x128xi32, #tpu.memory_space<vmem>> -> memref<128xi32, #tpu.memory_space<vmem>>
    %dma_wait3A_33 = tpu.memref_slice %arg4[%multiple_of3A] : memref<320000xi32, #tpu.memory_space<hbm>> -> memref<128xi32, #tpu.memory_space<hbm>>
    tpu.wait_dma2 semaphore(%arg11 : memref<!tpu.dma_semaphore, #tpu.memory_space<semaphore_mem>>) src(%dma_wait3A_33 : memref<128xi32, #tpu.memory_space<hbm>>) dst(%dma_wait3A_32 : memref<128xi32, #tpu.memory_space<vmem>>)
    %dma_wait3A_34 = arith.constant 0 : i32
    %dma_wait3A_35 = arith.constant 0 : i32
    %dma_wait3A_36 = tpu.memref_slice %arg8[%dma_wait3A_34, %dma_wait3A_35] : memref<2x128xi32, #tpu.memory_space<vmem>> -> memref<1x128xi32, #tpu.memory_space<vmem>>
    %dma_wait3A_37 = tpu.memref_squeeze %dma_wait3A_36 : memref<1x128xi32, #tpu.memory_space<vmem>> -> memref<128xi32, #tpu.memory_space<vmem>>
    %dma_wait3A_38 = tpu.memref_slice %arg5[%multiple_of3A] : memref<320000xi32, #tpu.memory_space<hbm>> -> memref<128xi32, #tpu.memory_space<hbm>>
    %dma_wait3A_39 = arith.constant 0 : i32
    %dma_wait3A_40 = tpu.memref_slice %arg8[%dma_wait3A_34, %dma_wait3A_39] : memref<2x128xi32, #tpu.memory_space<vmem>> -> memref<1x128xi32, #tpu.memory_space<vmem>>
    %dma_wait3A_41 = tpu.memref_squeeze %dma_wait3A_40 : memref<1x128xi32, #tpu.memory_space<vmem>> -> memref<128xi32, #tpu.memory_space<vmem>>
    %dma_wait3A_42 = tpu.memref_slice %arg5[%multiple_of3A] : memref<320000xi32, #tpu.memory_space<hbm>> -> memref<128xi32, #tpu.memory_space<hbm>>
    tpu.wait_dma2 semaphore(%arg11 : memref<!tpu.dma_semaphore, #tpu.memory_space<semaphore_mem>>) src(%dma_wait3A_42 : memref<128xi32, #tpu.memory_space<hbm>>) dst(%dma_wait3A_41 : memref<128xi32, #tpu.memory_space<vmem>>)
    %dma_start3A_43 = arith.constant 0 : i32
    %dma_start3A_44 = arith.constant 0 : i32
    %dma_start3A_45 = arith.constant 0 : i32
    %dma_start3A_46 = arith.constant 0 : i32
    %dma_start3A_47 = tpu.memref_slice %arg9[%dma_start3A_44, %dma_start3A_45, %dma_start3A_46] : memref<2x128x128xf32, #tpu.memory_space<vmem>> -> memref<1x128x128xf32, #tpu.memory_space<vmem>>
    %dma_start3A_48 = tpu.memref_squeeze %dma_start3A_47 : memref<1x128x128xf32, #tpu.memory_space<vmem>> -> memref<128x128xf32, #tpu.memory_space<vmem>>
    %dma_start3A_49 = arith.constant 0 : i32
    %dma_start3A_50 = tpu.memref_slice %arg7[%dma_start3A_43, %dma_start3A_49] : memref<2x128xi32, #tpu.memory_space<vmem>> -> memref<1x128xi32, #tpu.memory_space<vmem>>
    %dma_start3A_51 = tpu.memref_squeeze %dma_start3A_50 : memref<1x128xi32, #tpu.memory_space<vmem>> -> memref<128xi32, #tpu.memory_space<vmem>>
    %dma_start3A_52 = arith.constant 0 : i32
    %dma_start3A_53 = arith.constant 0 : i32
    %dma_start3A_54 = tpu.memref_slice %arg2[%dma_start3A_52, %dma_start3A_53] : memref<10000x128xf32, #tpu.memory_space<hbm>> -> memref<10000x128xf32, #tpu.memory_space<hbm>>
    tpu.enqueue_indirect_dma source(%dma_start3A_54 : memref<10000x128xf32, #tpu.memory_space<hbm>>) target(%dma_start3A_48 : memref<128x128xf32, #tpu.memory_space<vmem>>) offsets(%dma_start3A_51 : memref<128xi32, #tpu.memory_space<vmem>>) semaphore(%arg12 : memref<!tpu.dma_semaphore, #tpu.memory_space<semaphore_mem>>)
    %dma_start3A_55 = arith.constant 0 : i32
    %dma_start3A_56 = arith.constant 0 : i32
    %dma_start3A_57 = arith.constant 0 : i32
    %dma_start3A_58 = arith.constant 0 : i32
    %dma_start3A_59 = tpu.memref_slice %arg10[%dma_start3A_56, %dma_start3A_57, %dma_start3A_58] : memref<2x128x128xf32, #tpu.memory_space<vmem>> -> memref<1x128x128xf32, #tpu.memory_space<vmem>>
    %dma_start3A_60 = tpu.memref_squeeze %dma_start3A_59 : memref<1x128x128xf32, #tpu.memory_space<vmem>> -> memref<128x128xf32, #tpu.memory_space<vmem>>
    %dma_start3A_61 = arith.constant 0 : i32
    %dma_start3A_62 = tpu.memref_slice %arg8[%dma_start3A_55, %dma_start3A_61] : memref<2x128xi32, #tpu.memory_space<vmem>> -> memref<1x128xi32, #tpu.memory_space<vmem>>
    %dma_start3A_63 = tpu.memref_squeeze %dma_start3A_62 : memref<1x128xi32, #tpu.memory_space<vmem>> -> memref<128xi32, #tpu.memory_space<vmem>>
    %dma_start3A_64 = arith.constant 0 : i32
    %dma_start3A_65 = arith.constant 0 : i32
    %dma_start3A_66 = tpu.memref_slice %arg3[%dma_start3A_64, %dma_start3A_65] : memref<10000x128xf32, #tpu.memory_space<hbm>> -> memref<10000x128xf32, #tpu.memory_space<hbm>>
    tpu.enqueue_indirect_dma source(%dma_start3A_66 : memref<10000x128xf32, #tpu.memory_space<hbm>>) target(%dma_start3A_60 : memref<128x128xf32, #tpu.memory_space<vmem>>) offsets(%dma_start3A_63 : memref<128xi32, #tpu.memory_space<vmem>>) semaphore(%arg12 : memref<!tpu.dma_semaphore, #tpu.memory_space<semaphore_mem>>)
    %add3A_67 = arith.constant 128 : i32
    %add3A_68 = arith.addi %multiple_of3A, %add3A_67 : i32
    %multiple_of3A_69 = tpu.assume_multiple %add3A_68, 8 : i32
    %dma_start3A_70 = arith.constant 1 : i32
    %dma_start3A_71 = arith.constant 0 : i32
    %dma_start3A_72 = tpu.memref_slice %arg7[%dma_start3A_70, %dma_start3A_71] : memref<2x128xi32, #tpu.memory_space<vmem>> -> memref<1x128xi32, #tpu.memory_space<vmem>>
    %dma_start3A_73 = tpu.memref_squeeze %dma_start3A_72 : memref<1x128xi32, #tpu.memory_space<vmem>> -> memref<128xi32, #tpu.memory_space<vmem>>
    %dma_start3A_74 = tpu.memref_slice %arg4[%multiple_of3A_69] : memref<320000xi32, #tpu.memory_space<hbm>> -> memref<128xi32, #tpu.memory_space<hbm>>
    %dma_start3A_75 = arith.constant 0 : i32
    %dma_start3A_76 = tpu.memref_slice %arg7[%dma_start3A_70, %dma_start3A_75] : memref<2x128xi32, #tpu.memory_space<vmem>> -> memref<1x128xi32, #tpu.memory_space<vmem>>
    %dma_start3A_77 = tpu.memref_squeeze %dma_start3A_76 : memref<1x128xi32, #tpu.memory_space<vmem>> -> memref<128xi32, #tpu.memory_space<vmem>>
    %dma_start3A_78 = tpu.memref_slice %arg4[%multiple_of3A_69] : memref<320000xi32, #tpu.memory_space<hbm>> -> memref<128xi32, #tpu.memory_space<hbm>>
    tpu.enqueue_dma source(%dma_start3A_78 : memref<128xi32, #tpu.memory_space<hbm>>) target(%dma_start3A_77 : memref<128xi32, #tpu.memory_space<vmem>>) target_semaphore(%arg11 : memref<!tpu.dma_semaphore, #tpu.memory_space<semaphore_mem>>)
    %add3A_79 = arith.constant 128 : i32
    %add3A_80 = arith.addi %multiple_of3A, %add3A_79 : i32
    %multiple_of3A_81 = tpu.assume_multiple %add3A_80, 8 : i32
    %dma_start3A_82 = arith.constant 1 : i32
    %dma_start3A_83 = arith.constant 0 : i32
    %dma_start3A_84 = tpu.memref_slice %arg8[%dma_start3A_82, %dma_start3A_83] : memref<2x128xi32, #tpu.memory_space<vmem>> -> memref<1x128xi32, #tpu.memory_space<vmem>>
    %dma_start3A_85 = tpu.memref_squeeze %dma_start3A_84 : memref<1x128xi32, #tpu.memory_space<vmem>> -> memref<128xi32, #tpu.memory_space<vmem>>
    %dma_start3A_86 = tpu.memref_slice %arg5[%multiple_of3A_81] : memref<320000xi32, #tpu.memory_space<hbm>> -> memref<128xi32, #tpu.memory_space<hbm>>
    %dma_start3A_87 = arith.constant 0 : i32
    %dma_start3A_88 = tpu.memref_slice %arg8[%dma_start3A_82, %dma_start3A_87] : memref<2x128xi32, #tpu.memory_space<vmem>> -> memref<1x128xi32, #tpu.memory_space<vmem>>
    %dma_start3A_89 = tpu.memref_squeeze %dma_start3A_88 : memref<1x128xi32, #tpu.memory_space<vmem>> -> memref<128xi32, #tpu.memory_space<vmem>>
    %dma_start3A_90 = tpu.memref_slice %arg5[%multiple_of3A_81] : memref<320000xi32, #tpu.memory_space<hbm>> -> memref<128xi32, #tpu.memory_space<hbm>>
    tpu.enqueue_dma source(%dma_start3A_90 : memref<128xi32, #tpu.memory_space<hbm>>) target(%dma_start3A_89 : memref<128xi32, #tpu.memory_space<vmem>>) target_semaphore(%arg11 : memref<!tpu.dma_semaphore, #tpu.memory_space<semaphore_mem>>)
    %scan3A = arith.constant 0 : i32
    %scan3A_91 = arith.constant 0 : i32
    %scan3A_92 = arith.constant 39 : i32
    %scan3A_93 = arith.addi %scan3A_91, %scan3A_92 : i32
    %scan3A_94 = arith.constant 1 : i32
    scf.for %scan3A_181 = %scan3A_91 to %scan3A_93 step %scan3A_94  : i32 {
      %mul3A_182 = arith.constant 2 : i32
      %mul3A_183 = arith.muli %mul3A_182, %scan3A_181 : i32
      %dma_wait3A_184 = arith.constant 1 : i32
      %dma_wait3A_185 = arith.constant 0 : i32
      %dma_wait3A_186 = tpu.memref_slice %arg7[%dma_wait3A_184, %dma_wait3A_185] : memref<2x128xi32, #tpu.memory_space<vmem>> -> memref<1x128xi32, #tpu.memory_space<vmem>>
      %dma_wait3A_187 = tpu.memref_squeeze %dma_wait3A_186 : memref<1x128xi32, #tpu.memory_space<vmem>> -> memref<128xi32, #tpu.memory_space<vmem>>
      %dma_wait3A_188 = tpu.memref_slice %arg4[%multiple_of3A] : memref<320000xi32, #tpu.memory_space<hbm>> -> memref<128xi32, #tpu.memory_space<hbm>>
      %dma_wait3A_189 = arith.constant 0 : i32
      %dma_wait3A_190 = tpu.memref_slice %arg7[%dma_wait3A_184, %dma_wait3A_189] : memref<2x128xi32, #tpu.memory_space<vmem>> -> memref<1x128xi32, #tpu.memory_space<vmem>>
      %dma_wait3A_191 = tpu.memref_squeeze %dma_wait3A_190 : memref<1x128xi32, #tpu.memory_space<vmem>> -> memref<128xi32, #tpu.memory_space<vmem>>
      %dma_wait3A_192 = tpu.memref_slice %arg4[%multiple_of3A] : memref<320000xi32, #tpu.memory_space<hbm>> -> memref<128xi32, #tpu.memory_space<hbm>>
      tpu.wait_dma2 semaphore(%arg11 : memref<!tpu.dma_semaphore, #tpu.memory_space<semaphore_mem>>) src(%dma_wait3A_192 : memref<128xi32, #tpu.memory_space<hbm>>) dst(%dma_wait3A_191 : memref<128xi32, #tpu.memory_space<vmem>>)
      %dma_wait3A_193 = arith.constant 1 : i32
      %dma_wait3A_194 = arith.constant 0 : i32
      %dma_wait3A_195 = tpu.memref_slice %arg8[%dma_wait3A_193, %dma_wait3A_194] : memref<2x128xi32, #tpu.memory_space<vmem>> -> memref<1x128xi32, #tpu.memory_space<vmem>>
      %dma_wait3A_196 = tpu.memref_squeeze %dma_wait3A_195 : memref<1x128xi32, #tpu.memory_space<vmem>> -> memref<128xi32, #tpu.memory_space<vmem>>
      %dma_wait3A_197 = tpu.memref_slice %arg5[%multiple_of3A] : memref<320000xi32, #tpu.memory_space<hbm>> -> memref<128xi32, #tpu.memory_space<hbm>>
      %dma_wait3A_198 = arith.constant 0 : i32
      %dma_wait3A_199 = tpu.memref_slice %arg8[%dma_wait3A_193, %dma_wait3A_198] : memref<2x128xi32, #tpu.memory_space<vmem>> -> memref<1x128xi32, #tpu.memory_space<vmem>>
      %dma_wait3A_200 = tpu.memref_squeeze %dma_wait3A_199 : memref<1x128xi32, #tpu.memory_space<vmem>> -> memref<128xi32, #tpu.memory_space<vmem>>
      %dma_wait3A_201 = tpu.memref_slice %arg5[%multiple_of3A] : memref<320000xi32, #tpu.memory_space<hbm>> -> memref<128xi32, #tpu.memory_space<hbm>>
      tpu.wait_dma2 semaphore(%arg11 : memref<!tpu.dma_semaphore, #tpu.memory_space<semaphore_mem>>) src(%dma_wait3A_201 : memref<128xi32, #tpu.memory_space<hbm>>) dst(%dma_wait3A_200 : memref<128xi32, #tpu.memory_space<vmem>>)
      %gt3A = arith.constant 0 : i32
      %gt3A_202 = arith.cmpi sgt, %scan3A_181, %gt3A : i32
      %convert_element_type3A = arith.extui %gt3A_202 : i1 to i32
      %cond3A = arith.constant 0 : i32
      %cond3A_203 = arith.cmpi ne, %convert_element_type3A, %cond3A : i32
      scf.if %cond3A_203 {
        %dma_wait3A_333 = arith.constant 1 : i32
        %dma_wait3A_334 = arith.constant 0 : i32
        %dma_wait3A_335 = arith.constant 0 : i32
        %dma_wait3A_336 = tpu.memref_slice %arg9[%dma_wait3A_333, %dma_wait3A_334, %dma_wait3A_335] : memref<2x128x128xf32, #tpu.memory_space<vmem>> -> memref<1x128x128xf32, #tpu.memory_space<vmem>>
        %dma_wait3A_337 = tpu.memref_squeeze %dma_wait3A_336 : memref<1x128x128xf32, #tpu.memory_space<vmem>> -> memref<128x128xf32, #tpu.memory_space<vmem>>
        %dma_wait3A_338 = arith.constant 0 : i32
        %dma_wait3A_339 = tpu.memref_slice %arg6[%multiple_of3A, %dma_wait3A_338] : memref<320000x128xf32, #tpu.memory_space<hbm>> -> memref<128x128xf32, #tpu.memory_space<hbm>>
        %dma_wait3A_340 = arith.constant 0 : i32
        %dma_wait3A_341 = tpu.memref_slice %arg6[%multiple_of3A, %dma_wait3A_340] : memref<320000x128xf32, #tpu.memory_space<hbm>> -> memref<128x128xf32, #tpu.memory_space<hbm>>
        %dma_wait3A_342 = arith.constant 0 : i32
        %dma_wait3A_343 = arith.constant 0 : i32
        %dma_wait3A_344 = tpu.memref_slice %arg9[%dma_wait3A_333, %dma_wait3A_342, %dma_wait3A_343] : memref<2x128x128xf32, #tpu.memory_space<vmem>> -> memref<1x128x128xf32, #tpu.memory_space<vmem>>
        %dma_wait3A_345 = tpu.memref_squeeze %dma_wait3A_344 : memref<1x128x128xf32, #tpu.memory_space<vmem>> -> memref<128x128xf32, #tpu.memory_space<vmem>>
        tpu.wait_dma2 semaphore(%arg15 : memref<!tpu.dma_semaphore, #tpu.memory_space<semaphore_mem>>) src(%dma_wait3A_345 : memref<128x128xf32, #tpu.memory_space<vmem>>) dst(%dma_wait3A_341 : memref<128x128xf32, #tpu.memory_space<hbm>>)
      } else {
      }
      %dma_start3A_204 = arith.constant 1 : i32
      %dma_start3A_205 = arith.constant 1 : i32
      %dma_start3A_206 = arith.constant 0 : i32
      %dma_start3A_207 = arith.constant 0 : i32
      %dma_start3A_208 = tpu.memref_slice %arg9[%dma_start3A_205, %dma_start3A_206, %dma_start3A_207] : memref<2x128x128xf32, #tpu.memory_space<vmem>> -> memref<1x128x128xf32, #tpu.memory_space<vmem>>
      %dma_start3A_209 = tpu.memref_squeeze %dma_start3A_208 : memref<1x128x128xf32, #tpu.memory_space<vmem>> -> memref<128x128xf32, #tpu.memory_space<vmem>>
      %dma_start3A_210 = arith.constant 0 : i32
      %dma_start3A_211 = tpu.memref_slice %arg7[%dma_start3A_204, %dma_start3A_210] : memref<2x128xi32, #tpu.memory_space<vmem>> -> memref<1x128xi32, #tpu.memory_space<vmem>>
      %dma_start3A_212 = tpu.memref_squeeze %dma_start3A_211 : memref<1x128xi32, #tpu.memory_space<vmem>> -> memref<128xi32, #tpu.memory_space<vmem>>
      %dma_start3A_213 = arith.constant 0 : i32
      %dma_start3A_214 = arith.constant 0 : i32
      %dma_start3A_215 = tpu.memref_slice %arg2[%dma_start3A_213, %dma_start3A_214] : memref<10000x128xf32, #tpu.memory_space<hbm>> -> memref<10000x128xf32, #tpu.memory_space<hbm>>
      tpu.enqueue_indirect_dma source(%dma_start3A_215 : memref<10000x128xf32, #tpu.memory_space<hbm>>) target(%dma_start3A_209 : memref<128x128xf32, #tpu.memory_space<vmem>>) offsets(%dma_start3A_212 : memref<128xi32, #tpu.memory_space<vmem>>) semaphore(%arg13 : memref<!tpu.dma_semaphore, #tpu.memory_space<semaphore_mem>>)
      %dma_start3A_216 = arith.constant 1 : i32
      %dma_start3A_217 = arith.constant 1 : i32
      %dma_start3A_218 = arith.constant 0 : i32
      %dma_start3A_219 = arith.constant 0 : i32
      %dma_start3A_220 = tpu.memref_slice %arg10[%dma_start3A_217, %dma_start3A_218, %dma_start3A_219] : memref<2x128x128xf32, #tpu.memory_space<vmem>> -> memref<1x128x128xf32, #tpu.memory_space<vmem>>
      %dma_start3A_221 = tpu.memref_squeeze %dma_start3A_220 : memref<1x128x128xf32, #tpu.memory_space<vmem>> -> memref<128x128xf32, #tpu.memory_space<vmem>>
      %dma_start3A_222 = arith.constant 0 : i32
      %dma_start3A_223 = tpu.memref_slice %arg8[%dma_start3A_216, %dma_start3A_222] : memref<2x128xi32, #tpu.memory_space<vmem>> -> memref<1x128xi32, #tpu.memory_space<vmem>>
      %dma_start3A_224 = tpu.memref_squeeze %dma_start3A_223 : memref<1x128xi32, #tpu.memory_space<vmem>> -> memref<128xi32, #tpu.memory_space<vmem>>
      %dma_start3A_225 = arith.constant 0 : i32
      %dma_start3A_226 = arith.constant 0 : i32
      %dma_start3A_227 = tpu.memref_slice %arg3[%dma_start3A_225, %dma_start3A_226] : memref<10000x128xf32, #tpu.memory_space<hbm>> -> memref<10000x128xf32, #tpu.memory_space<hbm>>
      tpu.enqueue_indirect_dma source(%dma_start3A_227 : memref<10000x128xf32, #tpu.memory_space<hbm>>) target(%dma_start3A_221 : memref<128x128xf32, #tpu.memory_space<vmem>>) offsets(%dma_start3A_224 : memref<128xi32, #tpu.memory_space<vmem>>) semaphore(%arg13 : memref<!tpu.dma_semaphore, #tpu.memory_space<semaphore_mem>>)
      %dma_wait3A_228 = arith.constant 0 : i32
      %dma_wait3A_229 = arith.constant 0 : i32
      %dma_wait3A_230 = arith.constant 0 : i32
      %dma_wait3A_231 = arith.constant 0 : i32
      %dma_wait3A_232 = tpu.memref_slice %arg9[%dma_wait3A_229, %dma_wait3A_230, %dma_wait3A_231] : memref<2x128x128xf32, #tpu.memory_space<vmem>> -> memref<1x128x128xf32, #tpu.memory_space<vmem>>
      %dma_wait3A_233 = tpu.memref_squeeze %dma_wait3A_232 : memref<1x128x128xf32, #tpu.memory_space<vmem>> -> memref<128x128xf32, #tpu.memory_space<vmem>>
      %dma_wait3A_234 = arith.constant 0 : i32
      %dma_wait3A_235 = tpu.memref_slice %arg7[%dma_wait3A_228, %dma_wait3A_234] : memref<2x128xi32, #tpu.memory_space<vmem>> -> memref<1x128xi32, #tpu.memory_space<vmem>>
      %dma_wait3A_236 = tpu.memref_squeeze %dma_wait3A_235 : memref<1x128xi32, #tpu.memory_space<vmem>> -> memref<128xi32, #tpu.memory_space<vmem>>
      %dma_wait3A_237 = arith.constant 0 : i32
      %dma_wait3A_238 = arith.constant 0 : i32
      %dma_wait3A_239 = tpu.memref_slice %arg2[%dma_wait3A_237, %dma_wait3A_238] : memref<10000x128xf32, #tpu.memory_space<hbm>> -> memref<10000x128xf32, #tpu.memory_space<hbm>>
      tpu.wait_indirect_dma semaphore(%arg12 : memref<!tpu.dma_semaphore, #tpu.memory_space<semaphore_mem>>) src(%dma_wait3A_239 : memref<10000x128xf32, #tpu.memory_space<hbm>>) dst(%dma_wait3A_233 : memref<128x128xf32, #tpu.memory_space<vmem>>)
      %dma_wait3A_240 = arith.constant 0 : i32
      %dma_wait3A_241 = arith.constant 0 : i32
      %dma_wait3A_242 = arith.constant 0 : i32
      %dma_wait3A_243 = arith.constant 0 : i32
      %dma_wait3A_244 = tpu.memref_slice %arg10[%dma_wait3A_241, %dma_wait3A_242, %dma_wait3A_243] : memref<2x128x128xf32, #tpu.memory_space<vmem>> -> memref<1x128x128xf32, #tpu.memory_space<vmem>>
      %dma_wait3A_245 = tpu.memref_squeeze %dma_wait3A_244 : memref<1x128x128xf32, #tpu.memory_space<vmem>> -> memref<128x128xf32, #tpu.memory_space<vmem>>
      %dma_wait3A_246 = arith.constant 0 : i32
      %dma_wait3A_247 = tpu.memref_slice %arg8[%dma_wait3A_240, %dma_wait3A_246] : memref<2x128xi32, #tpu.memory_space<vmem>> -> memref<1x128xi32, #tpu.memory_space<vmem>>
      %dma_wait3A_248 = tpu.memref_squeeze %dma_wait3A_247 : memref<1x128xi32, #tpu.memory_space<vmem>> -> memref<128xi32, #tpu.memory_space<vmem>>
      %dma_wait3A_249 = arith.constant 0 : i32
      %dma_wait3A_250 = arith.constant 0 : i32
      %dma_wait3A_251 = tpu.memref_slice %arg3[%dma_wait3A_249, %dma_wait3A_250] : memref<10000x128xf32, #tpu.memory_space<hbm>> -> memref<10000x128xf32, #tpu.memory_space<hbm>>
      tpu.wait_indirect_dma semaphore(%arg12 : memref<!tpu.dma_semaphore, #tpu.memory_space<semaphore_mem>>) src(%dma_wait3A_251 : memref<10000x128xf32, #tpu.memory_space<hbm>>) dst(%dma_wait3A_245 : memref<128x128xf32, #tpu.memory_space<vmem>>)
      %scan3A_252 = arith.constant 0 : i32
      %scan3A_253 = arith.constant 0 : i32
      %scan3A_254 = arith.constant 128 : i32
      %scan3A_255 = arith.addi %scan3A_253, %scan3A_254 : i32
      %scan3A_256 = arith.constant 1 : i32
      scf.for %scan3A_333 = %scan3A_253 to %scan3A_255 step %scan3A_256  : i32 {
        %get3A = arith.constant 0 : i32
        %get3A_334 = arith.index_cast %get3A : i32 to index
        %get3A_335 = arith.index_cast %scan3A_333 : i32 to index
        %get3A_336 = arith.constant 0 : index
        %get3A_337 = tpu.vector_load %arg9[%get3A_334, %get3A_335, %get3A_336] {strides = array<i32>} : memref<2x128x128xf32, #tpu.memory_space<vmem>>, vector<1x1x16xf32>,
        %get3A_338 = vector.shape_cast %get3A_337 : vector<1x1x16xf32> to vector<16xf32>
        %get3A_339 = arith.constant 0 : i32
        %get3A_340 = arith.index_cast %get3A_339 : i32 to index
        %get3A_341 = arith.index_cast %scan3A_333 : i32 to index
        %get3A_342 = arith.constant 0 : index
        %get3A_343 = tpu.vector_load %arg10[%get3A_340, %get3A_341, %get3A_342] {strides = array<i32>} : memref<2x128x128xf32, #tpu.memory_space<vmem>>, vector<1x1x16xf32>,
        %get3A_344 = vector.shape_cast %get3A_343 : vector<1x1x16xf32> to vector<16xf32>
        %add3A_345 = arith.addf %get3A_338, %get3A_344 : vector<16xf32>
        %swap3A = arith.constant 0 : i32
        %swap3A_346 = arith.index_cast %swap3A : i32 to index
        %swap3A_347 = arith.index_cast %scan3A_333 : i32 to index
        %swap3A_348 = arith.constant 0 : index
        %swap3A_349 = tpu.vector_load %arg9[%swap3A_346, %swap3A_347, %swap3A_348] {strides = array<i32>} : memref<2x128x128xf32, #tpu.memory_space<vmem>>, vector<1x1x16xf32>,
        %swap3A_350 = vector.shape_cast %swap3A_349 : vector<1x1x16xf32> to vector<16xf32>
        %swap3A_351 = vector.shape_cast %add3A_345 : vector<16xf32> to vector<1x1x16xf32>
        tpu.vector_store %arg9[%swap3A_346, %swap3A_347, %swap3A_348], %swap3A_351 {strides = array<i32>} : memref<2x128x128xf32, #tpu.memory_space<vmem>>, vector<1x1x16xf32>,
        %get3A_352 = arith.constant 0 : i32
        %get3A_353 = arith.index_cast %get3A_352 : i32 to index
        %get3A_354 = arith.index_cast %scan3A_333 : i32 to index
        %get3A_355 = arith.constant 16 : index
        %get3A_356 = tpu.vector_load %arg9[%get3A_353, %get3A_354, %get3A_355] {strides = array<i32>} : memref<2x128x128xf32, #tpu.memory_space<vmem>>, vector<1x1x16xf32>,
        %get3A_357 = vector.shape_cast %get3A_356 : vector<1x1x16xf32> to vector<16xf32>
        %get3A_358 = arith.constant 0 : i32
        %get3A_359 = arith.index_cast %get3A_358 : i32 to index
        %get3A_360 = arith.index_cast %scan3A_333 : i32 to index
        %get3A_361 = arith.constant 16 : index
        %get3A_362 = tpu.vector_load %arg10[%get3A_359, %get3A_360, %get3A_361] {strides = array<i32>} : memref<2x128x128xf32, #tpu.memory_space<vmem>>, vector<1x1x16xf32>,
        %get3A_363 = vector.shape_cast %get3A_362 : vector<1x1x16xf32> to vector<16xf32>
        %add3A_364 = arith.addf %get3A_357, %get3A_363 : vector<16xf32>
        %swap3A_365 = arith.constant 0 : i32
        %swap3A_366 = arith.index_cast %swap3A_365 : i32 to index
        %swap3A_367 = arith.index_cast %scan3A_333 : i32 to index
        %swap3A_368 = arith.constant 16 : index
        %swap3A_369 = tpu.vector_load %arg9[%swap3A_366, %swap3A_367, %swap3A_368] {strides = array<i32>} : memref<2x128x128xf32, #tpu.memory_space<vmem>>, vector<1x1x16xf32>,
        %swap3A_370 = vector.shape_cast %swap3A_369 : vector<1x1x16xf32> to vector<16xf32>
        %swap3A_371 = vector.shape_cast %add3A_364 : vector<16xf32> to vector<1x1x16xf32>
        tpu.vector_store %arg9[%swap3A_366, %swap3A_367, %swap3A_368], %swap3A_371 {strides = array<i32>} : memref<2x128x128xf32, #tpu.memory_space<vmem>>, vector<1x1x16xf32>,
        %get3A_372 = arith.constant 0 : i32
        %get3A_373 = arith.index_cast %get3A_372 : i32 to index
        %get3A_374 = arith.index_cast %scan3A_333 : i32 to index
        %get3A_375 = arith.constant 32 : index
        %get3A_376 = tpu.vector_load %arg9[%get3A_373, %get3A_374, %get3A_375] {strides = array<i32>} : memref<2x128x128xf32, #tpu.memory_space<vmem>>, vector<1x1x16xf32>,
        %get3A_377 = vector.shape_cast %get3A_376 : vector<1x1x16xf32> to vector<16xf32>
        %get3A_378 = arith.constant 0 : i32
        %get3A_379 = arith.index_cast %get3A_378 : i32 to index
        %get3A_380 = arith.index_cast %scan3A_333 : i32 to index
        %get3A_381 = arith.constant 32 : index
        %get3A_382 = tpu.vector_load %arg10[%get3A_379, %get3A_380, %get3A_381] {strides = array<i32>} : memref<2x128x128xf32, #tpu.memory_space<vmem>>, vector<1x1x16xf32>,
        %get3A_383 = vector.shape_cast %get3A_382 : vector<1x1x16xf32> to vector<16xf32>
        %add3A_384 = arith.addf %get3A_377, %get3A_383 : vector<16xf32>
        %swap3A_385 = arith.constant 0 : i32
        %swap3A_386 = arith.index_cast %swap3A_385 : i32 to index
        %swap3A_387 = arith.index_cast %scan3A_333 : i32 to index
        %swap3A_388 = arith.constant 32 : index
        %swap3A_389 = tpu.vector_load %arg9[%swap3A_386, %swap3A_387, %swap3A_388] {strides = array<i32>} : memref<2x128x128xf32, #tpu.memory_space<vmem>>, vector<1x1x16xf32>,
        %swap3A_390 = vector.shape_cast %swap3A_389 : vector<1x1x16xf32> to vector<16xf32>
        %swap3A_391 = vector.shape_cast %add3A_384 : vector<16xf32> to vector<1x1x16xf32>
        tpu.vector_store %arg9[%swap3A_386, %swap3A_387, %swap3A_388], %swap3A_391 {strides = array<i32>} : memref<2x128x128xf32, #tpu.memory_space<vmem>>, vector<1x1x16xf32>,
        %get3A_392 = arith.constant 0 : i32
        %get3A_393 = arith.index_cast %get3A_392 : i32 to index
        %get3A_394 = arith.index_cast %scan3A_333 : i32 to index
        %get3A_395 = arith.constant 48 : index
        %get3A_396 = tpu.vector_load %arg9[%get3A_393, %get3A_394, %get3A_395] {strides = array<i32>} : memref<2x128x128xf32, #tpu.memory_space<vmem>>, vector<1x1x16xf32>,
        %get3A_397 = vector.shape_cast %get3A_396 : vector<1x1x16xf32> to vector<16xf32>
        %get3A_398 = arith.constant 0 : i32
        %get3A_399 = arith.index_cast %get3A_398 : i32 to index
        %get3A_400 = arith.index_cast %scan3A_333 : i32 to index
        %get3A_401 = arith.constant 48 : index
        %get3A_402 = tpu.vector_load %arg10[%get3A_399, %get3A_400, %get3A_401] {strides = array<i32>} : memref<2x128x128xf32, #tpu.memory_space<vmem>>, vector<1x1x16xf32>,
        %get3A_403 = vector.shape_cast %get3A_402 : vector<1x1x16xf32> to vector<16xf32>
        %add3A_404 = arith.addf %get3A_397, %get3A_403 : vector<16xf32>
        %swap3A_405 = arith.constant 0 : i32
        %swap3A_406 = arith.index_cast %swap3A_405 : i32 to index
        %swap3A_407 = arith.index_cast %scan3A_333 : i32 to index
        %swap3A_408 = arith.constant 48 : index
        %swap3A_409 = tpu.vector_load %arg9[%swap3A_406, %swap3A_407, %swap3A_408] {strides = array<i32>} : memref<2x128x128xf32, #tpu.memory_space<vmem>>, vector<1x1x16xf32>,
        %swap3A_410 = vector.shape_cast %swap3A_409 : vector<1x1x16xf32> to vector<16xf32>
        %swap3A_411 = vector.shape_cast %add3A_404 : vector<16xf32> to vector<1x1x16xf32>
        tpu.vector_store %arg9[%swap3A_406, %swap3A_407, %swap3A_408], %swap3A_411 {strides = array<i32>} : memref<2x128x128xf32, #tpu.memory_space<vmem>>, vector<1x1x16xf32>,
        %get3A_412 = arith.constant 0 : i32
        %get3A_413 = arith.index_cast %get3A_412 : i32 to index
        %get3A_414 = arith.index_cast %scan3A_333 : i32 to index
        %get3A_415 = arith.constant 64 : index
        %get3A_416 = tpu.vector_load %arg9[%get3A_413, %get3A_414, %get3A_415] {strides = array<i32>} : memref<2x128x128xf32, #tpu.memory_space<vmem>>, vector<1x1x16xf32>,
        %get3A_417 = vector.shape_cast %get3A_416 : vector<1x1x16xf32> to vector<16xf32>
        %get3A_418 = arith.constant 0 : i32
        %get3A_419 = arith.index_cast %get3A_418 : i32 to index
        %get3A_420 = arith.index_cast %scan3A_333 : i32 to index
        %get3A_421 = arith.constant 64 : index
        %get3A_422 = tpu.vector_load %arg10[%get3A_419, %get3A_420, %get3A_421] {strides = array<i32>} : memref<2x128x128xf32, #tpu.memory_space<vmem>>, vector<1x1x16xf32>,
        %get3A_423 = vector.shape_cast %get3A_422 : vector<1x1x16xf32> to vector<16xf32>
        %add3A_424 = arith.addf %get3A_417, %get3A_423 : vector<16xf32>
        %swap3A_425 = arith.constant 0 : i32
        %swap3A_426 = arith.index_cast %swap3A_425 : i32 to index
        %swap3A_427 = arith.index_cast %scan3A_333 : i32 to index
        %swap3A_428 = arith.constant 64 : index
        %swap3A_429 = tpu.vector_load %arg9[%swap3A_426, %swap3A_427, %swap3A_428] {strides = array<i32>} : memref<2x128x128xf32, #tpu.memory_space<vmem>>, vector<1x1x16xf32>,
        %swap3A_430 = vector.shape_cast %swap3A_429 : vector<1x1x16xf32> to vector<16xf32>
        %swap3A_431 = vector.shape_cast %add3A_424 : vector<16xf32> to vector<1x1x16xf32>
        tpu.vector_store %arg9[%swap3A_426, %swap3A_427, %swap3A_428], %swap3A_431 {strides = array<i32>} : memref<2x128x128xf32, #tpu.memory_space<vmem>>, vector<1x1x16xf32>,
        %get3A_432 = arith.constant 0 : i32
        %get3A_433 = arith.index_cast %get3A_432 : i32 to index
        %get3A_434 = arith.index_cast %scan3A_333 : i32 to index
        %get3A_435 = arith.constant 80 : index
        %get3A_436 = tpu.vector_load %arg9[%get3A_433, %get3A_434, %get3A_435] {strides = array<i32>} : memref<2x128x128xf32, #tpu.memory_space<vmem>>, vector<1x1x16xf32>,
        %get3A_437 = vector.shape_cast %get3A_436 : vector<1x1x16xf32> to vector<16xf32>
        %get3A_438 = arith.constant 0 : i32
        %get3A_439 = arith.index_cast %get3A_438 : i32 to index
        %get3A_440 = arith.index_cast %scan3A_333 : i32 to index
        %get3A_441 = arith.constant 80 : index
        %get3A_442 = tpu.vector_load %arg10[%get3A_439, %get3A_440, %get3A_441] {strides = array<i32>} : memref<2x128x128xf32, #tpu.memory_space<vmem>>, vector<1x1x16xf32>,
        %get3A_443 = vector.shape_cast %get3A_442 : vector<1x1x16xf32> to vector<16xf32>
        %add3A_444 = arith.addf %get3A_437, %get3A_443 : vector<16xf32>
        %swap3A_445 = arith.constant 0 : i32
        %swap3A_446 = arith.index_cast %swap3A_445 : i32 to index
        %swap3A_447 = arith.index_cast %scan3A_333 : i32 to index
        %swap3A_448 = arith.constant 80 : index
        %swap3A_449 = tpu.vector_load %arg9[%swap3A_446, %swap3A_447, %swap3A_448] {strides = array<i32>} : memref<2x128x128xf32, #tpu.memory_space<vmem>>, vector<1x1x16xf32>,
        %swap3A_450 = vector.shape_cast %swap3A_449 : vector<1x1x16xf32> to vector<16xf32>
        %swap3A_451 = vector.shape_cast %add3A_444 : vector<16xf32> to vector<1x1x16xf32>
        tpu.vector_store %arg9[%swap3A_446, %swap3A_447, %swap3A_448], %swap3A_451 {strides = array<i32>} : memref<2x128x128xf32, #tpu.memory_space<vmem>>, vector<1x1x16xf32>,
        %get3A_452 = arith.constant 0 : i32
        %get3A_453 = arith.index_cast %get3A_452 : i32 to index
        %get3A_454 = arith.index_cast %scan3A_333 : i32 to index
        %get3A_455 = arith.constant 96 : index
        %get3A_456 = tpu.vector_load %arg9[%get3A_453, %get3A_454, %get3A_455] {strides = array<i32>} : memref<2x128x128xf32, #tpu.memory_space<vmem>>, vector<1x1x16xf32>,
        %get3A_457 = vector.shape_cast %get3A_456 : vector<1x1x16xf32> to vector<16xf32>
        %get3A_458 = arith.constant 0 : i32
        %get3A_459 = arith.index_cast %get3A_458 : i32 to index
        %get3A_460 = arith.index_cast %scan3A_333 : i32 to index
        %get3A_461 = arith.constant 96 : index
        %get3A_462 = tpu.vector_load %arg10[%get3A_459, %get3A_460, %get3A_461] {strides = array<i32>} : memref<2x128x128xf32, #tpu.memory_space<vmem>>, vector<1x1x16xf32>,
        %get3A_463 = vector.shape_cast %get3A_462 : vector<1x1x16xf32> to vector<16xf32>
        %add3A_464 = arith.addf %get3A_457, %get3A_463 : vector<16xf32>
        %swap3A_465 = arith.constant 0 : i32
        %swap3A_466 = arith.index_cast %swap3A_465 : i32 to index
        %swap3A_467 = arith.index_cast %scan3A_333 : i32 to index
        %swap3A_468 = arith.constant 96 : index
        %swap3A_469 = tpu.vector_load %arg9[%swap3A_466, %swap3A_467, %swap3A_468] {strides = array<i32>} : memref<2x128x128xf32, #tpu.memory_space<vmem>>, vector<1x1x16xf32>,
        %swap3A_470 = vector.shape_cast %swap3A_469 : vector<1x1x16xf32> to vector<16xf32>
        %swap3A_471 = vector.shape_cast %add3A_464 : vector<16xf32> to vector<1x1x16xf32>
        tpu.vector_store %arg9[%swap3A_466, %swap3A_467, %swap3A_468], %swap3A_471 {strides = array<i32>} : memref<2x128x128xf32, #tpu.memory_space<vmem>>, vector<1x1x16xf32>,
        %get3A_472 = arith.constant 0 : i32
        %get3A_473 = arith.index_cast %get3A_472 : i32 to index
        %get3A_474 = arith.index_cast %scan3A_333 : i32 to index
        %get3A_475 = arith.constant 112 : index
        %get3A_476 = tpu.vector_load %arg9[%get3A_473, %get3A_474, %get3A_475] {strides = array<i32>} : memref<2x128x128xf32, #tpu.memory_space<vmem>>, vector<1x1x16xf32>,
        %get3A_477 = vector.shape_cast %get3A_476 : vector<1x1x16xf32> to vector<16xf32>
        %get3A_478 = arith.constant 0 : i32
        %get3A_479 = arith.index_cast %get3A_478 : i32 to index
        %get3A_480 = arith.index_cast %scan3A_333 : i32 to index
        %get3A_481 = arith.constant 112 : index
        %get3A_482 = tpu.vector_load %arg10[%get3A_479, %get3A_480, %get3A_481] {strides = array<i32>} : memref<2x128x128xf32, #tpu.memory_space<vmem>>, vector<1x1x16xf32>,
        %get3A_483 = vector.shape_cast %get3A_482 : vector<1x1x16xf32> to vector<16xf32>
        %add3A_484 = arith.addf %get3A_477, %get3A_483 : vector<16xf32>
        %swap3A_485 = arith.constant 0 : i32
        %swap3A_486 = arith.index_cast %swap3A_485 : i32 to index
        %swap3A_487 = arith.index_cast %scan3A_333 : i32 to index
        %swap3A_488 = arith.constant 112 : index
        %swap3A_489 = tpu.vector_load %arg9[%swap3A_486, %swap3A_487, %swap3A_488] {strides = array<i32>} : memref<2x128x128xf32, #tpu.memory_space<vmem>>, vector<1x1x16xf32>,
        %swap3A_490 = vector.shape_cast %swap3A_489 : vector<1x1x16xf32> to vector<16xf32>
        %swap3A_491 = vector.shape_cast %add3A_484 : vector<16xf32> to vector<1x1x16xf32>
        tpu.vector_store %arg9[%swap3A_486, %swap3A_487, %swap3A_488], %swap3A_491 {strides = array<i32>} : memref<2x128x128xf32, #tpu.memory_space<vmem>>, vector<1x1x16xf32>,
      }
      %scan3A_257 = arith.constant 128 : i32
      %mul3A_258 = arith.constant 128 : i32
      %mul3A_259 = arith.muli %mul3A_183, %mul3A_258 : i32
      %add3A_260 = arith.addi %multiple_of3A, %mul3A_259 : i32
      %multiple_of3A_261 = tpu.assume_multiple %add3A_260, 8 : i32
      %dma_start3A_262 = arith.constant 0 : i32
      %dma_start3A_263 = arith.constant 0 : i32
      %dma_start3A_264 = arith.constant 0 : i32
      %dma_start3A_265 = tpu.memref_slice %arg9[%dma_start3A_262, %dma_start3A_263, %dma_start3A_264] : memref<2x128x128xf32, #tpu.memory_space<vmem>> -> memref<1x128x128xf32, #tpu.memory_space<vmem>>
      %dma_start3A_266 = tpu.memref_squeeze %dma_start3A_265 : memref<1x128x128xf32, #tpu.memory_space<vmem>> -> memref<128x128xf32, #tpu.memory_space<vmem>>
      %dma_start3A_267 = arith.constant 0 : i32
      %dma_start3A_268 = tpu.memref_slice %arg6[%multiple_of3A_261, %dma_start3A_267] : memref<320000x128xf32, #tpu.memory_space<hbm>> -> memref<128x128xf32, #tpu.memory_space<hbm>>
      %dma_start3A_269 = arith.constant 0 : i32
      %dma_start3A_270 = tpu.memref_slice %arg6[%multiple_of3A_261, %dma_start3A_269] : memref<320000x128xf32, #tpu.memory_space<hbm>> -> memref<128x128xf32, #tpu.memory_space<hbm>>
      %dma_start3A_271 = arith.constant 0 : i32
      %dma_start3A_272 = arith.constant 0 : i32
      %dma_start3A_273 = tpu.memref_slice %arg9[%dma_start3A_262, %dma_start3A_271, %dma_start3A_272] : memref<2x128x128xf32, #tpu.memory_space<vmem>> -> memref<1x128x128xf32, #tpu.memory_space<vmem>>
      %dma_start3A_274 = tpu.memref_squeeze %dma_start3A_273 : memref<1x128x128xf32, #tpu.memory_space<vmem>> -> memref<128x128xf32, #tpu.memory_space<vmem>>
      tpu.enqueue_dma source(%dma_start3A_274 : memref<128x128xf32, #tpu.memory_space<vmem>>) target(%dma_start3A_270 : memref<128x128xf32, #tpu.memory_space<hbm>>) target_semaphore(%arg14 : memref<!tpu.dma_semaphore, #tpu.memory_space<semaphore_mem>>)
      %lt3A = arith.constant 38 : i32
      %lt3A_275 = arith.cmpi slt, %scan3A_181, %lt3A : i32
      %convert_element_type3A_276 = arith.extui %lt3A_275 : i1 to i32
      %cond3A_277 = arith.constant 0 : i32
      %cond3A_278 = arith.cmpi ne, %convert_element_type3A_276, %cond3A_277 : i32
      scf.if %cond3A_278 {
        %add3A_333 = arith.constant 2 : i32
        %add3A_334 = arith.addi %mul3A_183, %add3A_333 : i32
        %mul3A_335 = arith.constant 128 : i32
        %mul3A_336 = arith.muli %add3A_334, %mul3A_335 : i32
        %add3A_337 = arith.addi %multiple_of3A, %mul3A_336 : i32
        %multiple_of3A_338 = tpu.assume_multiple %add3A_337, 8 : i32
        %dma_start3A_339 = arith.constant 0 : i32
        %dma_start3A_340 = arith.constant 0 : i32
        %dma_start3A_341 = tpu.memref_slice %arg7[%dma_start3A_339, %dma_start3A_340] : memref<2x128xi32, #tpu.memory_space<vmem>> -> memref<1x128xi32, #tpu.memory_space<vmem>>
        %dma_start3A_342 = tpu.memref_squeeze %dma_start3A_341 : memref<1x128xi32, #tpu.memory_space<vmem>> -> memref<128xi32, #tpu.memory_space<vmem>>
        %dma_start3A_343 = tpu.memref_slice %arg4[%multiple_of3A_338] : memref<320000xi32, #tpu.memory_space<hbm>> -> memref<128xi32, #tpu.memory_space<hbm>>
        %dma_start3A_344 = arith.constant 0 : i32
        %dma_start3A_345 = tpu.memref_slice %arg7[%dma_start3A_339, %dma_start3A_344] : memref<2x128xi32, #tpu.memory_space<vmem>> -> memref<1x128xi32, #tpu.memory_space<vmem>>
        %dma_start3A_346 = tpu.memref_squeeze %dma_start3A_345 : memref<1x128xi32, #tpu.memory_space<vmem>> -> memref<128xi32, #tpu.memory_space<vmem>>
        %dma_start3A_347 = tpu.memref_slice %arg4[%multiple_of3A_338] : memref<320000xi32, #tpu.memory_space<hbm>> -> memref<128xi32, #tpu.memory_space<hbm>>
        tpu.enqueue_dma source(%dma_start3A_347 : memref<128xi32, #tpu.memory_space<hbm>>) target(%dma_start3A_346 : memref<128xi32, #tpu.memory_space<vmem>>) target_semaphore(%arg11 : memref<!tpu.dma_semaphore, #tpu.memory_space<semaphore_mem>>)
        %mul3A_348 = arith.constant 128 : i32
        %mul3A_349 = arith.muli %add3A_334, %mul3A_348 : i32
        %add3A_350 = arith.addi %multiple_of3A, %mul3A_349 : i32
        %multiple_of3A_351 = tpu.assume_multiple %add3A_350, 8 : i32
        %dma_start3A_352 = arith.constant 0 : i32
        %dma_start3A_353 = arith.constant 0 : i32
        %dma_start3A_354 = tpu.memref_slice %arg8[%dma_start3A_352, %dma_start3A_353] : memref<2x128xi32, #tpu.memory_space<vmem>> -> memref<1x128xi32, #tpu.memory_space<vmem>>
        %dma_start3A_355 = tpu.memref_squeeze %dma_start3A_354 : memref<1x128xi32, #tpu.memory_space<vmem>> -> memref<128xi32, #tpu.memory_space<vmem>>
        %dma_start3A_356 = tpu.memref_slice %arg5[%multiple_of3A_351] : memref<320000xi32, #tpu.memory_space<hbm>> -> memref<128xi32, #tpu.memory_space<hbm>>
        %dma_start3A_357 = arith.constant 0 : i32
        %dma_start3A_358 = tpu.memref_slice %arg8[%dma_start3A_352, %dma_start3A_357] : memref<2x128xi32, #tpu.memory_space<vmem>> -> memref<1x128xi32, #tpu.memory_space<vmem>>
        %dma_start3A_359 = tpu.memref_squeeze %dma_start3A_358 : memref<1x128xi32, #tpu.memory_space<vmem>> -> memref<128xi32, #tpu.memory_space<vmem>>
        %dma_start3A_360 = tpu.memref_slice %arg5[%multiple_of3A_351] : memref<320000xi32, #tpu.memory_space<hbm>> -> memref<128xi32, #tpu.memory_space<hbm>>
        tpu.enqueue_dma source(%dma_start3A_360 : memref<128xi32, #tpu.memory_space<hbm>>) target(%dma_start3A_359 : memref<128xi32, #tpu.memory_space<vmem>>) target_semaphore(%arg11 : memref<!tpu.dma_semaphore, #tpu.memory_space<semaphore_mem>>)
        %dma_wait3A_361 = arith.constant 0 : i32
        %dma_wait3A_362 = arith.constant 0 : i32
        %dma_wait3A_363 = tpu.memref_slice %arg7[%dma_wait3A_361, %dma_wait3A_362] : memref<2x128xi32, #tpu.memory_space<vmem>> -> memref<1x128xi32, #tpu.memory_space<vmem>>
        %dma_wait3A_364 = tpu.memref_squeeze %dma_wait3A_363 : memref<1x128xi32, #tpu.memory_space<vmem>> -> memref<128xi32, #tpu.memory_space<vmem>>
        %dma_wait3A_365 = tpu.memref_slice %arg4[%multiple_of3A] : memref<320000xi32, #tpu.memory_space<hbm>> -> memref<128xi32, #tpu.memory_space<hbm>>
        %dma_wait3A_366 = arith.constant 0 : i32
        %dma_wait3A_367 = tpu.memref_slice %arg7[%dma_wait3A_361, %dma_wait3A_366] : memref<2x128xi32, #tpu.memory_space<vmem>> -> memref<1x128xi32, #tpu.memory_space<vmem>>
        %dma_wait3A_368 = tpu.memref_squeeze %dma_wait3A_367 : memref<1x128xi32, #tpu.memory_space<vmem>> -> memref<128xi32, #tpu.memory_space<vmem>>
        %dma_wait3A_369 = tpu.memref_slice %arg4[%multiple_of3A] : memref<320000xi32, #tpu.memory_space<hbm>> -> memref<128xi32, #tpu.memory_space<hbm>>
        tpu.wait_dma2 semaphore(%arg11 : memref<!tpu.dma_semaphore, #tpu.memory_space<semaphore_mem>>) src(%dma_wait3A_369 : memref<128xi32, #tpu.memory_space<hbm>>) dst(%dma_wait3A_368 : memref<128xi32, #tpu.memory_space<vmem>>)
        %dma_wait3A_370 = arith.constant 0 : i32
        %dma_wait3A_371 = arith.constant 0 : i32
        %dma_wait3A_372 = tpu.memref_slice %arg8[%dma_wait3A_370, %dma_wait3A_371] : memref<2x128xi32, #tpu.memory_space<vmem>> -> memref<1x128xi32, #tpu.memory_space<vmem>>
        %dma_wait3A_373 = tpu.memref_squeeze %dma_wait3A_372 : memref<1x128xi32, #tpu.memory_space<vmem>> -> memref<128xi32, #tpu.memory_space<vmem>>
        %dma_wait3A_374 = tpu.memref_slice %arg5[%multiple_of3A] : memref<320000xi32, #tpu.memory_space<hbm>> -> memref<128xi32, #tpu.memory_space<hbm>>
        %dma_wait3A_375 = arith.constant 0 : i32
        %dma_wait3A_376 = tpu.memref_slice %arg8[%dma_wait3A_370, %dma_wait3A_375] : memref<2x128xi32, #tpu.memory_space<vmem>> -> memref<1x128xi32, #tpu.memory_space<vmem>>
        %dma_wait3A_377 = tpu.memref_squeeze %dma_wait3A_376 : memref<1x128xi32, #tpu.memory_space<vmem>> -> memref<128xi32, #tpu.memory_space<vmem>>
        %dma_wait3A_378 = tpu.memref_slice %arg5[%multiple_of3A] : memref<320000xi32, #tpu.memory_space<hbm>> -> memref<128xi32, #tpu.memory_space<hbm>>
        tpu.wait_dma2 semaphore(%arg11 : memref<!tpu.dma_semaphore, #tpu.memory_space<semaphore_mem>>) src(%dma_wait3A_378 : memref<128xi32, #tpu.memory_space<hbm>>) dst(%dma_wait3A_377 : memref<128xi32, #tpu.memory_space<vmem>>)
        %dma_wait3A_379 = arith.constant 0 : i32
        %dma_wait3A_380 = arith.constant 0 : i32
        %dma_wait3A_381 = arith.constant 0 : i32
        %dma_wait3A_382 = tpu.memref_slice %arg9[%dma_wait3A_379, %dma_wait3A_380, %dma_wait3A_381] : memref<2x128x128xf32, #tpu.memory_space<vmem>> -> memref<1x128x128xf32, #tpu.memory_space<vmem>>
        %dma_wait3A_383 = tpu.memref_squeeze %dma_wait3A_382 : memref<1x128x128xf32, #tpu.memory_space<vmem>> -> memref<128x128xf32, #tpu.memory_space<vmem>>
        %dma_wait3A_384 = arith.constant 0 : i32
        %dma_wait3A_385 = tpu.memref_slice %arg6[%multiple_of3A, %dma_wait3A_384] : memref<320000x128xf32, #tpu.memory_space<hbm>> -> memref<128x128xf32, #tpu.memory_space<hbm>>
        %dma_wait3A_386 = arith.constant 0 : i32
        %dma_wait3A_387 = tpu.memref_slice %arg6[%multiple_of3A, %dma_wait3A_386] : memref<320000x128xf32, #tpu.memory_space<hbm>> -> memref<128x128xf32, #tpu.memory_space<hbm>>
        %dma_wait3A_388 = arith.constant 0 : i32
        %dma_wait3A_389 = arith.constant 0 : i32
        %dma_wait3A_390 = tpu.memref_slice %arg9[%dma_wait3A_379, %dma_wait3A_388, %dma_wait3A_389] : memref<2x128x128xf32, #tpu.memory_space<vmem>> -> memref<1x128x128xf32, #tpu.memory_space<vmem>>
        %dma_wait3A_391 = tpu.memref_squeeze %dma_wait3A_390 : memref<1x128x128xf32, #tpu.memory_space<vmem>> -> memref<128x128xf32, #tpu.memory_space<vmem>>
        tpu.wait_dma2 semaphore(%arg14 : memref<!tpu.dma_semaphore, #tpu.memory_space<semaphore_mem>>) src(%dma_wait3A_391 : memref<128x128xf32, #tpu.memory_space<vmem>>) dst(%dma_wait3A_387 : memref<128x128xf32, #tpu.memory_space<hbm>>)
        %dma_start3A_392 = arith.constant 0 : i32
        %dma_start3A_393 = arith.constant 0 : i32
        %dma_start3A_394 = arith.constant 0 : i32
        %dma_start3A_395 = arith.constant 0 : i32
        %dma_start3A_396 = tpu.memref_slice %arg9[%dma_start3A_393, %dma_start3A_394, %dma_start3A_395] : memref<2x128x128xf32, #tpu.memory_space<vmem>> -> memref<1x128x128xf32, #tpu.memory_space<vmem>>
        %dma_start3A_397 = tpu.memref_squeeze %dma_start3A_396 : memref<1x128x128xf32, #tpu.memory_space<vmem>> -> memref<128x128xf32, #tpu.memory_space<vmem>>
        %dma_start3A_398 = arith.constant 0 : i32
        %dma_start3A_399 = tpu.memref_slice %arg7[%dma_start3A_392, %dma_start3A_398] : memref<2x128xi32, #tpu.memory_space<vmem>> -> memref<1x128xi32, #tpu.memory_space<vmem>>
        %dma_start3A_400 = tpu.memref_squeeze %dma_start3A_399 : memref<1x128xi32, #tpu.memory_space<vmem>> -> memref<128xi32, #tpu.memory_space<vmem>>
        %dma_start3A_401 = arith.constant 0 : i32
        %dma_start3A_402 = arith.constant 0 : i32
        %dma_start3A_403 = tpu.memref_slice %arg2[%dma_start3A_401, %dma_start3A_402] : memref<10000x128xf32, #tpu.memory_space<hbm>> -> memref<10000x128xf32, #tpu.memory_space<hbm>>
        tpu.enqueue_indirect_dma source(%dma_start3A_403 : memref<10000x128xf32, #tpu.memory_space<hbm>>) target(%dma_start3A_397 : memref<128x128xf32, #tpu.memory_space<vmem>>) offsets(%dma_start3A_400 : memref<128xi32, #tpu.memory_space<vmem>>) semaphore(%arg12 : memref<!tpu.dma_semaphore, #tpu.memory_space<semaphore_mem>>)
        %dma_start3A_404 = arith.constant 0 : i32
        %dma_start3A_405 = arith.constant 0 : i32
        %dma_start3A_406 = arith.constant 0 : i32
        %dma_start3A_407 = arith.constant 0 : i32
        %dma_start3A_408 = tpu.memref_slice %arg10[%dma_start3A_405, %dma_start3A_406, %dma_start3A_407] : memref<2x128x128xf32, #tpu.memory_space<vmem>> -> memref<1x128x128xf32, #tpu.memory_space<vmem>>
        %dma_start3A_409 = tpu.memref_squeeze %dma_start3A_408 : memref<1x128x128xf32, #tpu.memory_space<vmem>> -> memref<128x128xf32, #tpu.memory_space<vmem>>
        %dma_start3A_410 = arith.constant 0 : i32
        %dma_start3A_411 = tpu.memref_slice %arg8[%dma_start3A_404, %dma_start3A_410] : memref<2x128xi32, #tpu.memory_space<vmem>> -> memref<1x128xi32, #tpu.memory_space<vmem>>
        %dma_start3A_412 = tpu.memref_squeeze %dma_start3A_411 : memref<1x128xi32, #tpu.memory_space<vmem>> -> memref<128xi32, #tpu.memory_space<vmem>>
        %dma_start3A_413 = arith.constant 0 : i32
        %dma_start3A_414 = arith.constant 0 : i32
        %dma_start3A_415 = tpu.memref_slice %arg3[%dma_start3A_413, %dma_start3A_414] : memref<10000x128xf32, #tpu.memory_space<hbm>> -> memref<10000x128xf32, #tpu.memory_space<hbm>>
        tpu.enqueue_indirect_dma source(%dma_start3A_415 : memref<10000x128xf32, #tpu.memory_space<hbm>>) target(%dma_start3A_409 : memref<128x128xf32, #tpu.memory_space<vmem>>) offsets(%dma_start3A_412 : memref<128xi32, #tpu.memory_space<vmem>>) semaphore(%arg12 : memref<!tpu.dma_semaphore, #tpu.memory_space<semaphore_mem>>)
      } else {
      }
      %dma_wait3A_279 = arith.constant 1 : i32
      %dma_wait3A_280 = arith.constant 1 : i32
      %dma_wait3A_281 = arith.constant 0 : i32
      %dma_wait3A_282 = arith.constant 0 : i32
      %dma_wait3A_283 = tpu.memref_slice %arg9[%dma_wait3A_280, %dma_wait3A_281, %dma_wait3A_282] : memref<2x128x128xf32, #tpu.memory_space<vmem>> -> memref<1x128x128xf32, #tpu.memory_space<vmem>>
      %dma_wait3A_284 = tpu.memref_squeeze %dma_wait3A_283 : memref<1x128x128xf32, #tpu.memory_space<vmem>> -> memref<128x128xf32, #tpu.memory_space<vmem>>
      %dma_wait3A_285 = arith.constant 0 : i32
      %dma_wait3A_286 = tpu.memref_slice %arg7[%dma_wait3A_279, %dma_wait3A_285] : memref<2x128xi32, #tpu.memory_space<vmem>> -> memref<1x128xi32, #tpu.memory_space<vmem>>
      %dma_wait3A_287 = tpu.memref_squeeze %dma_wait3A_286 : memref<1x128xi32, #tpu.memory_space<vmem>> -> memref<128xi32, #tpu.memory_space<vmem>>
      %dma_wait3A_288 = arith.constant 0 : i32
      %dma_wait3A_289 = arith.constant 0 : i32
      %dma_wait3A_290 = tpu.memref_slice %arg2[%dma_wait3A_288, %dma_wait3A_289] : memref<10000x128xf32, #tpu.memory_space<hbm>> -> memref<10000x128xf32, #tpu.memory_space<hbm>>
      tpu.wait_indirect_dma semaphore(%arg13 : memref<!tpu.dma_semaphore, #tpu.memory_space<semaphore_mem>>) src(%dma_wait3A_290 : memref<10000x128xf32, #tpu.memory_space<hbm>>) dst(%dma_wait3A_284 : memref<128x128xf32, #tpu.memory_space<vmem>>)
      %dma_wait3A_291 = arith.constant 1 : i32
      %dma_wait3A_292 = arith.constant 1 : i32
      %dma_wait3A_293 = arith.constant 0 : i32
      %dma_wait3A_294 = arith.constant 0 : i32
      %dma_wait3A_295 = tpu.memref_slice %arg10[%dma_wait3A_292, %dma_wait3A_293, %dma_wait3A_294] : memref<2x128x128xf32, #tpu.memory_space<vmem>> -> memref<1x128x128xf32, #tpu.memory_space<vmem>>
      %dma_wait3A_296 = tpu.memref_squeeze %dma_wait3A_295 : memref<1x128x128xf32, #tpu.memory_space<vmem>> -> memref<128x128xf32, #tpu.memory_space<vmem>>
      %dma_wait3A_297 = arith.constant 0 : i32
      %dma_wait3A_298 = tpu.memref_slice %arg8[%dma_wait3A_291, %dma_wait3A_297] : memref<2x128xi32, #tpu.memory_space<vmem>> -> memref<1x128xi32, #tpu.memory_space<vmem>>
      %dma_wait3A_299 = tpu.memref_squeeze %dma_wait3A_298 : memref<1x128xi32, #tpu.memory_space<vmem>> -> memref<128xi32, #tpu.memory_space<vmem>>
      %dma_wait3A_300 = arith.constant 0 : i32
      %dma_wait3A_301 = arith.constant 0 : i32
      %dma_wait3A_302 = tpu.memref_slice %arg3[%dma_wait3A_300, %dma_wait3A_301] : memref<10000x128xf32, #tpu.memory_space<hbm>> -> memref<10000x128xf32, #tpu.memory_space<hbm>>
      tpu.wait_indirect_dma semaphore(%arg13 : memref<!tpu.dma_semaphore, #tpu.memory_space<semaphore_mem>>) src(%dma_wait3A_302 : memref<10000x128xf32, #tpu.memory_space<hbm>>) dst(%dma_wait3A_296 : memref<128x128xf32, #tpu.memory_space<vmem>>)
      %scan3A_303 = arith.constant 0 : i32
      %scan3A_304 = arith.constant 0 : i32
      %scan3A_305 = arith.constant 128 : i32
      %scan3A_306 = arith.addi %scan3A_304, %scan3A_305 : i32
      %scan3A_307 = arith.constant 1 : i32
      scf.for %scan3A_333 = %scan3A_304 to %scan3A_306 step %scan3A_307  : i32 {
        %get3A = arith.constant 1 : i32
        %get3A_334 = arith.index_cast %get3A : i32 to index
        %get3A_335 = arith.index_cast %scan3A_333 : i32 to index
        %get3A_336 = arith.constant 0 : index
        %get3A_337 = tpu.vector_load %arg9[%get3A_334, %get3A_335, %get3A_336] {strides = array<i32>} : memref<2x128x128xf32, #tpu.memory_space<vmem>>, vector<1x1x16xf32>,
        %get3A_338 = vector.shape_cast %get3A_337 : vector<1x1x16xf32> to vector<16xf32>
        %get3A_339 = arith.constant 1 : i32
        %get3A_340 = arith.index_cast %get3A_339 : i32 to index
        %get3A_341 = arith.index_cast %scan3A_333 : i32 to index
        %get3A_342 = arith.constant 0 : index
        %get3A_343 = tpu.vector_load %arg10[%get3A_340, %get3A_341, %get3A_342] {strides = array<i32>} : memref<2x128x128xf32, #tpu.memory_space<vmem>>, vector<1x1x16xf32>,
        %get3A_344 = vector.shape_cast %get3A_343 : vector<1x1x16xf32> to vector<16xf32>
        %add3A_345 = arith.addf %get3A_338, %get3A_344 : vector<16xf32>
        %swap3A = arith.constant 1 : i32
        %swap3A_346 = arith.index_cast %swap3A : i32 to index
        %swap3A_347 = arith.index_cast %scan3A_333 : i32 to index
        %swap3A_348 = arith.constant 0 : index
        %swap3A_349 = tpu.vector_load %arg9[%swap3A_346, %swap3A_347, %swap3A_348] {strides = array<i32>} : memref<2x128x128xf32, #tpu.memory_space<vmem>>, vector<1x1x16xf32>,
        %swap3A_350 = vector.shape_cast %swap3A_349 : vector<1x1x16xf32> to vector<16xf32>
        %swap3A_351 = vector.shape_cast %add3A_345 : vector<16xf32> to vector<1x1x16xf32>
        tpu.vector_store %arg9[%swap3A_346, %swap3A_347, %swap3A_348], %swap3A_351 {strides = array<i32>} : memref<2x128x128xf32, #tpu.memory_space<vmem>>, vector<1x1x16xf32>,
        %get3A_352 = arith.constant 1 : i32
        %get3A_353 = arith.index_cast %get3A_352 : i32 to index
        %get3A_354 = arith.index_cast %scan3A_333 : i32 to index
        %get3A_355 = arith.constant 16 : index
        %get3A_356 = tpu.vector_load %arg9[%get3A_353, %get3A_354, %get3A_355] {strides = array<i32>} : memref<2x128x128xf32, #tpu.memory_space<vmem>>, vector<1x1x16xf32>,
        %get3A_357 = vector.shape_cast %get3A_356 : vector<1x1x16xf32> to vector<16xf32>
        %get3A_358 = arith.constant 1 : i32
        %get3A_359 = arith.index_cast %get3A_358 : i32 to index
        %get3A_360 = arith.index_cast %scan3A_333 : i32 to index
        %get3A_361 = arith.constant 16 : index
        %get3A_362 = tpu.vector_load %arg10[%get3A_359, %get3A_360, %get3A_361] {strides = array<i32>} : memref<2x128x128xf32, #tpu.memory_space<vmem>>, vector<1x1x16xf32>,
        %get3A_363 = vector.shape_cast %get3A_362 : vector<1x1x16xf32> to vector<16xf32>
        %add3A_364 = arith.addf %get3A_357, %get3A_363 : vector<16xf32>
        %swap3A_365 = arith.constant 1 : i32
        %swap3A_366 = arith.index_cast %swap3A_365 : i32 to index
        %swap3A_367 = arith.index_cast %scan3A_333 : i32 to index
        %swap3A_368 = arith.constant 16 : index
        %swap3A_369 = tpu.vector_load %arg9[%swap3A_366, %swap3A_367, %swap3A_368] {strides = array<i32>} : memref<2x128x128xf32, #tpu.memory_space<vmem>>, vector<1x1x16xf32>,
        %swap3A_370 = vector.shape_cast %swap3A_369 : vector<1x1x16xf32> to vector<16xf32>
        %swap3A_371 = vector.shape_cast %add3A_364 : vector<16xf32> to vector<1x1x16xf32>
        tpu.vector_store %arg9[%swap3A_366, %swap3A_367, %swap3A_368], %swap3A_371 {strides = array<i32>} : memref<2x128x128xf32, #tpu.memory_space<vmem>>, vector<1x1x16xf32>,
        %get3A_372 = arith.constant 1 : i32
        %get3A_373 = arith.index_cast %get3A_372 : i32 to index
        %get3A_374 = arith.index_cast %scan3A_333 : i32 to index
        %get3A_375 = arith.constant 32 : index
        %get3A_376 = tpu.vector_load %arg9[%get3A_373, %get3A_374, %get3A_375] {strides = array<i32>} : memref<2x128x128xf32, #tpu.memory_space<vmem>>, vector<1x1x16xf32>,
        %get3A_377 = vector.shape_cast %get3A_376 : vector<1x1x16xf32> to vector<16xf32>
        %get3A_378 = arith.constant 1 : i32
        %get3A_379 = arith.index_cast %get3A_378 : i32 to index
        %get3A_380 = arith.index_cast %scan3A_333 : i32 to index
        %get3A_381 = arith.constant 32 : index
        %get3A_382 = tpu.vector_load %arg10[%get3A_379, %get3A_380, %get3A_381] {strides = array<i32>} : memref<2x128x128xf32, #tpu.memory_space<vmem>>, vector<1x1x16xf32>,
        %get3A_383 = vector.shape_cast %get3A_382 : vector<1x1x16xf32> to vector<16xf32>
        %add3A_384 = arith.addf %get3A_377, %get3A_383 : vector<16xf32>
        %swap3A_385 = arith.constant 1 : i32
        %swap3A_386 = arith.index_cast %swap3A_385 : i32 to index
        %swap3A_387 = arith.index_cast %scan3A_333 : i32 to index
        %swap3A_388 = arith.constant 32 : index
        %swap3A_389 = tpu.vector_load %arg9[%swap3A_386, %swap3A_387, %swap3A_388] {strides = array<i32>} : memref<2x128x128xf32, #tpu.memory_space<vmem>>, vector<1x1x16xf32>,
        %swap3A_390 = vector.shape_cast %swap3A_389 : vector<1x1x16xf32> to vector<16xf32>
        %swap3A_391 = vector.shape_cast %add3A_384 : vector<16xf32> to vector<1x1x16xf32>
        tpu.vector_store %arg9[%swap3A_386, %swap3A_387, %swap3A_388], %swap3A_391 {strides = array<i32>} : memref<2x128x128xf32, #tpu.memory_space<vmem>>, vector<1x1x16xf32>,
        %get3A_392 = arith.constant 1 : i32
        %get3A_393 = arith.index_cast %get3A_392 : i32 to index
        %get3A_394 = arith.index_cast %scan3A_333 : i32 to index
        %get3A_395 = arith.constant 48 : index
        %get3A_396 = tpu.vector_load %arg9[%get3A_393, %get3A_394, %get3A_395] {strides = array<i32>} : memref<2x128x128xf32, #tpu.memory_space<vmem>>, vector<1x1x16xf32>,
        %get3A_397 = vector.shape_cast %get3A_396 : vector<1x1x16xf32> to vector<16xf32>
        %get3A_398 = arith.constant 1 : i32
        %get3A_399 = arith.index_cast %get3A_398 : i32 to index
        %get3A_400 = arith.index_cast %scan3A_333 : i32 to index
        %get3A_401 = arith.constant 48 : index
        %get3A_402 = tpu.vector_load %arg10[%get3A_399, %get3A_400, %get3A_401] {strides = array<i32>} : memref<2x128x128xf32, #tpu.memory_space<vmem>>, vector<1x1x16xf32>,
        %get3A_403 = vector.shape_cast %get3A_402 : vector<1x1x16xf32> to vector<16xf32>
        %add3A_404 = arith.addf %get3A_397, %get3A_403 : vector<16xf32>
        %swap3A_405 = arith.constant 1 : i32
        %swap3A_406 = arith.index_cast %swap3A_405 : i32 to index
        %swap3A_407 = arith.index_cast %scan3A_333 : i32 to index
        %swap3A_408 = arith.constant 48 : index
        %swap3A_409 = tpu.vector_load %arg9[%swap3A_406, %swap3A_407, %swap3A_408] {strides = array<i32>} : memref<2x128x128xf32, #tpu.memory_space<vmem>>, vector<1x1x16xf32>,
        %swap3A_410 = vector.shape_cast %swap3A_409 : vector<1x1x16xf32> to vector<16xf32>
        %swap3A_411 = vector.shape_cast %add3A_404 : vector<16xf32> to vector<1x1x16xf32>
        tpu.vector_store %arg9[%swap3A_406, %swap3A_407, %swap3A_408], %swap3A_411 {strides = array<i32>} : memref<2x128x128xf32, #tpu.memory_space<vmem>>, vector<1x1x16xf32>,
        %get3A_412 = arith.constant 1 : i32
        %get3A_413 = arith.index_cast %get3A_412 : i32 to index
        %get3A_414 = arith.index_cast %scan3A_333 : i32 to index
        %get3A_415 = arith.constant 64 : index
        %get3A_416 = tpu.vector_load %arg9[%get3A_413, %get3A_414, %get3A_415] {strides = array<i32>} : memref<2x128x128xf32, #tpu.memory_space<vmem>>, vector<1x1x16xf32>,
        %get3A_417 = vector.shape_cast %get3A_416 : vector<1x1x16xf32> to vector<16xf32>
        %get3A_418 = arith.constant 1 : i32
        %get3A_419 = arith.index_cast %get3A_418 : i32 to index
        %get3A_420 = arith.index_cast %scan3A_333 : i32 to index
        %get3A_421 = arith.constant 64 : index
        %get3A_422 = tpu.vector_load %arg10[%get3A_419, %get3A_420, %get3A_421] {strides = array<i32>} : memref<2x128x128xf32, #tpu.memory_space<vmem>>, vector<1x1x16xf32>,
        %get3A_423 = vector.shape_cast %get3A_422 : vector<1x1x16xf32> to vector<16xf32>
        %add3A_424 = arith.addf %get3A_417, %get3A_423 : vector<16xf32>
        %swap3A_425 = arith.constant 1 : i32
        %swap3A_426 = arith.index_cast %swap3A_425 : i32 to index
        %swap3A_427 = arith.index_cast %scan3A_333 : i32 to index
        %swap3A_428 = arith.constant 64 : index
        %swap3A_429 = tpu.vector_load %arg9[%swap3A_426, %swap3A_427, %swap3A_428] {strides = array<i32>} : memref<2x128x128xf32, #tpu.memory_space<vmem>>, vector<1x1x16xf32>,
        %swap3A_430 = vector.shape_cast %swap3A_429 : vector<1x1x16xf32> to vector<16xf32>
        %swap3A_431 = vector.shape_cast %add3A_424 : vector<16xf32> to vector<1x1x16xf32>
        tpu.vector_store %arg9[%swap3A_426, %swap3A_427, %swap3A_428], %swap3A_431 {strides = array<i32>} : memref<2x128x128xf32, #tpu.memory_space<vmem>>, vector<1x1x16xf32>,
        %get3A_432 = arith.constant 1 : i32
        %get3A_433 = arith.index_cast %get3A_432 : i32 to index
        %get3A_434 = arith.index_cast %scan3A_333 : i32 to index
        %get3A_435 = arith.constant 80 : index
        %get3A_436 = tpu.vector_load %arg9[%get3A_433, %get3A_434, %get3A_435] {strides = array<i32>} : memref<2x128x128xf32, #tpu.memory_space<vmem>>, vector<1x1x16xf32>,
        %get3A_437 = vector.shape_cast %get3A_436 : vector<1x1x16xf32> to vector<16xf32>
        %get3A_438 = arith.constant 1 : i32
        %get3A_439 = arith.index_cast %get3A_438 : i32 to index
        %get3A_440 = arith.index_cast %scan3A_333 : i32 to index
        %get3A_441 = arith.constant 80 : index
        %get3A_442 = tpu.vector_load %arg10[%get3A_439, %get3A_440, %get3A_441] {strides = array<i32>} : memref<2x128x128xf32, #tpu.memory_space<vmem>>, vector<1x1x16xf32>,
        %get3A_443 = vector.shape_cast %get3A_442 : vector<1x1x16xf32> to vector<16xf32>
        %add3A_444 = arith.addf %get3A_437, %get3A_443 : vector<16xf32>
        %swap3A_445 = arith.constant 1 : i32
        %swap3A_446 = arith.index_cast %swap3A_445 : i32 to index
        %swap3A_447 = arith.index_cast %scan3A_333 : i32 to index
        %swap3A_448 = arith.constant 80 : index
        %swap3A_449 = tpu.vector_load %arg9[%swap3A_446, %swap3A_447, %swap3A_448] {strides = array<i32>} : memref<2x128x128xf32, #tpu.memory_space<vmem>>, vector<1x1x16xf32>,
        %swap3A_450 = vector.shape_cast %swap3A_449 : vector<1x1x16xf32> to vector<16xf32>
        %swap3A_451 = vector.shape_cast %add3A_444 : vector<16xf32> to vector<1x1x16xf32>
        tpu.vector_store %arg9[%swap3A_446, %swap3A_447, %swap3A_448], %swap3A_451 {strides = array<i32>} : memref<2x128x128xf32, #tpu.memory_space<vmem>>, vector<1x1x16xf32>,
        %get3A_452 = arith.constant 1 : i32
        %get3A_453 = arith.index_cast %get3A_452 : i32 to index
        %get3A_454 = arith.index_cast %scan3A_333 : i32 to index
        %get3A_455 = arith.constant 96 : index
        %get3A_456 = tpu.vector_load %arg9[%get3A_453, %get3A_454, %get3A_455] {strides = array<i32>} : memref<2x128x128xf32, #tpu.memory_space<vmem>>, vector<1x1x16xf32>,
        %get3A_457 = vector.shape_cast %get3A_456 : vector<1x1x16xf32> to vector<16xf32>
        %get3A_458 = arith.constant 1 : i32
        %get3A_459 = arith.index_cast %get3A_458 : i32 to index
        %get3A_460 = arith.index_cast %scan3A_333 : i32 to index
        %get3A_461 = arith.constant 96 : index
        %get3A_462 = tpu.vector_load %arg10[%get3A_459, %get3A_460, %get3A_461] {strides = array<i32>} : memref<2x128x128xf32, #tpu.memory_space<vmem>>, vector<1x1x16xf32>,
        %get3A_463 = vector.shape_cast %get3A_462 : vector<1x1x16xf32> to vector<16xf32>
        %add3A_464 = arith.addf %get3A_457, %get3A_463 : vector<16xf32>
        %swap3A_465 = arith.constant 1 : i32
        %swap3A_466 = arith.index_cast %swap3A_465 : i32 to index
        %swap3A_467 = arith.index_cast %scan3A_333 : i32 to index
        %swap3A_468 = arith.constant 96 : index
        %swap3A_469 = tpu.vector_load %arg9[%swap3A_466, %swap3A_467, %swap3A_468] {strides = array<i32>} : memref<2x128x128xf32, #tpu.memory_space<vmem>>, vector<1x1x16xf32>,
        %swap3A_470 = vector.shape_cast %swap3A_469 : vector<1x1x16xf32> to vector<16xf32>
        %swap3A_471 = vector.shape_cast %add3A_464 : vector<16xf32> to vector<1x1x16xf32>
        tpu.vector_store %arg9[%swap3A_466, %swap3A_467, %swap3A_468], %swap3A_471 {strides = array<i32>} : memref<2x128x128xf32, #tpu.memory_space<vmem>>, vector<1x1x16xf32>,
        %get3A_472 = arith.constant 1 : i32
        %get3A_473 = arith.index_cast %get3A_472 : i32 to index
        %get3A_474 = arith.index_cast %scan3A_333 : i32 to index
        %get3A_475 = arith.constant 112 : index
        %get3A_476 = tpu.vector_load %arg9[%get3A_473, %get3A_474, %get3A_475] {strides = array<i32>} : memref<2x128x128xf32, #tpu.memory_space<vmem>>, vector<1x1x16xf32>,
        %get3A_477 = vector.shape_cast %get3A_476 : vector<1x1x16xf32> to vector<16xf32>
        %get3A_478 = arith.constant 1 : i32
        %get3A_479 = arith.index_cast %get3A_478 : i32 to index
        %get3A_480 = arith.index_cast %scan3A_333 : i32 to index
        %get3A_481 = arith.constant 112 : index
        %get3A_482 = tpu.vector_load %arg10[%get3A_479, %get3A_480, %get3A_481] {strides = array<i32>} : memref<2x128x128xf32, #tpu.memory_space<vmem>>, vector<1x1x16xf32>,
        %get3A_483 = vector.shape_cast %get3A_482 : vector<1x1x16xf32> to vector<16xf32>
        %add3A_484 = arith.addf %get3A_477, %get3A_483 : vector<16xf32>
        %swap3A_485 = arith.constant 1 : i32
        %swap3A_486 = arith.index_cast %swap3A_485 : i32 to index
        %swap3A_487 = arith.index_cast %scan3A_333 : i32 to index
        %swap3A_488 = arith.constant 112 : index
        %swap3A_489 = tpu.vector_load %arg9[%swap3A_486, %swap3A_487, %swap3A_488] {strides = array<i32>} : memref<2x128x128xf32, #tpu.memory_space<vmem>>, vector<1x1x16xf32>,
        %swap3A_490 = vector.shape_cast %swap3A_489 : vector<1x1x16xf32> to vector<16xf32>
        %swap3A_491 = vector.shape_cast %add3A_484 : vector<16xf32> to vector<1x1x16xf32>
        tpu.vector_store %arg9[%swap3A_486, %swap3A_487, %swap3A_488], %swap3A_491 {strides = array<i32>} : memref<2x128x128xf32, #tpu.memory_space<vmem>>, vector<1x1x16xf32>,
      }
      %scan3A_308 = arith.constant 128 : i32
      %add3A_309 = arith.constant 1 : i32
      %add3A_310 = arith.addi %mul3A_183, %add3A_309 : i32
      %mul3A_311 = arith.constant 128 : i32
      %mul3A_312 = arith.muli %add3A_310, %mul3A_311 : i32
      %add3A_313 = arith.addi %multiple_of3A, %mul3A_312 : i32
      %multiple_of3A_314 = tpu.assume_multiple %add3A_313, 8 : i32
      %dma_start3A_315 = arith.constant 1 : i32
      %dma_start3A_316 = arith.constant 0 : i32
      %dma_start3A_317 = arith.constant 0 : i32
      %dma_start3A_318 = tpu.memref_slice %arg9[%dma_start3A_315, %dma_start3A_316, %dma_start3A_317] : memref<2x128x128xf32, #tpu.memory_space<vmem>> -> memref<1x128x128xf32, #tpu.memory_space<vmem>>
      %dma_start3A_319 = tpu.memref_squeeze %dma_start3A_318 : memref<1x128x128xf32, #tpu.memory_space<vmem>> -> memref<128x128xf32, #tpu.memory_space<vmem>>
      %dma_start3A_320 = arith.constant 0 : i32
      %dma_start3A_321 = tpu.memref_slice %arg6[%multiple_of3A_314, %dma_start3A_320] : memref<320000x128xf32, #tpu.memory_space<hbm>> -> memref<128x128xf32, #tpu.memory_space<hbm>>
      %dma_start3A_322 = arith.constant 0 : i32
      %dma_start3A_323 = tpu.memref_slice %arg6[%multiple_of3A_314, %dma_start3A_322] : memref<320000x128xf32, #tpu.memory_space<hbm>> -> memref<128x128xf32, #tpu.memory_space<hbm>>
      %dma_start3A_324 = arith.constant 0 : i32
      %dma_start3A_325 = arith.constant 0 : i32
      %dma_start3A_326 = tpu.memref_slice %arg9[%dma_start3A_315, %dma_start3A_324, %dma_start3A_325] : memref<2x128x128xf32, #tpu.memory_space<vmem>> -> memref<1x128x128xf32, #tpu.memory_space<vmem>>
      %dma_start3A_327 = tpu.memref_squeeze %dma_start3A_326 : memref<1x128x128xf32, #tpu.memory_space<vmem>> -> memref<128x128xf32, #tpu.memory_space<vmem>>
      tpu.enqueue_dma source(%dma_start3A_327 : memref<128x128xf32, #tpu.memory_space<vmem>>) target(%dma_start3A_323 : memref<128x128xf32, #tpu.memory_space<hbm>>) target_semaphore(%arg15 : memref<!tpu.dma_semaphore, #tpu.memory_space<semaphore_mem>>)
      %lt3A_328 = arith.constant 38 : i32
      %lt3A_329 = arith.cmpi slt, %scan3A_181, %lt3A_328 : i32
      %convert_element_type3A_330 = arith.extui %lt3A_329 : i1 to i32
      %cond3A_331 = arith.constant 0 : i32
      %cond3A_332 = arith.cmpi ne, %convert_element_type3A_330, %cond3A_331 : i32
      scf.if %cond3A_332 {
        %add3A_333 = arith.constant 3 : i32
        %add3A_334 = arith.addi %mul3A_183, %add3A_333 : i32
        %mul3A_335 = arith.constant 128 : i32
        %mul3A_336 = arith.muli %add3A_334, %mul3A_335 : i32
        %add3A_337 = arith.addi %multiple_of3A, %mul3A_336 : i32
        %multiple_of3A_338 = tpu.assume_multiple %add3A_337, 8 : i32
        %dma_start3A_339 = arith.constant 1 : i32
        %dma_start3A_340 = arith.constant 0 : i32
        %dma_start3A_341 = tpu.memref_slice %arg7[%dma_start3A_339, %dma_start3A_340] : memref<2x128xi32, #tpu.memory_space<vmem>> -> memref<1x128xi32, #tpu.memory_space<vmem>>
        %dma_start3A_342 = tpu.memref_squeeze %dma_start3A_341 : memref<1x128xi32, #tpu.memory_space<vmem>> -> memref<128xi32, #tpu.memory_space<vmem>>
        %dma_start3A_343 = tpu.memref_slice %arg4[%multiple_of3A_338] : memref<320000xi32, #tpu.memory_space<hbm>> -> memref<128xi32, #tpu.memory_space<hbm>>
        %dma_start3A_344 = arith.constant 0 : i32
        %dma_start3A_345 = tpu.memref_slice %arg7[%dma_start3A_339, %dma_start3A_344] : memref<2x128xi32, #tpu.memory_space<vmem>> -> memref<1x128xi32, #tpu.memory_space<vmem>>
        %dma_start3A_346 = tpu.memref_squeeze %dma_start3A_345 : memref<1x128xi32, #tpu.memory_space<vmem>> -> memref<128xi32, #tpu.memory_space<vmem>>
        %dma_start3A_347 = tpu.memref_slice %arg4[%multiple_of3A_338] : memref<320000xi32, #tpu.memory_space<hbm>> -> memref<128xi32, #tpu.memory_space<hbm>>
        tpu.enqueue_dma source(%dma_start3A_347 : memref<128xi32, #tpu.memory_space<hbm>>) target(%dma_start3A_346 : memref<128xi32, #tpu.memory_space<vmem>>) target_semaphore(%arg11 : memref<!tpu.dma_semaphore, #tpu.memory_space<semaphore_mem>>)
        %mul3A_348 = arith.constant 128 : i32
        %mul3A_349 = arith.muli %add3A_334, %mul3A_348 : i32
        %add3A_350 = arith.addi %multiple_of3A, %mul3A_349 : i32
        %multiple_of3A_351 = tpu.assume_multiple %add3A_350, 8 : i32
        %dma_start3A_352 = arith.constant 1 : i32
        %dma_start3A_353 = arith.constant 0 : i32
        %dma_start3A_354 = tpu.memref_slice %arg8[%dma_start3A_352, %dma_start3A_353] : memref<2x128xi32, #tpu.memory_space<vmem>> -> memref<1x128xi32, #tpu.memory_space<vmem>>
        %dma_start3A_355 = tpu.memref_squeeze %dma_start3A_354 : memref<1x128xi32, #tpu.memory_space<vmem>> -> memref<128xi32, #tpu.memory_space<vmem>>
        %dma_start3A_356 = tpu.memref_slice %arg5[%multiple_of3A_351] : memref<320000xi32, #tpu.memory_space<hbm>> -> memref<128xi32, #tpu.memory_space<hbm>>
        %dma_start3A_357 = arith.constant 0 : i32
        %dma_start3A_358 = tpu.memref_slice %arg8[%dma_start3A_352, %dma_start3A_357] : memref<2x128xi32, #tpu.memory_space<vmem>> -> memref<1x128xi32, #tpu.memory_space<vmem>>
        %dma_start3A_359 = tpu.memref_squeeze %dma_start3A_358 : memref<1x128xi32, #tpu.memory_space<vmem>> -> memref<128xi32, #tpu.memory_space<vmem>>
        %dma_start3A_360 = tpu.memref_slice %arg5[%multiple_of3A_351] : memref<320000xi32, #tpu.memory_space<hbm>> -> memref<128xi32, #tpu.memory_space<hbm>>
        tpu.enqueue_dma source(%dma_start3A_360 : memref<128xi32, #tpu.memory_space<hbm>>) target(%dma_start3A_359 : memref<128xi32, #tpu.memory_space<vmem>>) target_semaphore(%arg11 : memref<!tpu.dma_semaphore, #tpu.memory_space<semaphore_mem>>)
      } else {
      }
    }
    %scan3A_95 = arith.constant 39 : i32
    %dma_wait3A_96 = arith.constant 1 : i32
    %dma_wait3A_97 = arith.constant 0 : i32
    %dma_wait3A_98 = arith.constant 0 : i32
    %dma_wait3A_99 = tpu.memref_slice %arg9[%dma_wait3A_96, %dma_wait3A_97, %dma_wait3A_98] : memref<2x128x128xf32, #tpu.memory_space<vmem>> -> memref<1x128x128xf32, #tpu.memory_space<vmem>>
    %dma_wait3A_100 = tpu.memref_squeeze %dma_wait3A_99 : memref<1x128x128xf32, #tpu.memory_space<vmem>> -> memref<128x128xf32, #tpu.memory_space<vmem>>
    %dma_wait3A_101 = arith.constant 0 : i32
    %dma_wait3A_102 = tpu.memref_slice %arg6[%multiple_of3A, %dma_wait3A_101] : memref<320000x128xf32, #tpu.memory_space<hbm>> -> memref<128x128xf32, #tpu.memory_space<hbm>>
    %dma_wait3A_103 = arith.constant 0 : i32
    %dma_wait3A_104 = tpu.memref_slice %arg6[%multiple_of3A, %dma_wait3A_103] : memref<320000x128xf32, #tpu.memory_space<hbm>> -> memref<128x128xf32, #tpu.memory_space<hbm>>
    %dma_wait3A_105 = arith.constant 0 : i32
    %dma_wait3A_106 = arith.constant 0 : i32
    %dma_wait3A_107 = tpu.memref_slice %arg9[%dma_wait3A_96, %dma_wait3A_105, %dma_wait3A_106] : memref<2x128x128xf32, #tpu.memory_space<vmem>> -> memref<1x128x128xf32, #tpu.memory_space<vmem>>
    %dma_wait3A_108 = tpu.memref_squeeze %dma_wait3A_107 : memref<1x128x128xf32, #tpu.memory_space<vmem>> -> memref<128x128xf32, #tpu.memory_space<vmem>>
    tpu.wait_dma2 semaphore(%arg15 : memref<!tpu.dma_semaphore, #tpu.memory_space<semaphore_mem>>) src(%dma_wait3A_108 : memref<128x128xf32, #tpu.memory_space<vmem>>) dst(%dma_wait3A_104 : memref<128x128xf32, #tpu.memory_space<hbm>>)
    %dma_wait3A_109 = arith.constant 0 : i32
    %dma_wait3A_110 = arith.constant 0 : i32
    %dma_wait3A_111 = arith.constant 0 : i32
    %dma_wait3A_112 = tpu.memref_slice %arg9[%dma_wait3A_109, %dma_wait3A_110, %dma_wait3A_111] : memref<2x128x128xf32, #tpu.memory_space<vmem>> -> memref<1x128x128xf32, #tpu.memory_space<vmem>>
    %dma_wait3A_113 = tpu.memref_squeeze %dma_wait3A_112 : memref<1x128x128xf32, #tpu.memory_space<vmem>> -> memref<128x128xf32, #tpu.memory_space<vmem>>
    %dma_wait3A_114 = arith.constant 0 : i32
    %dma_wait3A_115 = tpu.memref_slice %arg6[%multiple_of3A, %dma_wait3A_114] : memref<320000x128xf32, #tpu.memory_space<hbm>> -> memref<128x128xf32, #tpu.memory_space<hbm>>
    %dma_wait3A_116 = arith.constant 0 : i32
    %dma_wait3A_117 = tpu.memref_slice %arg6[%multiple_of3A, %dma_wait3A_116] : memref<320000x128xf32, #tpu.memory_space<hbm>> -> memref<128x128xf32, #tpu.memory_space<hbm>>
    %dma_wait3A_118 = arith.constant 0 : i32
    %dma_wait3A_119 = arith.constant 0 : i32
    %dma_wait3A_120 = tpu.memref_slice %arg9[%dma_wait3A_109, %dma_wait3A_118, %dma_wait3A_119] : memref<2x128x128xf32, #tpu.memory_space<vmem>> -> memref<1x128x128xf32, #tpu.memory_space<vmem>>
    %dma_wait3A_121 = tpu.memref_squeeze %dma_wait3A_120 : memref<1x128x128xf32, #tpu.memory_space<vmem>> -> memref<128x128xf32, #tpu.memory_space<vmem>>
    tpu.wait_dma2 semaphore(%arg14 : memref<!tpu.dma_semaphore, #tpu.memory_space<semaphore_mem>>) src(%dma_wait3A_121 : memref<128x128xf32, #tpu.memory_space<vmem>>) dst(%dma_wait3A_117 : memref<128x128xf32, #tpu.memory_space<hbm>>)
    %add3A_122 = arith.constant 9984 : i32
    %add3A_123 = arith.addi %multiple_of3A, %add3A_122 : i32
    %multiple_of3A_124 = tpu.assume_multiple %add3A_123, 8 : i32
    %run_scoped3A = arith.constant 0 : i32
    "tpu.region"() ({
      %run_scoped3A_181 = tpu.sem_alloc : memref<!tpu.dma_semaphore, #tpu.memory_space<semaphore_mem>>
      %dma_start3A_182 = arith.constant 0 : i32
      %dma_start3A_183 = tpu.memref_slice %arg7[%run_scoped3A, %dma_start3A_182] : memref<2x128xi32, #tpu.memory_space<vmem>> -> memref<1x16xi32, #tpu.memory_space<vmem>>
      %dma_start3A_184 = tpu.memref_squeeze %dma_start3A_183 : memref<1x16xi32, #tpu.memory_space<vmem>> -> memref<16xi32, #tpu.memory_space<vmem>>
      %dma_start3A_185 = tpu.memref_slice %arg4[%multiple_of3A_124] : memref<320000xi32, #tpu.memory_space<hbm>> -> memref<16xi32, #tpu.memory_space<hbm>>
      %dma_start3A_186 = arith.constant 0 : i32
      %dma_start3A_187 = tpu.memref_slice %arg7[%run_scoped3A, %dma_start3A_186] : memref<2x128xi32, #tpu.memory_space<vmem>> -> memref<1x16xi32, #tpu.memory_space<vmem>>
      %dma_start3A_188 = tpu.memref_squeeze %dma_start3A_187 : memref<1x16xi32, #tpu.memory_space<vmem>> -> memref<16xi32, #tpu.memory_space<vmem>>
      %dma_start3A_189 = tpu.memref_slice %arg4[%multiple_of3A_124] : memref<320000xi32, #tpu.memory_space<hbm>> -> memref<16xi32, #tpu.memory_space<hbm>>
      tpu.enqueue_dma source(%dma_start3A_189 : memref<16xi32, #tpu.memory_space<hbm>>) target(%dma_start3A_188 : memref<16xi32, #tpu.memory_space<vmem>>) target_semaphore(%run_scoped3A_181 : memref<!tpu.dma_semaphore, #tpu.memory_space<semaphore_mem>>)
      %dma_wait3A_190 = arith.constant 0 : i32
      %dma_wait3A_191 = tpu.memref_slice %arg7[%run_scoped3A, %dma_wait3A_190] : memref<2x128xi32, #tpu.memory_space<vmem>> -> memref<1x16xi32, #tpu.memory_space<vmem>>
      %dma_wait3A_192 = tpu.memref_squeeze %dma_wait3A_191 : memref<1x16xi32, #tpu.memory_space<vmem>> -> memref<16xi32, #tpu.memory_space<vmem>>
      %dma_wait3A_193 = tpu.memref_slice %arg4[%multiple_of3A_124] : memref<320000xi32, #tpu.memory_space<hbm>> -> memref<16xi32, #tpu.memory_space<hbm>>
      %dma_wait3A_194 = arith.constant 0 : i32
      %dma_wait3A_195 = tpu.memref_slice %arg7[%run_scoped3A, %dma_wait3A_194] : memref<2x128xi32, #tpu.memory_space<vmem>> -> memref<1x16xi32, #tpu.memory_space<vmem>>
      %dma_wait3A_196 = tpu.memref_squeeze %dma_wait3A_195 : memref<1x16xi32, #tpu.memory_space<vmem>> -> memref<16xi32, #tpu.memory_space<vmem>>
      %dma_wait3A_197 = tpu.memref_slice %arg4[%multiple_of3A_124] : memref<320000xi32, #tpu.memory_space<hbm>> -> memref<16xi32, #tpu.memory_space<hbm>>
      tpu.wait_dma2 semaphore(%run_scoped3A_181 : memref<!tpu.dma_semaphore, #tpu.memory_space<semaphore_mem>>) src(%dma_wait3A_197 : memref<16xi32, #tpu.memory_space<hbm>>) dst(%dma_wait3A_196 : memref<16xi32, #tpu.memory_space<vmem>>)
      tpu.yield
    }) : () -> ()
    %run_scoped3A_125 = arith.constant 0 : i32
    "tpu.region"() ({
      %run_scoped3A_181 = tpu.sem_alloc : memref<!tpu.dma_semaphore, #tpu.memory_space<semaphore_mem>>
      %dma_start3A_182 = arith.constant 0 : i32
      %dma_start3A_183 = tpu.memref_slice %arg8[%run_scoped3A_125, %dma_start3A_182] : memref<2x128xi32, #tpu.memory_space<vmem>> -> memref<1x16xi32, #tpu.memory_space<vmem>>
      %dma_start3A_184 = tpu.memref_squeeze %dma_start3A_183 : memref<1x16xi32, #tpu.memory_space<vmem>> -> memref<16xi32, #tpu.memory_space<vmem>>
      %dma_start3A_185 = tpu.memref_slice %arg5[%multiple_of3A_124] : memref<320000xi32, #tpu.memory_space<hbm>> -> memref<16xi32, #tpu.memory_space<hbm>>
      %dma_start3A_186 = arith.constant 0 : i32
      %dma_start3A_187 = tpu.memref_slice %arg8[%run_scoped3A_125, %dma_start3A_186] : memref<2x128xi32, #tpu.memory_space<vmem>> -> memref<1x16xi32, #tpu.memory_space<vmem>>
      %dma_start3A_188 = tpu.memref_squeeze %dma_start3A_187 : memref<1x16xi32, #tpu.memory_space<vmem>> -> memref<16xi32, #tpu.memory_space<vmem>>
      %dma_start3A_189 = tpu.memref_slice %arg5[%multiple_of3A_124] : memref<320000xi32, #tpu.memory_space<hbm>> -> memref<16xi32, #tpu.memory_space<hbm>>
      tpu.enqueue_dma source(%dma_start3A_189 : memref<16xi32, #tpu.memory_space<hbm>>) target(%dma_start3A_188 : memref<16xi32, #tpu.memory_space<vmem>>) target_semaphore(%run_scoped3A_181 : memref<!tpu.dma_semaphore, #tpu.memory_space<semaphore_mem>>)
      %dma_wait3A_190 = arith.constant 0 : i32
      %dma_wait3A_191 = tpu.memref_slice %arg8[%run_scoped3A_125, %dma_wait3A_190] : memref<2x128xi32, #tpu.memory_space<vmem>> -> memref<1x16xi32, #tpu.memory_space<vmem>>
      %dma_wait3A_192 = tpu.memref_squeeze %dma_wait3A_191 : memref<1x16xi32, #tpu.memory_space<vmem>> -> memref<16xi32, #tpu.memory_space<vmem>>
      %dma_wait3A_193 = tpu.memref_slice %arg5[%multiple_of3A_124] : memref<320000xi32, #tpu.memory_space<hbm>> -> memref<16xi32, #tpu.memory_space<hbm>>
      %dma_wait3A_194 = arith.constant 0 : i32
      %dma_wait3A_195 = tpu.memref_slice %arg8[%run_scoped3A_125, %dma_wait3A_194] : memref<2x128xi32, #tpu.memory_space<vmem>> -> memref<1x16xi32, #tpu.memory_space<vmem>>
      %dma_wait3A_196 = tpu.memref_squeeze %dma_wait3A_195 : memref<1x16xi32, #tpu.memory_space<vmem>> -> memref<16xi32, #tpu.memory_space<vmem>>
      %dma_wait3A_197 = tpu.memref_slice %arg5[%multiple_of3A_124] : memref<320000xi32, #tpu.memory_space<hbm>> -> memref<16xi32, #tpu.memory_space<hbm>>
      tpu.wait_dma2 semaphore(%run_scoped3A_181 : memref<!tpu.dma_semaphore, #tpu.memory_space<semaphore_mem>>) src(%dma_wait3A_197 : memref<16xi32, #tpu.memory_space<hbm>>) dst(%dma_wait3A_196 : memref<16xi32, #tpu.memory_space<vmem>>)
      tpu.yield
    }) : () -> ()
    %dma_start3A_126 = arith.constant 0 : i32
    %dma_start3A_127 = arith.constant 0 : i32
    %dma_start3A_128 = arith.constant 0 : i32
    %dma_start3A_129 = arith.constant 0 : i32
    %dma_start3A_130 = tpu.memref_slice %arg9[%dma_start3A_127, %dma_start3A_128, %dma_start3A_129] : memref<2x128x128xf32, #tpu.memory_space<vmem>> -> memref<1x16x128xf32, #tpu.memory_space<vmem>>
    %dma_start3A_131 = tpu.memref_squeeze %dma_start3A_130 : memref<1x16x128xf32, #tpu.memory_space<vmem>> -> memref<16x128xf32, #tpu.memory_space<vmem>>
    %dma_start3A_132 = arith.constant 0 : i32
    %dma_start3A_133 = tpu.memref_slice %arg7[%dma_start3A_126, %dma_start3A_132] : memref<2x128xi32, #tpu.memory_space<vmem>> -> memref<1x16xi32, #tpu.memory_space<vmem>>
    %dma_start3A_134 = tpu.memref_squeeze %dma_start3A_133 : memref<1x16xi32, #tpu.memory_space<vmem>> -> memref<16xi32, #tpu.memory_space<vmem>>
    %dma_start3A_135 = arith.constant 0 : i32
    %dma_start3A_136 = arith.constant 0 : i32
    %dma_start3A_137 = tpu.memref_slice %arg2[%dma_start3A_135, %dma_start3A_136] : memref<10000x128xf32, #tpu.memory_space<hbm>> -> memref<10000x128xf32, #tpu.memory_space<hbm>>
    tpu.enqueue_indirect_dma source(%dma_start3A_137 : memref<10000x128xf32, #tpu.memory_space<hbm>>) target(%dma_start3A_131 : memref<16x128xf32, #tpu.memory_space<vmem>>) offsets(%dma_start3A_134 : memref<16xi32, #tpu.memory_space<vmem>>) semaphore(%arg12 : memref<!tpu.dma_semaphore, #tpu.memory_space<semaphore_mem>>)
    %dma_start3A_138 = arith.constant 0 : i32
    %dma_start3A_139 = arith.constant 0 : i32
    %dma_start3A_140 = arith.constant 0 : i32
    %dma_start3A_141 = arith.constant 0 : i32
    %dma_start3A_142 = tpu.memref_slice %arg10[%dma_start3A_139, %dma_start3A_140, %dma_start3A_141] : memref<2x128x128xf32, #tpu.memory_space<vmem>> -> memref<1x16x128xf32, #tpu.memory_space<vmem>>
    %dma_start3A_143 = tpu.memref_squeeze %dma_start3A_142 : memref<1x16x128xf32, #tpu.memory_space<vmem>> -> memref<16x128xf32, #tpu.memory_space<vmem>>
    %dma_start3A_144 = arith.constant 0 : i32
    %dma_start3A_145 = tpu.memref_slice %arg8[%dma_start3A_138, %dma_start3A_144] : memref<2x128xi32, #tpu.memory_space<vmem>> -> memref<1x16xi32, #tpu.memory_space<vmem>>
    %dma_start3A_146 = tpu.memref_squeeze %dma_start3A_145 : memref<1x16xi32, #tpu.memory_space<vmem>> -> memref<16xi32, #tpu.memory_space<vmem>>
    %dma_start3A_147 = arith.constant 0 : i32
    %dma_start3A_148 = arith.constant 0 : i32
    %dma_start3A_149 = tpu.memref_slice %arg3[%dma_start3A_147, %dma_start3A_148] : memref<10000x128xf32, #tpu.memory_space<hbm>> -> memref<10000x128xf32, #tpu.memory_space<hbm>>
    tpu.enqueue_indirect_dma source(%dma_start3A_149 : memref<10000x128xf32, #tpu.memory_space<hbm>>) target(%dma_start3A_143 : memref<16x128xf32, #tpu.memory_space<vmem>>) offsets(%dma_start3A_146 : memref<16xi32, #tpu.memory_space<vmem>>) semaphore(%arg13 : memref<!tpu.dma_semaphore, #tpu.memory_space<semaphore_mem>>)
    %dma_wait3A_150 = arith.constant 0 : i32
    %dma_wait3A_151 = arith.constant 0 : i32
    %dma_wait3A_152 = arith.constant 0 : i32
    %dma_wait3A_153 = arith.constant 0 : i32
    %dma_wait3A_154 = tpu.memref_slice %arg9[%dma_wait3A_151, %dma_wait3A_152, %dma_wait3A_153] : memref<2x128x128xf32, #tpu.memory_space<vmem>> -> memref<1x16x128xf32, #tpu.memory_space<vmem>>
    %dma_wait3A_155 = tpu.memref_squeeze %dma_wait3A_154 : memref<1x16x128xf32, #tpu.memory_space<vmem>> -> memref<16x128xf32, #tpu.memory_space<vmem>>
    %dma_wait3A_156 = arith.constant 0 : i32
    %dma_wait3A_157 = tpu.memref_slice %arg7[%dma_wait3A_150, %dma_wait3A_156] : memref<2x128xi32, #tpu.memory_space<vmem>> -> memref<1x16xi32, #tpu.memory_space<vmem>>
    %dma_wait3A_158 = tpu.memref_squeeze %dma_wait3A_157 : memref<1x16xi32, #tpu.memory_space<vmem>> -> memref<16xi32, #tpu.memory_space<vmem>>
    %dma_wait3A_159 = arith.constant 0 : i32
    %dma_wait3A_160 = arith.constant 0 : i32
    %dma_wait3A_161 = tpu.memref_slice %arg2[%dma_wait3A_159, %dma_wait3A_160] : memref<10000x128xf32, #tpu.memory_space<hbm>> -> memref<10000x128xf32, #tpu.memory_space<hbm>>
    tpu.wait_indirect_dma semaphore(%arg12 : memref<!tpu.dma_semaphore, #tpu.memory_space<semaphore_mem>>) src(%dma_wait3A_161 : memref<10000x128xf32, #tpu.memory_space<hbm>>) dst(%dma_wait3A_155 : memref<16x128xf32, #tpu.memory_space<vmem>>)
    %dma_wait3A_162 = arith.constant 0 : i32
    %dma_wait3A_163 = arith.constant 0 : i32
    %dma_wait3A_164 = arith.constant 0 : i32
    %dma_wait3A_165 = arith.constant 0 : i32
    %dma_wait3A_166 = tpu.memref_slice %arg10[%dma_wait3A_163, %dma_wait3A_164, %dma_wait3A_165] : memref<2x128x128xf32, #tpu.memory_space<vmem>> -> memref<1x16x128xf32, #tpu.memory_space<vmem>>
    %dma_wait3A_167 = tpu.memref_squeeze %dma_wait3A_166 : memref<1x16x128xf32, #tpu.memory_space<vmem>> -> memref<16x128xf32, #tpu.memory_space<vmem>>
    %dma_wait3A_168 = arith.constant 0 : i32
    %dma_wait3A_169 = tpu.memref_slice %arg8[%dma_wait3A_162, %dma_wait3A_168] : memref<2x128xi32, #tpu.memory_space<vmem>> -> memref<1x16xi32, #tpu.memory_space<vmem>>
    %dma_wait3A_170 = tpu.memref_squeeze %dma_wait3A_169 : memref<1x16xi32, #tpu.memory_space<vmem>> -> memref<16xi32, #tpu.memory_space<vmem>>
    %dma_wait3A_171 = arith.constant 0 : i32
    %dma_wait3A_172 = arith.constant 0 : i32
    %dma_wait3A_173 = tpu.memref_slice %arg3[%dma_wait3A_171, %dma_wait3A_172] : memref<10000x128xf32, #tpu.memory_space<hbm>> -> memref<10000x128xf32, #tpu.memory_space<hbm>>
    tpu.wait_indirect_dma semaphore(%arg13 : memref<!tpu.dma_semaphore, #tpu.memory_space<semaphore_mem>>) src(%dma_wait3A_173 : memref<10000x128xf32, #tpu.memory_space<hbm>>) dst(%dma_wait3A_167 : memref<16x128xf32, #tpu.memory_space<vmem>>)
    %scan3A_174 = arith.constant 0 : i32
    %scan3A_175 = arith.constant 0 : i32
    %scan3A_176 = arith.constant 16 : i32
    %scan3A_177 = arith.addi %scan3A_175, %scan3A_176 : i32
    %scan3A_178 = arith.constant 1 : i32
    scf.for %scan3A_181 = %scan3A_175 to %scan3A_177 step %scan3A_178  : i32 {
      %get3A = arith.constant 0 : i32
      %get3A_182 = arith.index_cast %get3A : i32 to index
      %get3A_183 = arith.index_cast %scan3A_181 : i32 to index
      %get3A_184 = arith.constant 0 : index
      %get3A_185 = tpu.vector_load %arg9[%get3A_182, %get3A_183, %get3A_184] {strides = array<i32>} : memref<2x128x128xf32, #tpu.memory_space<vmem>>, vector<1x1x16xf32>,
      %get3A_186 = vector.shape_cast %get3A_185 : vector<1x1x16xf32> to vector<16xf32>
      %get3A_187 = arith.constant 0 : i32
      %get3A_188 = arith.index_cast %get3A_187 : i32 to index
      %get3A_189 = arith.index_cast %scan3A_181 : i32 to index
      %get3A_190 = arith.constant 0 : index
      %get3A_191 = tpu.vector_load %arg10[%get3A_188, %get3A_189, %get3A_190] {strides = array<i32>} : memref<2x128x128xf32, #tpu.memory_space<vmem>>, vector<1x1x16xf32>,
      %get3A_192 = vector.shape_cast %get3A_191 : vector<1x1x16xf32> to vector<16xf32>
      %add3A_193 = arith.addf %get3A_186, %get3A_192 : vector<16xf32>
      %swap3A = arith.constant 0 : i32
      %swap3A_194 = arith.index_cast %swap3A : i32 to index
      %swap3A_195 = arith.index_cast %scan3A_181 : i32 to index
      %swap3A_196 = arith.constant 0 : index
      %swap3A_197 = tpu.vector_load %arg9[%swap3A_194, %swap3A_195, %swap3A_196] {strides = array<i32>} : memref<2x128x128xf32, #tpu.memory_space<vmem>>, vector<1x1x16xf32>,
      %swap3A_198 = vector.shape_cast %swap3A_197 : vector<1x1x16xf32> to vector<16xf32>
      %swap3A_199 = vector.shape_cast %add3A_193 : vector<16xf32> to vector<1x1x16xf32>
      tpu.vector_store %arg9[%swap3A_194, %swap3A_195, %swap3A_196], %swap3A_199 {strides = array<i32>} : memref<2x128x128xf32, #tpu.memory_space<vmem>>, vector<1x1x16xf32>,
      %get3A_200 = arith.constant 0 : i32
      %get3A_201 = arith.index_cast %get3A_200 : i32 to index
      %get3A_202 = arith.index_cast %scan3A_181 : i32 to index
      %get3A_203 = arith.constant 16 : index
      %get3A_204 = tpu.vector_load %arg9[%get3A_201, %get3A_202, %get3A_203] {strides = array<i32>} : memref<2x128x128xf32, #tpu.memory_space<vmem>>, vector<1x1x16xf32>,
      %get3A_205 = vector.shape_cast %get3A_204 : vector<1x1x16xf32> to vector<16xf32>
      %get3A_206 = arith.constant 0 : i32
      %get3A_207 = arith.index_cast %get3A_206 : i32 to index
      %get3A_208 = arith.index_cast %scan3A_181 : i32 to index
      %get3A_209 = arith.constant 16 : index
      %get3A_210 = tpu.vector_load %arg10[%get3A_207, %get3A_208, %get3A_209] {strides = array<i32>} : memref<2x128x128xf32, #tpu.memory_space<vmem>>, vector<1x1x16xf32>,
      %get3A_211 = vector.shape_cast %get3A_210 : vector<1x1x16xf32> to vector<16xf32>
      %add3A_212 = arith.addf %get3A_205, %get3A_211 : vector<16xf32>
      %swap3A_213 = arith.constant 0 : i32
      %swap3A_214 = arith.index_cast %swap3A_213 : i32 to index
      %swap3A_215 = arith.index_cast %scan3A_181 : i32 to index
      %swap3A_216 = arith.constant 16 : index
      %swap3A_217 = tpu.vector_load %arg9[%swap3A_214, %swap3A_215, %swap3A_216] {strides = array<i32>} : memref<2x128x128xf32, #tpu.memory_space<vmem>>, vector<1x1x16xf32>,
      %swap3A_218 = vector.shape_cast %swap3A_217 : vector<1x1x16xf32> to vector<16xf32>
      %swap3A_219 = vector.shape_cast %add3A_212 : vector<16xf32> to vector<1x1x16xf32>
      tpu.vector_store %arg9[%swap3A_214, %swap3A_215, %swap3A_216], %swap3A_219 {strides = array<i32>} : memref<2x128x128xf32, #tpu.memory_space<vmem>>, vector<1x1x16xf32>,
      %get3A_220 = arith.constant 0 : i32
      %get3A_221 = arith.index_cast %get3A_220 : i32 to index
      %get3A_222 = arith.index_cast %scan3A_181 : i32 to index
      %get3A_223 = arith.constant 32 : index
      %get3A_224 = tpu.vector_load %arg9[%get3A_221, %get3A_222, %get3A_223] {strides = array<i32>} : memref<2x128x128xf32, #tpu.memory_space<vmem>>, vector<1x1x16xf32>,
      %get3A_225 = vector.shape_cast %get3A_224 : vector<1x1x16xf32> to vector<16xf32>
      %get3A_226 = arith.constant 0 : i32
      %get3A_227 = arith.index_cast %get3A_226 : i32 to index
      %get3A_228 = arith.index_cast %scan3A_181 : i32 to index
      %get3A_229 = arith.constant 32 : index
      %get3A_230 = tpu.vector_load %arg10[%get3A_227, %get3A_228, %get3A_229] {strides = array<i32>} : memref<2x128x128xf32, #tpu.memory_space<vmem>>, vector<1x1x16xf32>,
      %get3A_231 = vector.shape_cast %get3A_230 : vector<1x1x16xf32> to vector<16xf32>
      %add3A_232 = arith.addf %get3A_225, %get3A_231 : vector<16xf32>
      %swap3A_233 = arith.constant 0 : i32
      %swap3A_234 = arith.index_cast %swap3A_233 : i32 to index
      %swap3A_235 = arith.index_cast %scan3A_181 : i32 to index
      %swap3A_236 = arith.constant 32 : index
      %swap3A_237 = tpu.vector_load %arg9[%swap3A_234, %swap3A_235, %swap3A_236] {strides = array<i32>} : memref<2x128x128xf32, #tpu.memory_space<vmem>>, vector<1x1x16xf32>,
      %swap3A_238 = vector.shape_cast %swap3A_237 : vector<1x1x16xf32> to vector<16xf32>
      %swap3A_239 = vector.shape_cast %add3A_232 : vector<16xf32> to vector<1x1x16xf32>
      tpu.vector_store %arg9[%swap3A_234, %swap3A_235, %swap3A_236], %swap3A_239 {strides = array<i32>} : memref<2x128x128xf32, #tpu.memory_space<vmem>>, vector<1x1x16xf32>,
      %get3A_240 = arith.constant 0 : i32
      %get3A_241 = arith.index_cast %get3A_240 : i32 to index
      %get3A_242 = arith.index_cast %scan3A_181 : i32 to index
      %get3A_243 = arith.constant 48 : index
      %get3A_244 = tpu.vector_load %arg9[%get3A_241, %get3A_242, %get3A_243] {strides = array<i32>} : memref<2x128x128xf32, #tpu.memory_space<vmem>>, vector<1x1x16xf32>,
      %get3A_245 = vector.shape_cast %get3A_244 : vector<1x1x16xf32> to vector<16xf32>
      %get3A_246 = arith.constant 0 : i32
      %get3A_247 = arith.index_cast %get3A_246 : i32 to index
      %get3A_248 = arith.index_cast %scan3A_181 : i32 to index
      %get3A_249 = arith.constant 48 : index
      %get3A_250 = tpu.vector_load %arg10[%get3A_247, %get3A_248, %get3A_249] {strides = array<i32>} : memref<2x128x128xf32, #tpu.memory_space<vmem>>, vector<1x1x16xf32>,
      %get3A_251 = vector.shape_cast %get3A_250 : vector<1x1x16xf32> to vector<16xf32>
      %add3A_252 = arith.addf %get3A_245, %get3A_251 : vector<16xf32>
      %swap3A_253 = arith.constant 0 : i32
      %swap3A_254 = arith.index_cast %swap3A_253 : i32 to index
      %swap3A_255 = arith.index_cast %scan3A_181 : i32 to index
      %swap3A_256 = arith.constant 48 : index
      %swap3A_257 = tpu.vector_load %arg9[%swap3A_254, %swap3A_255, %swap3A_256] {strides = array<i32>} : memref<2x128x128xf32, #tpu.memory_space<vmem>>, vector<1x1x16xf32>,
      %swap3A_258 = vector.shape_cast %swap3A_257 : vector<1x1x16xf32> to vector<16xf32>
      %swap3A_259 = vector.shape_cast %add3A_252 : vector<16xf32> to vector<1x1x16xf32>
      tpu.vector_store %arg9[%swap3A_254, %swap3A_255, %swap3A_256], %swap3A_259 {strides = array<i32>} : memref<2x128x128xf32, #tpu.memory_space<vmem>>, vector<1x1x16xf32>,
      %get3A_260 = arith.constant 0 : i32
      %get3A_261 = arith.index_cast %get3A_260 : i32 to index
      %get3A_262 = arith.index_cast %scan3A_181 : i32 to index
      %get3A_263 = arith.constant 64 : index
      %get3A_264 = tpu.vector_load %arg9[%get3A_261, %get3A_262, %get3A_263] {strides = array<i32>} : memref<2x128x128xf32, #tpu.memory_space<vmem>>, vector<1x1x16xf32>,
      %get3A_265 = vector.shape_cast %get3A_264 : vector<1x1x16xf32> to vector<16xf32>
      %get3A_266 = arith.constant 0 : i32
      %get3A_267 = arith.index_cast %get3A_266 : i32 to index
      %get3A_268 = arith.index_cast %scan3A_181 : i32 to index
      %get3A_269 = arith.constant 64 : index
      %get3A_270 = tpu.vector_load %arg10[%get3A_267, %get3A_268, %get3A_269] {strides = array<i32>} : memref<2x128x128xf32, #tpu.memory_space<vmem>>, vector<1x1x16xf32>,
      %get3A_271 = vector.shape_cast %get3A_270 : vector<1x1x16xf32> to vector<16xf32>
      %add3A_272 = arith.addf %get3A_265, %get3A_271 : vector<16xf32>
      %swap3A_273 = arith.constant 0 : i32
      %swap3A_274 = arith.index_cast %swap3A_273 : i32 to index
      %swap3A_275 = arith.index_cast %scan3A_181 : i32 to index
      %swap3A_276 = arith.constant 64 : index
      %swap3A_277 = tpu.vector_load %arg9[%swap3A_274, %swap3A_275, %swap3A_276] {strides = array<i32>} : memref<2x128x128xf32, #tpu.memory_space<vmem>>, vector<1x1x16xf32>,
      %swap3A_278 = vector.shape_cast %swap3A_277 : vector<1x1x16xf32> to vector<16xf32>
      %swap3A_279 = vector.shape_cast %add3A_272 : vector<16xf32> to vector<1x1x16xf32>
      tpu.vector_store %arg9[%swap3A_274, %swap3A_275, %swap3A_276], %swap3A_279 {strides = array<i32>} : memref<2x128x128xf32, #tpu.memory_space<vmem>>, vector<1x1x16xf32>,
      %get3A_280 = arith.constant 0 : i32
      %get3A_281 = arith.index_cast %get3A_280 : i32 to index
      %get3A_282 = arith.index_cast %scan3A_181 : i32 to index
      %get3A_283 = arith.constant 80 : index
      %get3A_284 = tpu.vector_load %arg9[%get3A_281, %get3A_282, %get3A_283] {strides = array<i32>} : memref<2x128x128xf32, #tpu.memory_space<vmem>>, vector<1x1x16xf32>,
      %get3A_285 = vector.shape_cast %get3A_284 : vector<1x1x16xf32> to vector<16xf32>
      %get3A_286 = arith.constant 0 : i32
      %get3A_287 = arith.index_cast %get3A_286 : i32 to index
      %get3A_288 = arith.index_cast %scan3A_181 : i32 to index
      %get3A_289 = arith.constant 80 : index
      %get3A_290 = tpu.vector_load %arg10[%get3A_287, %get3A_288, %get3A_289] {strides = array<i32>} : memref<2x128x128xf32, #tpu.memory_space<vmem>>, vector<1x1x16xf32>,
      %get3A_291 = vector.shape_cast %get3A_290 : vector<1x1x16xf32> to vector<16xf32>
      %add3A_292 = arith.addf %get3A_285, %get3A_291 : vector<16xf32>
      %swap3A_293 = arith.constant 0 : i32
      %swap3A_294 = arith.index_cast %swap3A_293 : i32 to index
      %swap3A_295 = arith.index_cast %scan3A_181 : i32 to index
      %swap3A_296 = arith.constant 80 : index
      %swap3A_297 = tpu.vector_load %arg9[%swap3A_294, %swap3A_295, %swap3A_296] {strides = array<i32>} : memref<2x128x128xf32, #tpu.memory_space<vmem>>, vector<1x1x16xf32>,
      %swap3A_298 = vector.shape_cast %swap3A_297 : vector<1x1x16xf32> to vector<16xf32>
      %swap3A_299 = vector.shape_cast %add3A_292 : vector<16xf32> to vector<1x1x16xf32>
      tpu.vector_store %arg9[%swap3A_294, %swap3A_295, %swap3A_296], %swap3A_299 {strides = array<i32>} : memref<2x128x128xf32, #tpu.memory_space<vmem>>, vector<1x1x16xf32>,
      %get3A_300 = arith.constant 0 : i32
      %get3A_301 = arith.index_cast %get3A_300 : i32 to index
      %get3A_302 = arith.index_cast %scan3A_181 : i32 to index
      %get3A_303 = arith.constant 96 : index
      %get3A_304 = tpu.vector_load %arg9[%get3A_301, %get3A_302, %get3A_303] {strides = array<i32>} : memref<2x128x128xf32, #tpu.memory_space<vmem>>, vector<1x1x16xf32>,
      %get3A_305 = vector.shape_cast %get3A_304 : vector<1x1x16xf32> to vector<16xf32>
      %get3A_306 = arith.constant 0 : i32
      %get3A_307 = arith.index_cast %get3A_306 : i32 to index
      %get3A_308 = arith.index_cast %scan3A_181 : i32 to index
      %get3A_309 = arith.constant 96 : index
      %get3A_310 = tpu.vector_load %arg10[%get3A_307, %get3A_308, %get3A_309] {strides = array<i32>} : memref<2x128x128xf32, #tpu.memory_space<vmem>>, vector<1x1x16xf32>,
      %get3A_311 = vector.shape_cast %get3A_310 : vector<1x1x16xf32> to vector<16xf32>
      %add3A_312 = arith.addf %get3A_305, %get3A_311 : vector<16xf32>
      %swap3A_313 = arith.constant 0 : i32
      %swap3A_314 = arith.index_cast %swap3A_313 : i32 to index
      %swap3A_315 = arith.index_cast %scan3A_181 : i32 to index
      %swap3A_316 = arith.constant 96 : index
      %swap3A_317 = tpu.vector_load %arg9[%swap3A_314, %swap3A_315, %swap3A_316] {strides = array<i32>} : memref<2x128x128xf32, #tpu.memory_space<vmem>>, vector<1x1x16xf32>,
      %swap3A_318 = vector.shape_cast %swap3A_317 : vector<1x1x16xf32> to vector<16xf32>
      %swap3A_319 = vector.shape_cast %add3A_312 : vector<16xf32> to vector<1x1x16xf32>
      tpu.vector_store %arg9[%swap3A_314, %swap3A_315, %swap3A_316], %swap3A_319 {strides = array<i32>} : memref<2x128x128xf32, #tpu.memory_space<vmem>>, vector<1x1x16xf32>,
      %get3A_320 = arith.constant 0 : i32
      %get3A_321 = arith.index_cast %get3A_320 : i32 to index
      %get3A_322 = arith.index_cast %scan3A_181 : i32 to index
      %get3A_323 = arith.constant 112 : index
      %get3A_324 = tpu.vector_load %arg9[%get3A_321, %get3A_322, %get3A_323] {strides = array<i32>} : memref<2x128x128xf32, #tpu.memory_space<vmem>>, vector<1x1x16xf32>,
      %get3A_325 = vector.shape_cast %get3A_324 : vector<1x1x16xf32> to vector<16xf32>
      %get3A_326 = arith.constant 0 : i32
      %get3A_327 = arith.index_cast %get3A_326 : i32 to index
      %get3A_328 = arith.index_cast %scan3A_181 : i32 to index
      %get3A_329 = arith.constant 112 : index
      %get3A_330 = tpu.vector_load %arg10[%get3A_327, %get3A_328, %get3A_329] {strides = array<i32>} : memref<2x128x128xf32, #tpu.memory_space<vmem>>, vector<1x1x16xf32>,
      %get3A_331 = vector.shape_cast %get3A_330 : vector<1x1x16xf32> to vector<16xf32>
      %add3A_332 = arith.addf %get3A_325, %get3A_331 : vector<16xf32>
      %swap3A_333 = arith.constant 0 : i32
      %swap3A_334 = arith.index_cast %swap3A_333 : i32 to index
      %swap3A_335 = arith.index_cast %scan3A_181 : i32 to index
      %swap3A_336 = arith.constant 112 : index
      %swap3A_337 = tpu.vector_load %arg9[%swap3A_334, %swap3A_335, %swap3A_336] {strides = array<i32>} : memref<2x128x128xf32, #tpu.memory_space<vmem>>, vector<1x1x16xf32>,
      %swap3A_338 = vector.shape_cast %swap3A_337 : vector<1x1x16xf32> to vector<16xf32>
      %swap3A_339 = vector.shape_cast %add3A_332 : vector<16xf32> to vector<1x1x16xf32>
      tpu.vector_store %arg9[%swap3A_334, %swap3A_335, %swap3A_336], %swap3A_339 {strides = array<i32>} : memref<2x128x128xf32, #tpu.memory_space<vmem>>, vector<1x1x16xf32>,
    }
    %scan3A_179 = arith.constant 16 : i32
    %run_scoped3A_180 = arith.constant 0 : i32
    "tpu.region"() ({
      %run_scoped3A_181 = tpu.sem_alloc : memref<!tpu.dma_semaphore, #tpu.memory_space<semaphore_mem>>
      %dma_start3A_182 = arith.constant 0 : i32
      %dma_start3A_183 = arith.constant 0 : i32
      %dma_start3A_184 = tpu.memref_slice %arg9[%run_scoped3A_180, %dma_start3A_182, %dma_start3A_183] : memref<2x128x128xf32, #tpu.memory_space<vmem>> -> memref<1x16x128xf32, #tpu.memory_space<vmem>>
      %dma_start3A_185 = tpu.memref_squeeze %dma_start3A_184 : memref<1x16x128xf32, #tpu.memory_space<vmem>> -> memref<16x128xf32, #tpu.memory_space<vmem>>
      %dma_start3A_186 = arith.constant 0 : i32
      %dma_start3A_187 = tpu.memref_slice %arg6[%multiple_of3A_124, %dma_start3A_186] : memref<320000x128xf32, #tpu.memory_space<hbm>> -> memref<16x128xf32, #tpu.memory_space<hbm>>
      %dma_start3A_188 = arith.constant 0 : i32
      %dma_start3A_189 = tpu.memref_slice %arg6[%multiple_of3A_124, %dma_start3A_188] : memref<320000x128xf32, #tpu.memory_space<hbm>> -> memref<16x128xf32, #tpu.memory_space<hbm>>
      %dma_start3A_190 = arith.constant 0 : i32
      %dma_start3A_191 = arith.constant 0 : i32
      %dma_start3A_192 = tpu.memref_slice %arg9[%run_scoped3A_180, %dma_start3A_190, %dma_start3A_191] : memref<2x128x128xf32, #tpu.memory_space<vmem>> -> memref<1x16x128xf32, #tpu.memory_space<vmem>>
      %dma_start3A_193 = tpu.memref_squeeze %dma_start3A_192 : memref<1x16x128xf32, #tpu.memory_space<vmem>> -> memref<16x128xf32, #tpu.memory_space<vmem>>
      tpu.enqueue_dma source(%dma_start3A_193 : memref<16x128xf32, #tpu.memory_space<vmem>>) target(%dma_start3A_189 : memref<16x128xf32, #tpu.memory_space<hbm>>) target_semaphore(%run_scoped3A_181 : memref<!tpu.dma_semaphore, #tpu.memory_space<semaphore_mem>>)
      %dma_wait3A_194 = arith.constant 0 : i32
      %dma_wait3A_195 = arith.constant 0 : i32
      %dma_wait3A_196 = tpu.memref_slice %arg9[%run_scoped3A_180, %dma_wait3A_194, %dma_wait3A_195] : memref<2x128x128xf32, #tpu.memory_space<vmem>> -> memref<1x16x128xf32, #tpu.memory_space<vmem>>
      %dma_wait3A_197 = tpu.memref_squeeze %dma_wait3A_196 : memref<1x16x128xf32, #tpu.memory_space<vmem>> -> memref<16x128xf32, #tpu.memory_space<vmem>>
      %dma_wait3A_198 = arith.constant 0 : i32
      %dma_wait3A_199 = tpu.memref_slice %arg6[%multiple_of3A_124, %dma_wait3A_198] : memref<320000x128xf32, #tpu.memory_space<hbm>> -> memref<16x128xf32, #tpu.memory_space<hbm>>
      %dma_wait3A_200 = arith.constant 0 : i32
      %dma_wait3A_201 = tpu.memref_slice %arg6[%multiple_of3A_124, %dma_wait3A_200] : memref<320000x128xf32, #tpu.memory_space<hbm>> -> memref<16x128xf32, #tpu.memory_space<hbm>>
      %dma_wait3A_202 = arith.constant 0 : i32
      %dma_wait3A_203 = arith.constant 0 : i32
      %dma_wait3A_204 = tpu.memref_slice %arg9[%run_scoped3A_180, %dma_wait3A_202, %dma_wait3A_203] : memref<2x128x128xf32, #tpu.memory_space<vmem>> -> memref<1x16x128xf32, #tpu.memory_space<vmem>>
      %dma_wait3A_205 = tpu.memref_squeeze %dma_wait3A_204 : memref<1x16x128xf32, #tpu.memory_space<vmem>> -> memref<16x128xf32, #tpu.memory_space<vmem>>
      tpu.wait_dma2 semaphore(%run_scoped3A_181 : memref<!tpu.dma_semaphore, #tpu.memory_space<semaphore_mem>>) src(%dma_wait3A_205 : memref<16x128xf32, #tpu.memory_space<vmem>>) dst(%dma_wait3A_201 : memref<16x128xf32, #tpu.memory_space<hbm>>)
      tpu.yield
    }) : () -> ()
    return
  }
}

module attributes {stable_mosaic.version = 14 : i64} {
  func.func @body(%arg0: memref<10000x128xf32, #tpu.memory_space<vmem>>, %arg1: memref<128x128xf32, #tpu.memory_space<vmem>>, %arg2: memref<128x128xf32, #tpu.memory_space<vmem>>, %arg3: memref<10000x128xf32, #tpu.memory_space<vmem>>, %arg4: memref<10000x128xf32, #tpu.memory_space<vmem>>) attributes {dimension_semantics = [], scalar_prefetch = 0 : i64, scratch_operands = 0 : i64, tpu.core_type = #tpu.core_type<tc>} {
    %get3A = arith.constant 0 : index
    %get3A_0 = arith.constant 0 : index
    %get3A_1 = vector.load %arg0[%get3A, %get3A_0] : memref<10000x128xf32, #tpu.memory_space<vmem>>, vector<10000x128xf32>
    %get3A_2 = arith.constant 0 : index
    %get3A_3 = arith.constant 0 : index
    %get3A_4 = vector.load %arg1[%get3A_2, %get3A_3] : memref<128x128xf32, #tpu.memory_space<vmem>>, vector<128x128xf32>
    %dot_general3A = arith.constant dense<0.000000e+00> : vector<10000x128xf32>
    %dot_general3A_5 = tpu.matmul %get3A_1, %get3A_4, %dot_general3A {dimension_numbers = #tpu.dot_dimension_numbers<[1], [0], [0], [1], [0, 0, 1, 1], [], []>, transpose_lhs_hint = false} : vector<10000x128xf32>, vector<128x128xf32>, vector<10000x128xf32> -> vector<10000x128xf32>
    %swap3A = arith.constant 0 : index
    %swap3A_6 = arith.constant 0 : index
    %swap3A_7 = vector.load %arg3[%swap3A, %swap3A_6] : memref<10000x128xf32, #tpu.memory_space<vmem>>, vector<10000x128xf32>
    tpu.vector_store %arg3[%swap3A, %swap3A_6], %dot_general3A_5 {strides = array<i32>} : memref<10000x128xf32, #tpu.memory_space<vmem>>, vector<10000x128xf32>,
    %get3A_8 = arith.constant 0 : index
    %get3A_9 = arith.constant 0 : index
    %get3A_10 = vector.load %arg2[%get3A_8, %get3A_9] : memref<128x128xf32, #tpu.memory_space<vmem>>, vector<128x128xf32>
    %dot_general3A_11 = arith.constant dense<0.000000e+00> : vector<10000x128xf32>
    %dot_general3A_12 = tpu.matmul %get3A_1, %get3A_10, %dot_general3A_11 {dimension_numbers = #tpu.dot_dimension_numbers<[1], [0], [0], [1], [0, 0, 1, 1], [], []>, transpose_lhs_hint = false} : vector<10000x128xf32>, vector<128x128xf32>, vector<10000x128xf32> -> vector<10000x128xf32>
    %swap3A_13 = arith.constant 0 : index
    %swap3A_14 = arith.constant 0 : index
    %swap3A_15 = vector.load %arg4[%swap3A_13, %swap3A_14] : memref<10000x128xf32, #tpu.memory_space<vmem>>, vector<10000x128xf32>
    tpu.vector_store %arg4[%swap3A_13, %swap3A_14], %dot_general3A_12 {strides = array<i32>} : memref<10000x128xf32, #tpu.memory_space<vmem>>, vector<10000x128xf32>,
    return
  }
}

module attributes {stable_mosaic.version = 14 : i64} {
  func.func @body(%arg0: i32, %arg1: memref<1280x128xf32, #tpu.memory_space<vmem>>, %arg2: memref<1280x128xf32, #tpu.memory_space<vmem>>, %arg3: memref<128x128xbf16, #tpu.memory_space<vmem>>, %arg4: memref<1x128xf32, #tpu.memory_space<vmem>>, %arg5: memref<128x128xbf16, #tpu.memory_space<vmem>>, %arg6: memref<1x128xf32, #tpu.memory_space<vmem>>, %arg7: memref<1280x128xf32, #tpu.memory_space<vmem>>) attributes {dimension_semantics = [#tpu.dimension_semantics<arbitrary>], iteration_bounds = array<i64: 250>, scalar_prefetch = 0 : i64, scratch_operands = 0 : i64, tpu.core_type = #tpu.core_type<tc>, window_params = [{transform_indices = @transform_0, window_bounds = array<i64: 1280, 128>}, {transform_indices = @transform_1, window_bounds = array<i64: 1280, 128>}, {pipeline_mode = #tpu.pipeline_mode<synchronous>, transform_indices = @transform_2, window_bounds = array<i64: 128, 128>}, {pipeline_mode = #tpu.pipeline_mode<synchronous>, transform_indices = @transform_3, window_bounds = array<i64: 1, 128>}, {pipeline_mode = #tpu.pipeline_mode<synchronous>, transform_indices = @transform_4, window_bounds = array<i64: 128, 128>}, {pipeline_mode = #tpu.pipeline_mode<synchronous>, transform_indices = @transform_5, window_bounds = array<i64: 1, 128>}, {transform_indices = @transform_6, window_bounds = array<i64: 1280, 128>}]} {
    %get3A = arith.constant 0 : index
    %get3A_0 = arith.constant 0 : index
    %get3A_1 = vector.load %arg2[%get3A, %get3A_0] : memref<1280x128xf32, #tpu.memory_space<vmem>>, vector<1280x128xf32>
    %convert_element_type3A = arith.truncf %get3A_1 : vector<1280x128xf32> to vector<1280x128xbf16>
    %get3A_2 = arith.constant 0 : index
    %get3A_3 = arith.constant 0 : index
    %get3A_4 = vector.load %arg1[%get3A_2, %get3A_3] : memref<1280x128xf32, #tpu.memory_space<vmem>>, vector<1280x128xf32>
    %get3A_5 = arith.constant 0 : index
    %get3A_6 = arith.constant 0 : index
    %get3A_7 = vector.load %arg4[%get3A_5, %get3A_6] : memref<1x128xf32, #tpu.memory_space<vmem>>, vector<1x128xf32>
    %add3A = vector.broadcast %get3A_7 : vector<1x128xf32> to vector<1280x128xf32>
    %add3A_8 = arith.addf %get3A_4, %add3A : vector<1280x128xf32>
    %get3A_9 = arith.constant 0 : index
    %get3A_10 = arith.constant 0 : index
    %get3A_11 = vector.load %arg3[%get3A_9, %get3A_10] : memref<128x128xbf16, #tpu.memory_space<vmem>>, vector<128x128xbf16>
    %dot_general3A = arith.constant dense<0.000000e+00> : vector<1280x128xf32>
    %dot_general3A_12 = tpu.matmul %convert_element_type3A, %get3A_11, %dot_general3A {dimension_numbers = #tpu.dot_dimension_numbers<[1], [0], [0], [1], [0, 0, 1, 1], [], []>, transpose_lhs_hint = false} : vector<1280x128xbf16>, vector<128x128xbf16>, vector<1280x128xf32> -> vector<1280x128xf32>
    %add3A_13 = arith.addf %add3A_8, %dot_general3A_12 : vector<1280x128xf32>
    %logistic3A = arith.negf %add3A_13 : vector<1280x128xf32>
    %logistic3A_14 = math.exp %logistic3A : vector<1280x128xf32>
    %logistic3A_15 = arith.constant 1.000000e+00 : f32
    %logistic3A_16 = vector.broadcast %logistic3A_15 : f32 to vector<1280x128xf32>
    %logistic3A_17 = arith.addf %logistic3A_16, %logistic3A_14 : vector<1280x128xf32>
    %logistic3A_18 = arith.divf %logistic3A_16, %logistic3A_17 : vector<1280x128xf32>
    %mul3A = arith.mulf %add3A_13, %logistic3A_18 : vector<1280x128xf32>
    %convert_element_type3A_19 = arith.truncf %mul3A : vector<1280x128xf32> to vector<1280x128xbf16>
    %get3A_20 = arith.constant 0 : index
    %get3A_21 = arith.constant 0 : index
    %get3A_22 = vector.load %arg5[%get3A_20, %get3A_21] : memref<128x128xbf16, #tpu.memory_space<vmem>>, vector<128x128xbf16>
    %dot_general3A_23 = arith.constant dense<0.000000e+00> : vector<1280x128xf32>
    %dot_general3A_24 = tpu.matmul %convert_element_type3A_19, %get3A_22, %dot_general3A_23 {dimension_numbers = #tpu.dot_dimension_numbers<[1], [0], [0], [1], [0, 0, 1, 1], [], []>, transpose_lhs_hint = false} : vector<1280x128xbf16>, vector<128x128xbf16>, vector<1280x128xf32> -> vector<1280x128xf32>
    %get3A_25 = arith.constant 0 : index
    %get3A_26 = arith.constant 0 : index
    %get3A_27 = vector.load %arg6[%get3A_25, %get3A_26] : memref<1x128xf32, #tpu.memory_space<vmem>>, vector<1x128xf32>
    %add3A_28 = vector.broadcast %get3A_27 : vector<1x128xf32> to vector<1280x128xf32>
    %add3A_29 = arith.addf %dot_general3A_24, %add3A_28 : vector<1280x128xf32>
    %logistic3A_30 = arith.negf %add3A_29 : vector<1280x128xf32>
    %logistic3A_31 = math.exp %logistic3A_30 : vector<1280x128xf32>
    %logistic3A_32 = arith.constant 1.000000e+00 : f32
    %logistic3A_33 = vector.broadcast %logistic3A_32 : f32 to vector<1280x128xf32>
    %logistic3A_34 = arith.addf %logistic3A_33, %logistic3A_31 : vector<1280x128xf32>
    %logistic3A_35 = arith.divf %logistic3A_33, %logistic3A_34 : vector<1280x128xf32>
    %mul3A_36 = arith.mulf %add3A_29, %logistic3A_35 : vector<1280x128xf32>
    %swap3A = arith.constant 0 : index
    %swap3A_37 = arith.constant 0 : index
    %swap3A_38 = vector.load %arg7[%swap3A, %swap3A_37] : memref<1280x128xf32, #tpu.memory_space<vmem>>, vector<1280x128xf32>
    tpu.vector_store %arg7[%swap3A, %swap3A_37], %mul3A_36 {strides = array<i32>} : memref<1280x128xf32, #tpu.memory_space<vmem>>, vector<1280x128xf32>,
    return
  }
  func.func @transform_0(%arg0: i32) -> (i32, i32) {
    %c0_i32 = arith.constant 0 : i32
    %c0_i32_0 = arith.constant 0 : i32
    return %arg0, %c0_i32 : i32, i32
  }
  func.func @transform_1(%arg0: i32) -> (i32, i32) {
    %c0_i32 = arith.constant 0 : i32
    %c0_i32_0 = arith.constant 0 : i32
    return %arg0, %c0_i32 : i32, i32
  }
  func.func @transform_2(%arg0: i32) -> (i32, i32) {
    %c0_i32 = arith.constant 0 : i32
    %c0_i32_0 = arith.constant 0 : i32
    %c0_i32_1 = arith.constant 0 : i32
    return %c0_i32, %c0_i32_0 : i32, i32
  }
  func.func @transform_3(%arg0: i32) -> (i32, i32) {
    %c0_i32 = arith.constant 0 : i32
    %c0_i32_0 = arith.constant 0 : i32
    %c0_i32_1 = arith.constant 0 : i32
    return %c0_i32, %c0_i32_0 : i32, i32
  }
  func.func @transform_4(%arg0: i32) -> (i32, i32) {
    %c0_i32 = arith.constant 0 : i32
    %c0_i32_0 = arith.constant 0 : i32
    %c0_i32_1 = arith.constant 0 : i32
    return %c0_i32, %c0_i32_0 : i32, i32
  }
  func.func @transform_5(%arg0: i32) -> (i32, i32) {
    %c0_i32 = arith.constant 0 : i32
    %c0_i32_0 = arith.constant 0 : i32
    %c0_i32_1 = arith.constant 0 : i32
    return %c0_i32, %c0_i32_0 : i32, i32
  }
  func.func @transform_6(%arg0: i32) -> (i32, i32) {
    %c0_i32 = arith.constant 0 : i32
    %c0_i32_0 = arith.constant 0 : i32
    return %arg0, %c0_i32 : i32, i32
  }
}

module attributes {stable_mosaic.version = 14 : i64} {
  func.func @body(%arg0: memref<10000x128xf32, #tpu.memory_space<vmem>>, %arg1: memref<2x10000x128xf32, #tpu.memory_space<vmem>>, %arg2: memref<2x10000x128xf32, #tpu.memory_space<vmem>>, %arg3: memref<128x256xf32, #tpu.memory_space<vmem>>, %arg4: memref<1x256xf32, #tpu.memory_space<vmem>>, %arg5: memref<256x128xf32, #tpu.memory_space<vmem>>, %arg6: memref<1x128xf32, #tpu.memory_space<vmem>>, %arg7: memref<10000x128xf32, #tpu.memory_space<vmem>>) attributes {dimension_semantics = [], scalar_prefetch = 0 : i64, scratch_operands = 0 : i64, tpu.core_type = #tpu.core_type<tc>} {
    %get3A = arith.constant 0 : index
    %get3A_0 = arith.constant 0 : index
    %get3A_1 = arith.constant 0 : index
    %get3A_2 = vector.load %arg2[%get3A, %get3A_0, %get3A_1] : memref<2x10000x128xf32, #tpu.memory_space<vmem>>, vector<1x10000x1xf32>
    %get3A_3 = vector.shape_cast %get3A_2 : vector<1x10000x1xf32> to vector<10000x1xf32>
    %get3A_4 = arith.constant 1 : index
    %get3A_5 = arith.constant 0 : index
    %get3A_6 = arith.constant 0 : index
    %get3A_7 = vector.load %arg2[%get3A_4, %get3A_5, %get3A_6] : memref<2x10000x128xf32, #tpu.memory_space<vmem>>, vector<1x10000x1xf32>
    %get3A_8 = vector.shape_cast %get3A_7 : vector<1x10000x1xf32> to vector<10000x1xf32>
    %add3A = arith.addf %get3A_3, %get3A_8 : vector<10000x1xf32>
    %get3A_9 = arith.constant 0 : index
    %get3A_10 = arith.constant 0 : index
    %get3A_11 = arith.constant 0 : index
    %get3A_12 = vector.load %arg1[%get3A_9, %get3A_10, %get3A_11] : memref<2x10000x128xf32, #tpu.memory_space<vmem>>, vector<1x10000x128xf32>
    %get3A_13 = vector.shape_cast %get3A_12 : vector<1x10000x128xf32> to vector<10000x128xf32>
    %get3A_14 = arith.constant 1 : index
    %get3A_15 = arith.constant 0 : index
    %get3A_16 = arith.constant 0 : index
    %get3A_17 = vector.load %arg1[%get3A_14, %get3A_15, %get3A_16] : memref<2x10000x128xf32, #tpu.memory_space<vmem>>, vector<1x10000x128xf32>
    %get3A_18 = vector.shape_cast %get3A_17 : vector<1x10000x128xf32> to vector<10000x128xf32>
    %add3A_19 = arith.addf %get3A_13, %get3A_18 : vector<10000x128xf32>
    %max3A = arith.constant 1.000000e+00 : f32
    %max3A_20 = vector.broadcast %max3A : f32 to vector<10000x1xf32>
    %max3A_21 = arith.maximumf %add3A, %max3A_20 : vector<10000x1xf32>
    %div3A = vector.broadcast %max3A_21 : vector<10000x1xf32> to vector<10000x128xf32>
    %div3A_22 = arith.divf %add3A_19, %div3A : vector<10000x128xf32>
    %get3A_23 = arith.constant 0 : index
    %get3A_24 = arith.constant 0 : index
    %get3A_25 = vector.load %arg0[%get3A_23, %get3A_24] : memref<10000x128xf32, #tpu.memory_space<vmem>>, vector<10000x128xf32>
    %add3A_26 = arith.addf %get3A_25, %div3A_22 : vector<10000x128xf32>
    %get3A_27 = arith.constant 0 : index
    %get3A_28 = arith.constant 0 : index
    %get3A_29 = vector.load %arg3[%get3A_27, %get3A_28] : memref<128x256xf32, #tpu.memory_space<vmem>>, vector<128x256xf32>
    %dot_general3A = arith.constant dense<0.000000e+00> : vector<10000x256xf32>
    %dot_general3A_30 = tpu.matmul %add3A_26, %get3A_29, %dot_general3A {dimension_numbers = #tpu.dot_dimension_numbers<[1], [0], [0], [1], [0, 0, 1, 1], [], []>, transpose_lhs_hint = false} : vector<10000x128xf32>, vector<128x256xf32>, vector<10000x256xf32> -> vector<10000x256xf32>
    %get3A_31 = arith.constant 0 : index
    %get3A_32 = arith.constant 0 : index
    %get3A_33 = vector.load %arg4[%get3A_31, %get3A_32] : memref<1x256xf32, #tpu.memory_space<vmem>>, vector<1x256xf32>
    %add3A_34 = vector.broadcast %get3A_33 : vector<1x256xf32> to vector<10000x256xf32>
    %add3A_35 = arith.addf %dot_general3A_30, %add3A_34 : vector<10000x256xf32>
    %logistic3A = arith.negf %add3A_35 : vector<10000x256xf32>
    %logistic3A_36 = math.exp %logistic3A : vector<10000x256xf32>
    %logistic3A_37 = arith.constant 1.000000e+00 : f32
    %logistic3A_38 = vector.broadcast %logistic3A_37 : f32 to vector<10000x256xf32>
    %logistic3A_39 = arith.addf %logistic3A_38, %logistic3A_36 : vector<10000x256xf32>
    %logistic3A_40 = arith.divf %logistic3A_38, %logistic3A_39 : vector<10000x256xf32>
    %mul3A = arith.mulf %add3A_35, %logistic3A_40 : vector<10000x256xf32>
    %get3A_41 = arith.constant 0 : index
    %get3A_42 = arith.constant 0 : index
    %get3A_43 = vector.load %arg5[%get3A_41, %get3A_42] : memref<256x128xf32, #tpu.memory_space<vmem>>, vector<256x128xf32>
    %dot_general3A_44 = arith.constant dense<0.000000e+00> : vector<10000x128xf32>
    %dot_general3A_45 = tpu.matmul %mul3A, %get3A_43, %dot_general3A_44 {dimension_numbers = #tpu.dot_dimension_numbers<[1], [0], [0], [1], [0, 0, 1, 1], [], []>, transpose_lhs_hint = false} : vector<10000x256xf32>, vector<256x128xf32>, vector<10000x128xf32> -> vector<10000x128xf32>
    %get3A_46 = arith.constant 0 : index
    %get3A_47 = arith.constant 0 : index
    %get3A_48 = vector.load %arg6[%get3A_46, %get3A_47] : memref<1x128xf32, #tpu.memory_space<vmem>>, vector<1x128xf32>
    %add3A_49 = vector.broadcast %get3A_48 : vector<1x128xf32> to vector<10000x128xf32>
    %add3A_50 = arith.addf %dot_general3A_45, %add3A_49 : vector<10000x128xf32>
    %add3A_51 = arith.addf %add3A_26, %add3A_50 : vector<10000x128xf32>
    %swap3A = arith.constant 0 : index
    %swap3A_52 = arith.constant 0 : index
    %swap3A_53 = vector.load %arg7[%swap3A, %swap3A_52] : memref<10000x128xf32, #tpu.memory_space<vmem>>, vector<10000x128xf32>
    tpu.vector_store %arg7[%swap3A, %swap3A_52], %add3A_51 {strides = array<i32>} : memref<10000x128xf32, #tpu.memory_space<vmem>>, vector<10000x128xf32>,
    return
  }
}

</mosaic_0001>

<sc_bundles>
// kernel: kernel.11.cloned.1.call-start
scs
__scs_entry_jumppad:
0x0: {  	(pc) =	sbr.rel $0x88, $3  }
0x1: {  	(tag) =	ssettag $0x0;
	lr =	simm.s32 $0x1  }
0x2: {  	[smem:$0x3F96] =	sst lr;
	_ =	strace $0xD0000000  }
0x3: {  	_ = 	snop  }
0x4: {  	_ = 	snop  }
0x5: {  	_ = 	snop  }
0x6: {  	_ = 	snop  }
0x7: {  	_ = 	snop  }
__scs_overlays_trampoline_lowered:
0x8: {  	[smem:$0x3FA5] =	sst s0  }
0x9: {  	[smem:$0x3FA6] =	sst s1  }
0xa: {  	[smem:$0x3FA7] =	sst s2  }
0xb: {  	[smem:$0x3FA8] =	sst s3  }
0xc: {  	[smem:$0x3FA9] =	sst s4  }
0xd: {  	[smem:$0x3FAA] =	sst s5  }
0xe: {  	[smem:$0x3FAB] =	sst s6  }
0xf: {  	[smem:$0x3FAC] =	sst s7  }
0x10: {  	[smem:$0x3FAD] =	sst s8  }
0x11: {  	[smem:$0x3FAE] =	sst s9;
	s0 =	simm.s32 @!p0 $0x0  }
0x12: {  	s1 =	sld [smem:$0x3F94];
	s0 =	simm.s32 @p0 $0x1  }
0x13: {  	[smem:$0x3FAF] =	sst s0;
	s0 =	simm.s32 @!p1 $0x0  }
0x14: {  	s2 =	sld [smem:$0x3F93];
	s0 =	simm.s32 @p1 $0x1  }
0x15: {  	[smem:$0x3FB0] =	sst s0;
	s0 =	simm.s32 @!p2 $0x0  }
0x16: {  	s3 =	sld [smem:$0x3FDB];
	s0 =	simm.s32 @p2 $0x1  }
0x17: {  	s4 =	simm.s32 $0x1BF5;
	[smem:$0x3FB2] =	sst s0  }
0x18: {  	s0 =	sld [smem:$0x3F95];
	_ =	swait.ge [sflag:s4], $0x0  }
0x19: {  	s7 =	sld [smem:$0x3F96]  }
0x1a: {  	s8 =	sadd.s32 $0xFFFFE003, lr  }
0x1b: {  	s9 =	sadd.s32 $0xFFFFFEF7, lr;
	s5 =	simm.s32 $0xFFFFFFFF;
	p2 =	slt.u32 s8, $0xFFFFF086  }
0x1c: {  	p1 =	slt.u32 s9, $0xF7A;
	s5 =	simm.s32 @!p2 $0x0  }
0x1d: {  	s5 =	simm.s32 @p1 $0x1;
	p0 =	seq.s32 s7, s2  }
0x1e: {  	s7 =	smul.u32 @!p0 $0xF7A, s2;
	p2 =	seq.s32 @!p0 s5, $0x0  }
0x1f: {  	s9 =	smul.u32 $0xF7A, s1;
	s8 =	simm.s32 @!p0 $0x1BF5;
	p2 =	por !p2, p0  }
0x20: {  	[sflag:s8] =	ssyncset.s32 @!p0 $0xFFFFF086;
	s6 =	sadd.s32 @!p0 s3, s7;
	s7 =	simm.s32 @!p0 $0x108  }
0x21: {  	s3 =	sadd.s32 s3, s9;
	s6 =	sadd.s32 @!p0 $0x88, s6;
	s7 =	simm.s32 @p2 $0x1082  }
0x22: {  	[simem:s7], [sflag:s8] =	dma.local @!p0 [hbm:s6], $0xF7A  }
0x23: {  	s9 =	sor.u32 $0xD0000000, s2;
	s6 =	simm.s32 $0x108;
	_ =	swait.ge @!p0 [sflag:s8], $0x0  }
0x24: {  	s3 =	sadd.s32 $0x88, s3;
	s6 =	simm.s32 @!p1 $0x1082;
	[sflag:s4] =	ssyncset.s32 $0xFFFFF086  }
0x25: {  	[simem:s6], [sflag:s4] =	dma.local [hbm:s3], $0xF7A  }
0x26: {  	[smem:$0x3F96] =	sst s1;
	(tag) =	ssettag s2;
	_ =	strace s9  }
0x27: {  	s1 =	sld [smem:$0x3FA6]  }
0x28: {  	s2 =	sld [smem:$0x3FA7]  }
0x29: {  	s4 =	sld [smem:$0x3FA9]  }
0x2a: {  	p0 =	seq.s32 s5, $0x0;
	s5 =	sld [smem:$0x3FAA]  }
0x2b: {  	s6 =	sld [smem:$0x3FAB]  }
0x2c: {  	s7 =	sld [smem:$0x3FAC]  }
0x2d: {  	s3 =	simm.s32 $0x108;
	s8 =	sld [smem:$0x3FAD]  }
0x2e: {  	s3 =	simm.s32 @!p0 $0x1082;
	s9 =	sld [smem:$0x3FAE]  }
0x2f: {  	lr =	sadd.s32 s0, s3;
	s0 =	sld [smem:$0x3FA5]  }
0x30: {  	s3 =	sld [smem:$0x3FA8]  }
0x31: {  	[smem:$0x3FB1] =	sst s10  }
0x32: {  	s10 =	sld [smem:$0x3FAF];
	_ =	sdelay $0x3  }
0x33: {  	p0 =	seq.s32 s10, $0x1;
	s10 =	sld [smem:$0x3FB1];
	_ =	sdelay $0x3  }
0x34: {  	[smem:$0x3FB1] =	sst s10  }
0x35: {  	s10 =	sld [smem:$0x3FB0];
	_ =	sdelay $0x3  }
0x36: {  	p1 =	seq.s32 s10, $0x1;
	s10 =	sld [smem:$0x3FB1];
	_ =	sdelay $0x3  }
0x37: {  	[smem:$0x3FB1] =	sst s10  }
0x38: {  	s10 =	sld [smem:$0x3FB2]  }
0x39: {  	_ = 	snop;
	(pc) =	sbr.ind lr, $3  }
0x3a: {  	_ = 	snop  }
0x3b: {  	_ = 	snop  }
0x3c: {  	p2 =	seq.s32 s10, $0x1;
	s10 =	sld [smem:$0x3FB1]  }
0x3d: {  	_ =	shalt  }
0x3e: {  	_ =	shalt  }
0x3f: {  	_ =	shalt  }
0x40: {  	_ =	shalt  }
0x41: {  	_ =	shalt  }
0x42: {  	_ =	shalt  }
0x43: {  	_ =	shalt  }
0x44: {  	_ =	shalt  }
0x45: {  	_ =	shalt  }
0x46: {  	_ =	shalt  }
0x47: {  	_ =	shalt  }
0x48: {  	_ =	shalt  }
0x49: {  	_ =	shalt  }
0x4a: {  	_ =	shalt  }
0x4b: {  	_ =	shalt  }
0x4c: {  	_ =	shalt  }
0x4d: {  	_ =	shalt  }
0x4e: {  	_ =	shalt  }
0x4f: {  	_ =	shalt  }
0x50: {  	_ =	shalt  }
0x51: {  	_ =	shalt  }
0x52: {  	_ =	shalt  }
0x53: {  	_ =	shalt  }
0x54: {  	_ =	shalt  }
0x55: {  	_ =	shalt  }
0x56: {  	_ =	shalt  }
0x57: {  	_ =	shalt  }
0x58: {  	_ =	shalt  }
0x59: {  	_ =	shalt  }
0x5a: {  	_ =	shalt  }
0x5b: {  	_ =	shalt  }
0x5c: {  	_ =	shalt  }
0x5d: {  	_ =	shalt  }
0x5e: {  	_ =	shalt  }
0x5f: {  	_ =	shalt  }
0x60: {  	_ =	shalt  }
0x61: {  	_ =	shalt  }
0x62: {  	_ =	shalt  }
0x63: {  	_ =	shalt  }
0x64: {  	_ =	shalt  }
0x65: {  	_ =	shalt  }
0x66: {  	_ =	shalt  }
0x67: {  	_ =	shalt  }
0x68: {  	_ =	shalt  }
0x69: {  	_ =	shalt  }
0x6a: {  	_ =	shalt  }
0x6b: {  	_ =	shalt  }
0x6c: {  	_ =	shalt  }
0x6d: {  	_ =	shalt  }
0x6e: {  	_ =	shalt  }
0x6f: {  	_ =	shalt  }
0x70: {  	_ =	shalt  }
0x71: {  	_ =	shalt  }
0x72: {  	_ =	shalt  }
0x73: {  	_ =	shalt  }
0x74: {  	_ =	shalt  }
0x75: {  	_ =	shalt  }
0x76: {  	_ =	shalt  }
0x77: {  	_ =	shalt  }
0x78: {  	_ =	shalt  }
0x79: {  	_ =	shalt  }
0x7a: {  	_ =	shalt  }
0x7b: {  	_ =	shalt  }
0x7c: {  	_ =	shalt  }
0x7d: {  	_ =	shalt  }
0x7e: {  	_ =	shalt  }
0x7f: {  	_ =	shalt  }
0x80: {  	_ =	shalt  }
0x81: {  	_ =	shalt  }
0x82: {  	_ =	shalt  }
0x83: {  	_ =	shalt  }
0x84: {  	_ =	shalt  }
0x85: {  	_ =	shalt  }
0x86: {  	_ =	shalt  }
0x87: {  	_ =	shalt  }
.Lfunc_end0:
.L_simem_size_0:
called_computation.1_lowered:
.L_overlay_start_0:
0x88: {  	s2 =	sld [smem:$0x3FD9]  }
0x89: {  	s3 =	sld [smem:$0x3FFE];
	_ =	sdelay $0x1  }
0x8a: {  	s1 =	srdreg.scid  }
0x8b: {  	s0 =	sand.u32 $0x1, s1  }
0x8c: {  	s17 =	sshll.u32 s0, $0xA;
	s2 =	sadd.s32 s3, s2  }
0x8d: {  	s2 =	sadd.s32 s2, s17  }
0x8e: {  	[smem:$0x3FBD] =	sst s2  }
0x8f: {  	_ = 	snop  }
0x90: {  	(tm) =	ssettm $0x1  }
0x91: {  	s18 =	sld [smem:$0x3FFB];
	_ =	sdelay $0x3  }
0x92: {  	_ =	strace s18  }
0x93: {  	s2 =	sld [smem:$0x3FFC];
	_ =	sdelay $0x3  }
0x94: {  	_ =	strace s2  }
0x95: {  	s2 =	sld [smem:$0x3FFD];
	_ =	sdelay $0x3  }
0x96: {  	_ =	strace s2  }
0x97: {  	_ =	strace $0x8FFFFFFF  }
0x98: {  	s19 =	sld [smem:$0x3FDB];
	_ =	sdelay $0x1  }
0x99: {  	s20 =	simm.s32 $_scs_section_size  }
0x9a: {  	s4 =	simm.s32 $_size__tile_overlayer_lowered;
	s5 =	simm.s32 $_tile_overlayer_lowered  }
0x9b: {  	s6 =	simm.s32 $0x1BFF;
	s21 =	sshll.u32 s5, $0x1;
	s3 =	sadd.s32 s20, s19  }
0x9c: {  	s22 =	simm.s32 $0x0;
	s4 =	sshll.u32 s4, $0x1;
	s5 =	sadd.s32 s21, s3  }
0x9d: {  	[timem:s22], [sflag:s6] =	dma.local [hbm:s5], s4  }
0x9e: {  	_ =	swait.ge [sflag:s6], s4  }
0x9f: {  	s4 =	ssub.s32 $0x0, s4;
	[sflag:s6] =	ssyncset.done $0x0  }
0xa0: {  	[sflag:s6] =	ssyncadd.s32 s4;
	_ =	sdelay $0x1  }
0xa1: {  	s23 =	simm.s32 $0x1B8B  }
0xa2: {  	_ =	swait.ge [sflag:s23], $0x1  }
0xa3: {  	[sflag:s23] =	ssyncset.done $0x0  }
0xa4: {  	[sflag:s23] =	ssyncadd.s32 $0xFFFFFFFF  }
0xa5: {  	s4 =	sld [smem:$0x0]  }
0xa6: {  	s5 =	sand.u32 $0xFFFFFFFE, s1  }
0xa7: {  	p0 =	sne.s32 s1, s5  }
0xa8: {  	s5 =	sshll.u32 @p0 s5, $0xE  }
0xa9: {  	s5 =	sadd.s32 @p0 $0x11B8D, s5;
	s6 =	sshll.u32 @p0 s4, $0x11  }
0xaa: {  	s5 =	sor.u32 @p0 s6, s5  }
0xab: {  	[sflag:s5] =	ssyncadd.remote.s32 @p0 $0x1;
	_ =	sdelay $0x1  }
0xac: {  	s5 =	simm.s32 @p0 $0x1B8D  }
0xad: {  	_ =	swait.eq @p0 [sflag:s5], $0x1  }
0xae: {  	[sflag:s5] =	ssyncadd.s32 @p0 $0xFFFFFFFF  }
0xaf: {  	s6 =	sshll.u32 @!p0 s1, $0xE  }
0xb0: {  	s6 =	sor.u32 @!p0 $0x4000, s6;
	s5 =	simm.s32 @!p0 $0x1B8D  }
0xb1: {  	s4 =	sshll.u32 @!p0 s4, $0x11;
	s6 =	sadd.s32 @!p0 $0x11B8D, s6;
	_ =	swait.eq @!p0 [sflag:s5], $0x1  }
0xb2: {  	s4 =	sor.u32 @!p0 s4, s6;
	[sflag:s5] =	ssyncadd.s32 @!p0 $0xFFFFFFFF  }
0xb3: {  	s25 =	simm.s32 $0x1B8E;
	s24 =	sld [smem:$0x3FFE];
	[sflag:s4] =	ssyncadd.remote.s32 @!p0 $0x1  }
0xb4: {  	s26 =	simm.s32 $execute0_lowered;
	[smem:$0x3FD2] =	sst s25  }
0xb5: {  	s5 =	sshll.u32 s26, $0x1;
	_ =	strace $0x80000049;
	[dreg:$0x1] =	wrdreg $0xFFFFFFFF  }
0xb6: {  	s28 =	simm.s32 $_size_execute0_lowered;
	s3 =	sadd.s32 s3, s5;
	[dreg:$0x0] =	wrdreg $0x0  }
0xb7: {  	s5 =	sshll.u32 s28, $0x1;
	[dreg:$0x2] =	wrdreg s3  }
0xb8: {  	[dreg:$0x3] =	wrdreg s5  }
0xb9: {  	[dreg:$0x4] =	wrdreg $0xC0  }
0xba: {  	_ =	task [dreg:s22], $0x5FFFF  }
0xbb: {  	[dreg:$0x1] =	wrdreg $0xFFFFFFFF  }
0xbc: {  	[dreg:$0x0] =	wrdreg $0x60  }
0xbd: {  	[dreg:$0x2] =	wrdreg s24  }
0xbe: {  	[dreg:$0x3] =	wrdreg $0x41000  }
0xbf: {  	[dreg:$0x4] =	wrdreg $0x9  }
0xc0: {  	_ =	task.clear_ibuf [dreg:s22], $0x5FFFF;
	_ =	strace $0x90000049  }
0xc1: {  	s29 =	simm.s32 $0x9;
	_ =	strace $0x8000004B  }
0xc2: {  	_ =	swait.ge [sflag:s29], $0x1  }
0xc3: {  	[sflag:s29] =	ssyncadd.s32 $0xFFFFFFFF  }
0xc4: {  	_ =	strace $0x9000004B  }
0xc5: {  	_ =	sfence  }
0xc6: {  	s30 =	sld [smem:$0x0];
	_ =	sdelay $0x2  }
0xc7: {  	s31 =	sshll.u32 s1, $0xD;
	s1 =	sshrl.u32 s1, $0x2  }
0xc8: {  	s4 =	sand.u32 $0x4000, s31;
	s1 =	sadd.s32 s1, s30  }
0xc9: {  	s0 =	sor.u32 s4, s0;
	s1 =	sshll.u32 s1, $0x11  }
0xca: {  	s0 =	sor.u32 s1, s0  }
0xcb: {  	s0 =	sadd.s32 $0x8F2B, s0  }
0xcc: {  	[sflag:s0] =	ssyncadd.remote.s32 $0x1  }
0xcd: {  	_ =	sfence.sel $0xFFFF  }
0xce: {  	[dreg:$0x0] =	wrdreg $0xFFFFFFFF;
	(pc) =	sbr.abs _section_cstart, $3  }
0xcf: {  	[dreg:$0x1] =	wrdreg $0xFFFFFFFF  }
0xd0: {  	_ =	task.clear_ibuf [dreg:s22], $0x2FFFF;
	_ =	strace $0x9FFFFFFF  }
0xd1: {  	(tm) =	ssettm $0x7FFFFFFF  }
tec
execute0_lowered:
.L_overlay_start_1:
0x0: {  	(tag) =	ssettag $0x1  }
0x1: {  	s9 =	rddreg [dreg:$0x0]  }
0x2: {  	s2 =	rddreg [dreg:$0x1]  }
0x3: {  	s0 =	rddreg [dreg:$0x2];
	s3 =	simm.s32 $0x0;
	s1 =	stileid.u32  }
0x4: {  	s7 =	srdreg.scid;
	s20 =	simm.s32 $0x100;
	s21 =	simm.s32 $0x80  }
0x5: {  	s22 =	simm.s32 $0x1;
	s23 =	simm.s32 $0x2;
	s24 =	simm.s32 $0x0  }
0x6: {  	[smem:$0x7FF] =	sst s3;
	s11 =	smul.u32 $0x2700, s1;
	s4 =	sadd.s32 $0xBE00, s9  }
0x7: {  	s5 =	sadd.s32 $0x51EE00, s9;
	s10 =	sand.u32 $0x1, s7;
	s12 =	smul.u32 $0x4E000, s1  }
0x8: {  	s25 =	sshll.u32 s1, $0x1;
	s13 =	sadd.s32 $0x51F600, s9;
	s18 =	smul.u32 $0x4E20, s1  }
0x9: {  	s19 =	sadd.s32 $0x138000, s2;
	p0 =	sne.s32 s1, $0xF;
	s15 =	smul.u32 $0x27100, s10  }
0xa: {  	s29 =	sshll.u32 s1, $0x6;
	_ =	strace $0x8000004A;
	s28 =	smul.u32 $0x138800, s10  }
0xb: {  	s8 =	ssub.s32 $0x2, s10;
	s7 =	sor.u32 s10, s25;
	s30 =	smul.u32 $0x2710, s10  }
0xc: {  	s19 =	sshrl.u32 @!p0 s19, $0x3;
	s6 =	sadd.s32 s11, s9;
	s14 =	sshrl.u32 s8, $0x1  }
0xd: {  	s7 =	smul.u32 $0x2710, s7;
	s26 =	sshrl.u32 s12, $0x2;
	s9 =	sadd.s32 $0x51EC00, s9  }
0xe: {  	s14 =	ssub.s32 s8, s14;
	s17 =	sadd.s32 s26, s2;
	s6 =	sadd.s32 $0x4F7C00, s6  }
0xf: {  	s11 =	sadd.s32 s11, s15;
	s12 =	sshrl.u32 s28, $0x3;
	s31 =	sadd.s32 s30, s18  }
0x10: {  	s18 =	simm.s32 $0x3;
	s16 =	sshrl.u32 s7, $0x3;
	s7 =	sor.u32 $0x1C03, s29  }
0x11: {  	s11 =	sadd.s32 s13, s11;
	s12 =	sadd.s32 s13, s12;
	s13 =	smax.u32 s14, $0x1  }
0x12: {  	s15 =	sadd.s32 $0x100, s31;
	s8 =	sadd.s32 s4, s16;
	s16 =	sadd.s32 $0x80, s31  }
0x13: {  	s17 =	sshrl.u32 s17, $0x3;
	s12 =	sadd.s32 $0x27000, s12;
	s16 =	sshrl.u32 s16, $0x3  }
0x14: {  	v0 =	vimm.s32 $0x2710;
	s10 =	sadd.s32 $0x4E0, s8;
	s14 =	sadd.s32 $0x4D0, s8;
	s16 =	sadd.s32 s16, s4  }
.LBB2_1:
0x15: {  	[spmem:s17], [sflag:s7] =	dma.local [hbm:s6], $0x2700  }
0x16: {  	_ =	swait.ge [sflag:s18], $0x2700  }
0x17: {  	[sflag:s18] =	ssyncset.done $0x0  }
0x18: {  	s25 =	simm.s32 @!p0 $0x3;
	[sflag:s18] =	ssyncadd.s32 $0xFFFFD900  }
0x19: {  	[spmem:s19], [sflag:s7] =	dma.local @!p0 [hbm:s9], $0x100  }
0x1a: {  	_ =	swait.ge @!p0 [sflag:s25], $0x100  }
0x1b: {  	[sflag:s25] =	ssyncset.done @!p0 $0x0  }
0x1c: {  	[sflag:s25] =	ssyncadd.s32 @!p0 $0xFFFFFF00  }
0x1d: {  	[tilespmem:s20], [sflag:$0x3] =	stream.linear.gather [hbm4b:s5+s3], $0x4000, $0x38;
	[tilespmem:$0x17A00] =	vst v63  }
0x1e: {  	_ =	swait.ge [sflag:s18], $0x4000  }
0x1f: {  	[sflag:s18] =	ssyncset.done $0x0  }
0x20: {  	[sflag:s18] =	ssyncadd.s32 $0xFFFFC000  }
0x21: {  	[bflag:$0x0] =	sbarrier.arrive $0xFFFF  }
0x22: {  	[tilespmem:s3], [sflag:$0x1] =	stream.linear.gather [hbm4b:s8+s3], $0x80, $0x38;
	[tilespmem:$0x17A00] =	vst v63  }
0x23: {  	s30 =	sadd.s32 $0x0, s16  }
0x24: {  	[tilespmem:s21], [sflag:$0x2] =	stream.linear.gather [hbm4b:s30+s3], $0x80, $0x38;
	[tilespmem:$0x17A00] =	vst v63  }
0x25: {  	_ =	swait.ge [sflag:s22], $0x80  }
0x26: {  	[sflag:s22] =	ssyncset.done $0x0  }
0x27: {  	[sflag:s22] =	ssyncadd.s32 $0xFFFFFF80  }
0x28: {  	[spmem:s2] =	stream.indirect.scatter.add.f32 [tilespmem:s20], [sflag:$0x3], $0x80, s3, s21, $0xb8;
	[tilespmem:$0x17A00] =	vst v63  }
0x29: {  	_ =	swait.ge [sflag:s18], $0x4000  }
0x2a: {  	s31 =	sshrl.u32 s15, $0x3;
	[sflag:s18] =	ssyncset.done $0x0  }
0x2b: {  	s25 =	sadd.s32 s4, s31;
	[sflag:s18] =	ssyncadd.s32 $0xFFFFC000  }
0x2c: {  	[tilespmem:s3], [sflag:$0x1] =	stream.linear.gather [hbm4b:s25+s3], $0x80, $0x38;
	[tilespmem:$0x17A00] =	vst v63  }
0x2d: {  	_ =	swait.ge [sflag:s23], $0x80  }
0x2e: {  	[sflag:s23] =	ssyncset.done $0x0  }
0x2f: {  	[sflag:s23] =	ssyncadd.s32 $0xFFFFFF80  }
0x30: {  	[spmem:s2] =	stream.indirect.scatter.add.f32 [tilespmem:s20], [sflag:$0x3], $0x80, s21, s21, $0xb8;
	[tilespmem:$0x17A00] =	vst v63  }
0x31: {  	s26 =	simm.s32 $0x20;
	_ =	swait.ge [sflag:s18], $0x4000  }
0x32: {  	s28 =	simm.s32 $0x40;
	s25 =	sadd.s32 $0x100, s15;
	[sflag:s18] =	ssyncset.done $0x0  }
.LBB2_2:
0x33: {  	s29 =	sadd.s32 s26, s16  }
0x34: {  	[sflag:s18] =	ssyncadd.s32 $0xFFFFC000;
	s26 =	smov.u32 s28;
	s30 =	sadd.s32 $0x20, s28  }
0x35: {  	[tilespmem:s21], [sflag:$0x2] =	stream.linear.gather [hbm4b:s29+s3], $0x80, $0x38;
	[tilespmem:$0x17A00] =	vst v63  }
0x36: {  	p1 =	sne.s32 s28, $0x4A0;
	_ =	swait.ge [sflag:s22], $0x80  }
0x37: {  	[sflag:s22] =	ssyncset.done $0x0  }
0x38: {  	[sflag:s22] =	ssyncadd.s32 $0xFFFFFF80  }
0x39: {  	[spmem:s2] =	stream.indirect.scatter.add.f32 [tilespmem:s20], [sflag:$0x3], $0x80, s3, s21, $0xb8;
	[tilespmem:$0x17A00] =	vst v63  }
0x3a: {  	_ =	swait.ge [sflag:s18], $0x4000  }
0x3b: {  	s28 =	sshrl.u32 s25, $0x3;
	[sflag:s18] =	ssyncset.done $0x0  }
0x3c: {  	s28 =	sadd.s32 s4, s28;
	[sflag:s18] =	ssyncadd.s32 $0xFFFFC000  }
0x3d: {  	[tilespmem:s3], [sflag:$0x1] =	stream.linear.gather [hbm4b:s28+s3], $0x80, $0x38;
	[tilespmem:$0x17A00] =	vst v63  }
0x3e: {  	_ =	swait.ge [sflag:s23], $0x80  }
.Ltmp0:
0x3f: {  	[sflag:s23] =	ssyncset.done $0x0;
	(pc) =	sbr.rel @p1 .LBB2_2-.Ltmp0, $4  }
0x40: {  	[sflag:s23] =	ssyncadd.s32 $0xFFFFFF80  }
0x41: {  	[spmem:s2] =	stream.indirect.scatter.add.f32 [tilespmem:s20], [sflag:$0x3], $0x80, s21, s21, $0xb8;
	[tilespmem:$0x17A00] =	vst v63  }
0x42: {  	_ =	swait.ge [sflag:s18], $0x4000  }
0x43: {  	s25 =	sadd.s32 $0x100, s25;
	s28 =	smov.u32 s30;
	[sflag:s18] =	ssyncset.done $0x0  }
0x44: {  	s26 =	sadd.s32 s26, s16;
	[sflag:s18] =	ssyncadd.s32 $0xFFFFC000  }
0x45: {  	[tilespmem:s21], [sflag:$0x2] =	stream.linear.gather [hbm4b:s26+s3], $0x80, $0x38;
	[tilespmem:$0x17A00] =	vst v63  }
0x46: {  	_ =	swait.ge [sflag:s22], $0x80  }
0x47: {  	[sflag:s22] =	ssyncset.done $0x0  }
0x48: {  	[sflag:s22] =	ssyncadd.s32 $0xFFFFFF80  }
0x49: {  	[spmem:s2] =	stream.indirect.scatter.add.f32 [tilespmem:s20], [sflag:$0x3], $0x80, s3, s21, $0xb8;
	[tilespmem:$0x17A00] =	vst v63  }
0x4a: {  	_ =	swait.ge [sflag:s18], $0x4000  }
0x4b: {  	s25 =	sshrl.u32 s25, $0x3;
	[sflag:s18] =	ssyncset.done $0x0  }
0x4c: {  	s25 =	sadd.s32 s4, s25;
	[sflag:s18] =	ssyncadd.s32 $0xFFFFC000  }
0x4d: {  	[tilespmem:s3], [sflag:$0x1] =	stream.linear.gather [hbm4b:s25+s3], $0x80, $0x38;
	[tilespmem:$0x17A00] =	vst v63  }
0x4e: {  	_ =	swait.ge [sflag:s23], $0x80  }
0x4f: {  	[sflag:s23] =	ssyncset.done $0x0  }
0x50: {  	[sflag:s23] =	ssyncadd.s32 $0xFFFFFF80  }
0x51: {  	[spmem:s2] =	stream.indirect.scatter.add.f32 [tilespmem:s20], [sflag:$0x3], $0x80, s21, s21, $0xb8;
	[tilespmem:$0x17A00] =	vst v63  }
0x52: {  	_ =	swait.ge [sflag:s18], $0x4000  }
0x53: {  	[sflag:s18] =	ssyncset.done $0x0  }
0x54: {  	[sflag:s18] =	ssyncadd.s32 $0xFFFFC000  }
0x55: {  	[tilespmem:s21], [sflag:$0x2] =	stream.linear.gather [hbm4b:s14+s3], $0x80, $0x38;
	[tilespmem:$0x17A00] =	vst v63  }
0x56: {  	_ =	swait.ge [sflag:s22], $0x80  }
0x57: {  	[sflag:s22] =	ssyncset.done $0x0  }
0x58: {  	[sflag:s22] =	ssyncadd.s32 $0xFFFFFF80  }
0x59: {  	[spmem:s2] =	stream.indirect.scatter.add.f32 [tilespmem:s20], [sflag:$0x3], $0x80, s3, s21, $0xb8;
	[tilespmem:$0x17A00] =	vst v63  }
0x5a: {  	_ =	swait.ge [sflag:s18], $0x4000  }
0x5b: {  	[sflag:s18] =	ssyncset.done $0x0  }
0x5c: {  	[sflag:s18] =	ssyncadd.s32 $0xFFFFC000  }
0x5d: {  	_ =	swait.ge [sflag:s23], $0x80  }
0x5e: {  	[sflag:s23] =	ssyncset.done $0x0  }
0x5f: {  	[sflag:s23] =	ssyncadd.s32 $0xFFFFFF80  }
0x60: {  	[spmem:s2] =	stream.indirect.scatter.add.f32 [tilespmem:s20], [sflag:$0x3], $0x80, s21, s21, $0xb8;
	[tilespmem:$0x17A00] =	vst v63  }
0x61: {  	_ =	swait.ge [sflag:s18], $0x4000  }
0x62: {  	[sflag:s18] =	ssyncset.done $0x0  }
0x63: {  	[sflag:s18] =	ssyncadd.s32 $0xFFFFC000  }
0x64: {  	[tilespmem:s3], [sflag:$0x3] =	stream.linear.gather [hbm4b:s10+s3], $0x10, $0x38;
	[tilespmem:$0x17A00] =	vst v63  }
0x65: {  	_ =	swait.ge [sflag:s18], $0x10  }
0x66: {  	[sflag:s18] =	ssyncset.done $0x0  }
0x67: {  	[sflag:s18] =	ssyncadd.s32 $0xFFFFFFF0  }
0x68: {  	[tilespmem:$0x10] =	vst v0  }
0x69: {  	[tilespmem:$0x20] =	vst v0  }
0x6a: {  	[tilespmem:$0x30] =	vst v0  }
0x6b: {  	[tilespmem:$0x40] =	vst v0  }
0x6c: {  	[tilespmem:$0x50] =	vst v0  }
0x6d: {  	[tilespmem:$0x60] =	vst v0  }
0x6e: {  	[tilespmem:$0x70] =	vst v0  }
0x6f: {  	[spmem:s2] =	stream.indirect.scatter.add.f32 [tilespmem:s20], [sflag:$0x3], $0x80, s3, s21, $0xb8;
	[tilespmem:$0x17A00] =	vst v63  }
0x70: {  	_ =	swait.ge [sflag:s18], $0x4000  }
0x71: {  	[sflag:s18] =	ssyncset.done $0x0  }
0x72: {  	[sflag:s18] =	ssyncadd.s32 $0xFFFFC000  }
0x73: {  	[bflag:$0x0] =	sbarrier.arrive $0xFFFF  }
0x74: {  	[hbm:s11], [sflag:s7] =	dma.local [spmem:s17], $0x2700  }
0x75: {  	s24 =	sadd.s32 $0x1, s24;
	_ =	swait.ge [sflag:s18], $0x2700  }
0x76: {  	p1 =	sne.s32 s24, s13;
	[sflag:s18] =	ssyncset.done $0x0  }
.Ltmp1:
0x77: {  	s25 =	simm.s32 @!p0 $0x3;
	[sflag:s18] =	ssyncadd.s32 $0xFFFFD900;
	(pc) =	sbr.rel @p1 .LBB2_1-.Ltmp1, $4  }
0x78: {  	[hbm:s12], [sflag:s7] =	dma.local @!p0 [spmem:s19], $0x100  }
0x79: {  	_ =	swait.ge @!p0 [sflag:s25], $0x100  }
0x7a: {  	[sflag:s25] =	ssyncset.done @!p0 $0x0  }
0x7b: {  	[sflag:s25] =	ssyncadd.s32 @!p0 $0xFFFFFF00  }
0x7c: {  	_ =	sfence.sel $0x180000  }
0x7d: {  	[bflag:$0x0] =	sbarrier.arrive $0xFFFF  }
0x7e: {  	p0 =	sne.s32 s1, $0x0;
	_ =	strace $0x9000004A  }
0x7f: {  	s0 =	sadd.s32 @!p0 $0x100000, s0;
	[bflag:$0x2] =	sbarrier.arrive $0xFFFF  }
0x80: {  	[sflag:s0] =	ssyncadd.tile.s32 @!p0 $0x1;
	_ =	shalt  }
.Lfunc_end2:
_tile_overlayer_lowered:
.L_overlay_start_2:
0x81: {  	(tag) =	ssettag $0x2  }
0x82: {  	s0 =	rddreg [dreg:$0x0];
	s2 =	stileid.u32  }
0x83: {  	s1 =	rddreg [dreg:$0x1];
	p0 =	sne.s32 s2, $0x0  }
0x84: {  	s3 =	rddreg [dreg:$0x2];
	[bflag:$0x3] =	sbarrier.arrive $0xFFFF;
	s2 =	simm.s32 @!p0 $0x1C03  }
0x85: {  	[timem:s3], [sflag:s2] =	dma.local @!p0 [hbm:s0], s1  }
0x86: {  	s0 =	simm.s32 @!p0 $0x3  }
0x87: {  	_ =	swait.ge @!p0 [sflag:s0], s1  }
0x88: {  	s1 =	ssub.s32 @!p0 $0x0, s1;
	[sflag:s0] =	ssyncset.done @!p0 $0x0  }
0x89: {  	[sflag:s0] =	ssyncadd.s32 @!p0 s1  }
0x8a: {  	[bflag:$0x3] =	sbarrier.arrive $0xFFFF  }
0x8b: {  	_ =	shalt  }

// kernel: kernel.14.cloned.1.call-start
scs
__scs_entry_jumppad:
0x0: {  	(pc) =	sbr.rel $0x88, $3  }
0x1: {  	(tag) =	ssettag $0x0;
	lr =	simm.s32 $0x1  }
0x2: {  	[smem:$0x3F96] =	sst lr;
	_ =	strace $0xD0000000  }
0x3: {  	_ = 	snop  }
0x4: {  	_ = 	snop  }
0x5: {  	_ = 	snop  }
0x6: {  	_ = 	snop  }
0x7: {  	_ = 	snop  }
__scs_overlays_trampoline_lowered:
0x8: {  	[smem:$0x3FA5] =	sst s0  }
0x9: {  	[smem:$0x3FA6] =	sst s1  }
0xa: {  	[smem:$0x3FA7] =	sst s2  }
0xb: {  	[smem:$0x3FA8] =	sst s3  }
0xc: {  	[smem:$0x3FA9] =	sst s4  }
0xd: {  	[smem:$0x3FAA] =	sst s5  }
0xe: {  	[smem:$0x3FAB] =	sst s6  }
0xf: {  	[smem:$0x3FAC] =	sst s7  }
0x10: {  	[smem:$0x3FAD] =	sst s8  }
0x11: {  	[smem:$0x3FAE] =	sst s9;
	s0 =	simm.s32 @!p0 $0x0  }
0x12: {  	s1 =	sld [smem:$0x3F94];
	s0 =	simm.s32 @p0 $0x1  }
0x13: {  	[smem:$0x3FAF] =	sst s0;
	s0 =	simm.s32 @!p1 $0x0  }
0x14: {  	s2 =	sld [smem:$0x3F93];
	s0 =	simm.s32 @p1 $0x1  }
0x15: {  	[smem:$0x3FB0] =	sst s0;
	s0 =	simm.s32 @!p2 $0x0  }
0x16: {  	s3 =	sld [smem:$0x3FDB];
	s0 =	simm.s32 @p2 $0x1  }
0x17: {  	s4 =	simm.s32 $0x1BF5;
	[smem:$0x3FB2] =	sst s0  }
0x18: {  	s0 =	sld [smem:$0x3F95];
	_ =	swait.ge [sflag:s4], $0x0  }
0x19: {  	s7 =	sld [smem:$0x3F96]  }
0x1a: {  	s8 =	sadd.s32 $0xFFFFE003, lr  }
0x1b: {  	s9 =	sadd.s32 $0xFFFFFEF7, lr;
	s5 =	simm.s32 $0xFFFFFFFF;
	p2 =	slt.u32 s8, $0xFFFFF086  }
0x1c: {  	p1 =	slt.u32 s9, $0xF7A;
	s5 =	simm.s32 @!p2 $0x0  }
0x1d: {  	s5 =	simm.s32 @p1 $0x1;
	p0 =	seq.s32 s7, s2  }
0x1e: {  	s7 =	smul.u32 @!p0 $0xF7A, s2;
	p2 =	seq.s32 @!p0 s5, $0x0  }
0x1f: {  	s9 =	smul.u32 $0xF7A, s1;
	s8 =	simm.s32 @!p0 $0x1BF5;
	p2 =	por !p2, p0  }
0x20: {  	[sflag:s8] =	ssyncset.s32 @!p0 $0xFFFFF086;
	s6 =	sadd.s32 @!p0 s3, s7;
	s7 =	simm.s32 @!p0 $0x108  }
0x21: {  	s3 =	sadd.s32 s3, s9;
	s6 =	sadd.s32 @!p0 $0x88, s6;
	s7 =	simm.s32 @p2 $0x1082  }
0x22: {  	[simem:s7], [sflag:s8] =	dma.local @!p0 [hbm:s6], $0xF7A  }
0x23: {  	s9 =	sor.u32 $0xD0000000, s2;
	s6 =	simm.s32 $0x108;
	_ =	swait.ge @!p0 [sflag:s8], $0x0  }
0x24: {  	s3 =	sadd.s32 $0x88, s3;
	s6 =	simm.s32 @!p1 $0x1082;
	[sflag:s4] =	ssyncset.s32 $0xFFFFF086  }
0x25: {  	[simem:s6], [sflag:s4] =	dma.local [hbm:s3], $0xF7A  }
0x26: {  	[smem:$0x3F96] =	sst s1;
	(tag) =	ssettag s2;
	_ =	strace s9  }
0x27: {  	s1 =	sld [smem:$0x3FA6]  }
0x28: {  	s2 =	sld [smem:$0x3FA7]  }
0x29: {  	s4 =	sld [smem:$0x3FA9]  }
0x2a: {  	p0 =	seq.s32 s5, $0x0;
	s5 =	sld [smem:$0x3FAA]  }
0x2b: {  	s6 =	sld [smem:$0x3FAB]  }
0x2c: {  	s7 =	sld [smem:$0x3FAC]  }
0x2d: {  	s3 =	simm.s32 $0x108;
	s8 =	sld [smem:$0x3FAD]  }
0x2e: {  	s3 =	simm.s32 @!p0 $0x1082;
	s9 =	sld [smem:$0x3FAE]  }
0x2f: {  	lr =	sadd.s32 s0, s3;
	s0 =	sld [smem:$0x3FA5]  }
0x30: {  	s3 =	sld [smem:$0x3FA8]  }
0x31: {  	[smem:$0x3FB1] =	sst s10  }
0x32: {  	s10 =	sld [smem:$0x3FAF];
	_ =	sdelay $0x3  }
0x33: {  	p0 =	seq.s32 s10, $0x1;
	s10 =	sld [smem:$0x3FB1];
	_ =	sdelay $0x3  }
0x34: {  	[smem:$0x3FB1] =	sst s10  }
0x35: {  	s10 =	sld [smem:$0x3FB0];
	_ =	sdelay $0x3  }
0x36: {  	p1 =	seq.s32 s10, $0x1;
	s10 =	sld [smem:$0x3FB1];
	_ =	sdelay $0x3  }
0x37: {  	[smem:$0x3FB1] =	sst s10  }
0x38: {  	s10 =	sld [smem:$0x3FB2]  }
0x39: {  	_ = 	snop;
	(pc) =	sbr.ind lr, $3  }
0x3a: {  	_ = 	snop  }
0x3b: {  	_ = 	snop  }
0x3c: {  	p2 =	seq.s32 s10, $0x1;
	s10 =	sld [smem:$0x3FB1]  }
0x3d: {  	_ =	shalt  }
0x3e: {  	_ =	shalt  }
0x3f: {  	_ =	shalt  }
0x40: {  	_ =	shalt  }
0x41: {  	_ =	shalt  }
0x42: {  	_ =	shalt  }
0x43: {  	_ =	shalt  }
0x44: {  	_ =	shalt  }
0x45: {  	_ =	shalt  }
0x46: {  	_ =	shalt  }
0x47: {  	_ =	shalt  }
0x48: {  	_ =	shalt  }
0x49: {  	_ =	shalt  }
0x4a: {  	_ =	shalt  }
0x4b: {  	_ =	shalt  }
0x4c: {  	_ =	shalt  }
0x4d: {  	_ =	shalt  }
0x4e: {  	_ =	shalt  }
0x4f: {  	_ =	shalt  }
0x50: {  	_ =	shalt  }
0x51: {  	_ =	shalt  }
0x52: {  	_ =	shalt  }
0x53: {  	_ =	shalt  }
0x54: {  	_ =	shalt  }
0x55: {  	_ =	shalt  }
0x56: {  	_ =	shalt  }
0x57: {  	_ =	shalt  }
0x58: {  	_ =	shalt  }
0x59: {  	_ =	shalt  }
0x5a: {  	_ =	shalt  }
0x5b: {  	_ =	shalt  }
0x5c: {  	_ =	shalt  }
0x5d: {  	_ =	shalt  }
0x5e: {  	_ =	shalt  }
0x5f: {  	_ =	shalt  }
0x60: {  	_ =	shalt  }
0x61: {  	_ =	shalt  }
0x62: {  	_ =	shalt  }
0x63: {  	_ =	shalt  }
0x64: {  	_ =	shalt  }
0x65: {  	_ =	shalt  }
0x66: {  	_ =	shalt  }
0x67: {  	_ =	shalt  }
0x68: {  	_ =	shalt  }
0x69: {  	_ =	shalt  }
0x6a: {  	_ =	shalt  }
0x6b: {  	_ =	shalt  }
0x6c: {  	_ =	shalt  }
0x6d: {  	_ =	shalt  }
0x6e: {  	_ =	shalt  }
0x6f: {  	_ =	shalt  }
0x70: {  	_ =	shalt  }
0x71: {  	_ =	shalt  }
0x72: {  	_ =	shalt  }
0x73: {  	_ =	shalt  }
0x74: {  	_ =	shalt  }
0x75: {  	_ =	shalt  }
0x76: {  	_ =	shalt  }
0x77: {  	_ =	shalt  }
0x78: {  	_ =	shalt  }
0x79: {  	_ =	shalt  }
0x7a: {  	_ =	shalt  }
0x7b: {  	_ =	shalt  }
0x7c: {  	_ =	shalt  }
0x7d: {  	_ =	shalt  }
0x7e: {  	_ =	shalt  }
0x7f: {  	_ =	shalt  }
0x80: {  	_ =	shalt  }
0x81: {  	_ =	shalt  }
0x82: {  	_ =	shalt  }
0x83: {  	_ =	shalt  }
0x84: {  	_ =	shalt  }
0x85: {  	_ =	shalt  }
0x86: {  	_ =	shalt  }
0x87: {  	_ =	shalt  }
.Lfunc_end0:
.L_simem_size_0:
called_computation.2_lowered:
.L_overlay_start_0:
0x88: {  	s2 =	sld [smem:$0x3FD9]  }
0x89: {  	s3 =	sld [smem:$0x3FFE];
	_ =	sdelay $0x1  }
0x8a: {  	s1 =	srdreg.scid  }
0x8b: {  	s0 =	sand.u32 $0x1, s1  }
0x8c: {  	s15 =	sshll.u32 s0, $0xA;
	s2 =	sadd.s32 s3, s2  }
0x8d: {  	s2 =	sadd.s32 s2, s15  }
0x8e: {  	[smem:$0x3FBD] =	sst s2  }
0x8f: {  	_ = 	snop  }
0x90: {  	s2 =	sld [smem:$0x3FD0];
	_ =	sdelay $0x2  }
0x91: {  	s16 =	simm.s32 $0xB;
	s4 =	simm.s32 $0x10  }
0x92: {  	[smem:s4], [sflag:s16] =	dma.local [hbm:s2], $0x1  }
0x93: {  	_ =	swait.eq [sflag:s16], $0x1  }
0x94: {  	[sflag:s16] =	ssyncset.done $0x0  }
0x95: {  	[sflag:s16] =	ssyncadd.s32 $0xFFFFFFFF  }
0x96: {  	s17 =	sld [smem:$0x11];
	(tm) =	ssettm $0x1  }
0x97: {  	s18 =	sld [smem:$0x3FFB];
	_ =	sdelay $0x3  }
0x98: {  	_ =	strace s18  }
0x99: {  	s2 =	sld [smem:$0x3FFC];
	_ =	sdelay $0x3  }
0x9a: {  	_ =	strace s2  }
0x9b: {  	s2 =	sld [smem:$0x3FFD];
	_ =	sdelay $0x3  }
0x9c: {  	_ =	strace s2  }
0x9d: {  	_ =	strace $0x8FFFFFFF  }
0x9e: {  	s19 =	sld [smem:$0x3FDB];
	_ =	sdelay $0x1  }
0x9f: {  	s20 =	simm.s32 $_scs_section_size  }
0xa0: {  	s5 =	simm.s32 $_size__tile_overlayer_lowered;
	s6 =	simm.s32 $_tile_overlayer_lowered  }
0xa1: {  	s7 =	simm.s32 $0x1BFF;
	s21 =	sshll.u32 s6, $0x1;
	s4 =	sadd.s32 s20, s19  }
0xa2: {  	s22 =	simm.s32 $0x0;
	s5 =	sshll.u32 s5, $0x1;
	s6 =	sadd.s32 s21, s4  }
0xa3: {  	[timem:s22], [sflag:s7] =	dma.local [hbm:s6], s5  }
0xa4: {  	_ =	swait.ge [sflag:s7], s5  }
0xa5: {  	s5 =	ssub.s32 $0x0, s5;
	[sflag:s7] =	ssyncset.done $0x0  }
0xa6: {  	[sflag:s7] =	ssyncadd.s32 s5;
	_ =	sdelay $0x1  }
0xa7: {  	s23 =	simm.s32 $0x1B8B  }
0xa8: {  	_ =	swait.ge [sflag:s23], $0x1  }
0xa9: {  	[sflag:s23] =	ssyncset.done $0x0  }
0xaa: {  	[sflag:s23] =	ssyncadd.s32 $0xFFFFFFFF  }
0xab: {  	s5 =	sld [smem:$0x0]  }
0xac: {  	s6 =	sand.u32 $0xFFFFFFFE, s1  }
0xad: {  	p0 =	sne.s32 s1, s6  }
0xae: {  	s6 =	sshll.u32 @p0 s6, $0xE  }
0xaf: {  	s6 =	sadd.s32 @p0 $0x11B8D, s6;
	s7 =	sshll.u32 @p0 s5, $0x11  }
0xb0: {  	s6 =	sor.u32 @p0 s7, s6  }
0xb1: {  	[sflag:s6] =	ssyncadd.remote.s32 @p0 $0x1;
	_ =	sdelay $0x1  }
0xb2: {  	s6 =	simm.s32 @p0 $0x1B8D  }
0xb3: {  	_ =	swait.eq @p0 [sflag:s6], $0x1  }
0xb4: {  	[sflag:s6] =	ssyncadd.s32 @p0 $0xFFFFFFFF  }
0xb5: {  	s7 =	sshll.u32 @!p0 s1, $0xE  }
0xb6: {  	s7 =	sor.u32 @!p0 $0x4000, s7;
	s6 =	simm.s32 @!p0 $0x1B8D  }
0xb7: {  	s5 =	sshll.u32 @!p0 s5, $0x11;
	s7 =	sadd.s32 @!p0 $0x11B8D, s7;
	_ =	swait.eq @!p0 [sflag:s6], $0x1  }
0xb8: {  	s5 =	sor.u32 @!p0 s5, s7;
	[sflag:s6] =	ssyncadd.s32 @!p0 $0xFFFFFFFF  }
0xb9: {  	s25 =	simm.s32 $0x1B8E;
	s24 =	sld [smem:$0x3FFE];
	[sflag:s5] =	ssyncadd.remote.s32 @!p0 $0x1  }
0xba: {  	s26 =	simm.s32 $execute0_lowered;
	[smem:$0x3FD2] =	sst s25  }
0xbb: {  	s6 =	sshll.u32 s26, $0x1;
	_ =	strace $0x8000004C;
	[dreg:$0x1] =	wrdreg $0xFFFFFFFF  }
0xbc: {  	s28 =	simm.s32 $_size_execute0_lowered;
	s4 =	sadd.s32 s4, s6;
	[dreg:$0x0] =	wrdreg $0x0  }
0xbd: {  	s6 =	sshll.u32 s28, $0x1;
	[dreg:$0x2] =	wrdreg s4  }
0xbe: {  	[dreg:$0x3] =	wrdreg s6  }
0xbf: {  	[dreg:$0x4] =	wrdreg $0xC0  }
0xc0: {  	_ =	task [dreg:s22], $0x5FFFF  }
0xc1: {  	[dreg:$0x1] =	wrdreg $0xFFFFFFFF  }
0xc2: {  	[dreg:$0x0] =	wrdreg $0x60  }
0xc3: {  	[dreg:$0x2] =	wrdreg s17  }
0xc4: {  	[dreg:$0x3] =	wrdreg s24  }
0xc5: {  	[dreg:$0x4] =	wrdreg $0x81000  }
0xc6: {  	[dreg:$0x5] =	wrdreg $0xA  }
0xc7: {  	_ =	task.clear_ibuf [dreg:s22], $0x6FFFF;
	_ =	strace $0x9000004C  }
0xc8: {  	s29 =	simm.s32 $0xA;
	_ =	strace $0x8000004E  }
0xc9: {  	_ =	swait.ge [sflag:s29], $0x1  }
0xca: {  	[sflag:s29] =	ssyncadd.s32 $0xFFFFFFFF  }
0xcb: {  	_ =	strace $0x9000004E  }
0xcc: {  	_ =	sfence  }
0xcd: {  	s30 =	sld [smem:$0x0];
	_ =	sdelay $0x2  }
0xce: {  	s31 =	sshll.u32 s1, $0xD;
	s1 =	sshrl.u32 s1, $0x2  }
0xcf: {  	s4 =	sand.u32 $0x4000, s31;
	s1 =	sadd.s32 s1, s30  }
0xd0: {  	s0 =	sor.u32 s4, s0;
	s1 =	sshll.u32 s1, $0x11  }
0xd1: {  	s0 =	sor.u32 s1, s0  }
0xd2: {  	s0 =	sadd.s32 $0x8F2B, s0  }
0xd3: {  	[sflag:s0] =	ssyncadd.remote.s32 $0x1  }
0xd4: {  	_ =	sfence.sel $0xFFFF  }
0xd5: {  	[dreg:$0x0] =	wrdreg $0xFFFFFFFF;
	(pc) =	sbr.abs _section_cstart, $3  }
0xd6: {  	[dreg:$0x1] =	wrdreg $0xFFFFFFFF  }
0xd7: {  	_ =	task.clear_ibuf [dreg:s22], $0x2FFFF;
	_ =	strace $0x9FFFFFFF  }
0xd8: {  	(tm) =	ssettm $0x7FFFFFFF  }
0xd9: {  	_ =	shalt  }
tec
execute0_lowered:
.L_overlay_start_1:
0x0: {  	(tag) =	ssettag $0x1  }
0x1: {  	s0 =	rddreg [dreg:$0x0]  }
0x2: {  	s1 =	rddreg [dreg:$0x1]  }
0x3: {  	s2 =	rddreg [dreg:$0x2]  }
0x4: {  	s3 =	simm.s32 $0x0;
	s22 =	stileid.u32;
	s6 =	srdreg.scid  }
0x5: {  	s28 =	simm.s32 $0x2;
	s29 =	simm.s32 $0x0;
	[smem:$0x7FF] =	sst s3  }
0x6: {  	s5 =	smul.u32 $0x2700, s22;
	s4 =	sadd.s32 $0xBE00, s1;
	s6 =	sand.u32 $0x1, s6  }
0x7: {  	s9 =	sshll.u32 s22, $0x1;
	s11 =	smul.u32 $0x4E000, s22;
	s15 =	sadd.s32 $0x15C00, s1  }
0x8: {  	s12 =	sshll.u32 s22, $0x6;
	s13 =	sadd.s32 $0x138000, s2;
	s21 =	smul.u32 $0x4E200, s22  }
0x9: {  	p0 =	sne.s32 s22, $0xF;
	_ =	strace $0x8000004D;
	s8 =	ssub.s32 $0x2, s6  }
0xa: {  	s9 =	sor.u32 s6, s9;
	s19 =	smul.u32 $0x27100, s6;
	[dreg:$0x6] =	wrdreg s13  }
0xb: {  	s7 =	sadd.s32 s5, s1;
	s10 =	sshrl.u32 s8, $0x1;
	s17 =	smul.u32 $0x2710, s9  }
0xc: {  	s11 =	sshrl.u32 s11, $0x2;
	s14 =	smul.u32 $0x27100, s9;
	s1 =	sadd.s32 $0x51EC00, s1  }
0xd: {  	s16 =	ssub.s32 s8, s10;
	s8 =	sadd.s32 s11, s2;
	[dreg:$0x7] =	wrdreg s1  }
0xe: {  	s7 =	sadd.s32 $0x4F7C00, s7;
	s5 =	sadd.s32 s5, s19;
	[dreg:$0x4] =	wrdreg s8  }
0xf: {  	s1 =	sadd.s32 s21, s0;
	[dreg:$0x5] =	wrdreg s7;
	s7 =	sor.u32 $0x1C03, s12  }
0x10: {  	s13 =	sadd.s32 $0x2700, s17;
	s18 =	sshrl.u32 s17, $0x3;
	s11 =	sadd.s32 s0, s14  }
0x11: {  	s14 =	sadd.s32 s15, s5;
	s24 =	sadd.s32 $0x2680, s17;
	s16 =	smax.u32 s16, $0x1  }
0x12: {  	s26 =	sadd.s32 s19, s1;
	s12 =	sshrl.u32 s13, $0x3;
	s10 =	sadd.s32 s4, s18  }
0x13: {  	s20 =	sshll.u32 s13, $0x4;
	s18 =	smul.u32 $0x138800, s6;
	s17 =	sshrl.u32 s24, $0x3  }
0x14: {  	s6 =	smul.u32 $0x2710, s6;
	s25 =	sshll.u32 s24, $0x4;
	s19 =	sadd.s32 $0x1000, s26  }
0x15: {  	s24 =	simm.s32 $0x80;
	s13 =	sadd.s32 s0, s20;
	s20 =	smul.u32 $0x4E20, s22  }
0x16: {  	s26 =	simm.s32 $0x1;
	s12 =	sadd.s32 s4, s12;
	s17 =	sadd.s32 s4, s17  }
0x17: {  	s22 =	simm.s32 $0x3;
	s23 =	sshrl.u32 s18, $0x3;
	s6 =	sadd.s32 s6, s20  }
0x18: {  	s18 =	sadd.s32 s0, s25;
	s25 =	simm.s32 $0x4100;
	s30 =	sadd.s32 $0x80, s6  }
0x19: {  	s5 =	sadd.s32 s15, s23;
	s23 =	simm.s32 $0x100;
	s31 =	sshrl.u32 s30, $0x3  }
0x1a: {  	v0 =	vimm.s32 $0x2710;
	s15 =	sadd.s32 $0x27000, s5;
	s20 =	sadd.s32 $0x100, s6;
	s21 =	sadd.s32 s31, s4  }
.LBB2_1:
0x1b: {  	s0 =	rddreg [dreg:$0x4]  }
0x1c: {  	s5 =	rddreg [dreg:$0x5];
	s30 =	sshrl.u32 s0, $0x3  }
0x1d: {  	[spmem:s30], [sflag:s7] =	dma.local [hbm:s5], $0x2700  }
0x1e: {  	_ =	swait.ge [sflag:s22], $0x2700  }
0x1f: {  	[sflag:s22] =	ssyncset.done $0x0;
	s0 =	rddreg [dreg:$0x6]  }
0x20: {  	[sflag:s22] =	ssyncadd.s32 $0xFFFFD900;
	s31 =	sshrl.u32 @!p0 s0, $0x3;
	s0 =	rddreg [dreg:$0x7]  }
0x21: {  	[spmem:s31], [sflag:s7] =	dma.local @!p0 [hbm:s0], $0x100  }
0x22: {  	s0 =	simm.s32 @!p0 $0x3  }
0x23: {  	_ =	swait.ge @!p0 [sflag:s0], $0x100  }
0x24: {  	[sflag:s0] =	ssyncset.done @!p0 $0x0  }
0x25: {  	[sflag:s0] =	ssyncadd.s32 @!p0 $0xFFFFFF00  }
0x26: {  	[bflag:$0x0] =	sbarrier.arrive $0xFFFF  }
0x27: {  	[tilespmem:s3], [sflag:$0x1] =	stream.linear.gather [hbm4b:s10+s3], $0x80, $0x38;
	[tilespmem:$0x1BA00] =	vst v63  }
0x28: {  	_ = 	snop  }
0x29: {  	[tilespmem:s23], [sflag:$0x1] =	stream.linear.gather [hbm4b:s11+s3], $0x4000, $0x38;
	[tilespmem:$0x1BA00] =	vst v63  }
0x2a: {  	s6 =	sadd.s32 $0x0, s21  }
0x2b: {  	[tilespmem:s24], [sflag:$0x2] =	stream.linear.gather [hbm4b:s6+s3], $0x80, $0x38;
	[tilespmem:$0x1BA00] =	vst v63  }
0x2c: {  	s8 =	sadd.s32 $0xFFFFF800, s19  }
0x2d: {  	[tilespmem:s25], [sflag:$0x2] =	stream.linear.gather [hbm4b:s8+s3], $0x4000, $0x38;
	[tilespmem:$0x1BA00] =	vst v63  }
0x2e: {  	_ =	swait.ge [sflag:s26], $0x80  }
0x2f: {  	[sflag:s26] =	ssyncset.done $0x0  }
0x30: {  	[sflag:s26] =	ssyncadd.s32 $0xFFFFFF80  }
0x31: {  	_ =	swait.ge [sflag:s26], $0x4000  }
0x32: {  	[sflag:s26] =	ssyncset.done $0x0  }
0x33: {  	[sflag:s26] =	ssyncadd.s32 $0xFFFFC000  }
0x34: {  	[spmem:s2] =	stream.indirect.scatter.add.f32 [tilespmem:s23], [sflag:$0x3], $0x80, s3, s24, $0xb8;
	[tilespmem:$0x1BA00] =	vst v63  }
0x35: {  	_ =	swait.ge [sflag:s22], $0x4000  }
0x36: {  	s9 =	sshrl.u32 s20, $0x3;
	[sflag:s22] =	ssyncset.done $0x0  }
0x37: {  	s0 =	sadd.s32 s4, s9;
	[sflag:s22] =	ssyncadd.s32 $0xFFFFC000  }
0x38: {  	[tilespmem:s3], [sflag:$0x1] =	stream.linear.gather [hbm4b:s0+s3], $0x80, $0x38;
	[tilespmem:$0x1BA00] =	vst v63  }
0x39: {  	_ = 	snop  }
0x3a: {  	[tilespmem:s23], [sflag:$0x1] =	stream.linear.gather [hbm4b:s19+s3], $0x4000, $0x38;
	[tilespmem:$0x1BA00] =	vst v63  }
0x3b: {  	_ =	swait.ge [sflag:s28], $0x80  }
0x3c: {  	[sflag:s28] =	ssyncset.done $0x0  }
0x3d: {  	[sflag:s28] =	ssyncadd.s32 $0xFFFFFF80  }
0x3e: {  	_ =	swait.ge [sflag:s28], $0x4000  }
0x3f: {  	[sflag:s28] =	ssyncset.done $0x0  }
0x40: {  	[sflag:s28] =	ssyncadd.s32 $0xFFFFC000  }
0x41: {  	[spmem:s2] =	stream.indirect.scatter.add.f32 [tilespmem:s25], [sflag:$0x3], $0x80, s24, s24, $0xb8;
	[tilespmem:$0x1BA00] =	vst v63  }
0x42: {  	s1 =	sadd.s32 $0x100, s20;
	s5 =	simm.s32 $0x20;
	_ =	swait.ge [sflag:s22], $0x4000  }
0x43: {  	s6 =	simm.s32 $0x40;
	s0 =	sadd.s32 $0x1000, s19;
	[sflag:s22] =	ssyncset.done $0x0  }
.LBB2_2:
0x44: {  	s8 =	sadd.s32 s5, s21  }
0x45: {  	[sflag:s22] =	ssyncadd.s32 $0xFFFFC000;
	s5 =	smov.u32 s6;
	s9 =	sadd.s32 $0x20, s6  }
0x46: {  	[tilespmem:s24], [sflag:$0x2] =	stream.linear.gather [hbm4b:s8+s3], $0x80, $0x38;
	[tilespmem:$0x1BA00] =	vst v63  }
0x47: {  	p1 =	sne.s32 s6, $0x4A0;
	s6 =	sadd.s32 $0xFFFFF800, s0  }
0x48: {  	[tilespmem:s25], [sflag:$0x2] =	stream.linear.gather [hbm4b:s6+s3], $0x4000, $0x38;
	[tilespmem:$0x1BA00] =	vst v63  }
0x49: {  	_ =	swait.ge [sflag:s26], $0x80  }
0x4a: {  	[sflag:s26] =	ssyncset.done $0x0  }
0x4b: {  	[sflag:s26] =	ssyncadd.s32 $0xFFFFFF80  }
0x4c: {  	_ =	swait.ge [sflag:s26], $0x4000  }
0x4d: {  	[sflag:s26] =	ssyncset.done $0x0  }
0x4e: {  	[sflag:s26] =	ssyncadd.s32 $0xFFFFC000  }
0x4f: {  	[spmem:s2] =	stream.indirect.scatter.add.f32 [tilespmem:s23], [sflag:$0x3], $0x80, s3, s24, $0xb8;
	[tilespmem:$0x1BA00] =	vst v63  }
0x50: {  	_ =	swait.ge [sflag:s22], $0x4000  }
0x51: {  	s6 =	sshrl.u32 s1, $0x3;
	[sflag:s22] =	ssyncset.done $0x0  }
0x52: {  	s6 =	sadd.s32 s4, s6;
	[sflag:s22] =	ssyncadd.s32 $0xFFFFC000  }
0x53: {  	[tilespmem:s3], [sflag:$0x1] =	stream.linear.gather [hbm4b:s6+s3], $0x80, $0x38;
	[tilespmem:$0x1BA00] =	vst v63  }
0x54: {  	_ = 	snop  }
0x55: {  	[tilespmem:s23], [sflag:$0x1] =	stream.linear.gather [hbm4b:s0+s3], $0x4000, $0x38;
	[tilespmem:$0x1BA00] =	vst v63  }
0x56: {  	_ =	swait.ge [sflag:s28], $0x80  }
0x57: {  	[sflag:s28] =	ssyncset.done $0x0  }
0x58: {  	[sflag:s28] =	ssyncadd.s32 $0xFFFFFF80  }
0x59: {  	_ =	swait.ge [sflag:s28], $0x4000  }
.Ltmp0:
0x5a: {  	[sflag:s28] =	ssyncset.done $0x0;
	(pc) =	sbr.rel @p1 .LBB2_2-.Ltmp0, $4  }
0x5b: {  	[sflag:s28] =	ssyncadd.s32 $0xFFFFC000  }
0x5c: {  	[spmem:s2] =	stream.indirect.scatter.add.f32 [tilespmem:s25], [sflag:$0x3], $0x80, s24, s24, $0xb8;
	[tilespmem:$0x1BA00] =	vst v63  }
0x5d: {  	s1 =	sadd.s32 $0x100, s1;
	_ =	swait.ge [sflag:s22], $0x4000  }
0x5e: {  	s6 =	smov.u32 s9;
	s0 =	sadd.s32 $0x1000, s0;
	[sflag:s22] =	ssyncset.done $0x0  }
0x5f: {  	s5 =	sadd.s32 s5, s21;
	[sflag:s22] =	ssyncadd.s32 $0xFFFFC000  }
0x60: {  	[tilespmem:s24], [sflag:$0x2] =	stream.linear.gather [hbm4b:s5+s3], $0x80, $0x38;
	[tilespmem:$0x1BA00] =	vst v63  }
0x61: {  	s9 =	sadd.s32 $0xFFFFF800, s0  }
0x62: {  	[tilespmem:s25], [sflag:$0x2] =	stream.linear.gather [hbm4b:s9+s3], $0x4000, $0x38;
	[tilespmem:$0x1BA00] =	vst v63  }
0x63: {  	_ =	swait.ge [sflag:s26], $0x80  }
0x64: {  	[sflag:s26] =	ssyncset.done $0x0  }
0x65: {  	[sflag:s26] =	ssyncadd.s32 $0xFFFFFF80  }
0x66: {  	_ =	swait.ge [sflag:s26], $0x4000  }
0x67: {  	[sflag:s26] =	ssyncset.done $0x0  }
0x68: {  	[sflag:s26] =	ssyncadd.s32 $0xFFFFC000  }
0x69: {  	[spmem:s2] =	stream.indirect.scatter.add.f32 [tilespmem:s23], [sflag:$0x3], $0x80, s3, s24, $0xb8;
	[tilespmem:$0x1BA00] =	vst v63  }
0x6a: {  	_ =	swait.ge [sflag:s22], $0x4000  }
0x6b: {  	s1 =	sshrl.u32 s1, $0x3;
	[sflag:s22] =	ssyncset.done $0x0  }
0x6c: {  	s1 =	sadd.s32 s4, s1;
	[sflag:s22] =	ssyncadd.s32 $0xFFFFC000  }
0x6d: {  	[tilespmem:s3], [sflag:$0x1] =	stream.linear.gather [hbm4b:s1+s3], $0x80, $0x38;
	[tilespmem:$0x1BA00] =	vst v63  }
0x6e: {  	_ = 	snop  }
0x6f: {  	[tilespmem:s23], [sflag:$0x1] =	stream.linear.gather [hbm4b:s0+s3], $0x4000, $0x38;
	[tilespmem:$0x1BA00] =	vst v63  }
0x70: {  	_ =	swait.ge [sflag:s28], $0x80  }
0x71: {  	[sflag:s28] =	ssyncset.done $0x0  }
0x72: {  	[sflag:s28] =	ssyncadd.s32 $0xFFFFFF80  }
0x73: {  	_ =	swait.ge [sflag:s28], $0x4000  }
0x74: {  	[sflag:s28] =	ssyncset.done $0x0  }
0x75: {  	[sflag:s28] =	ssyncadd.s32 $0xFFFFC000  }
0x76: {  	[spmem:s2] =	stream.indirect.scatter.add.f32 [tilespmem:s25], [sflag:$0x3], $0x80, s24, s24, $0xb8;
	[tilespmem:$0x1BA00] =	vst v63  }
0x77: {  	_ =	swait.ge [sflag:s22], $0x4000  }
0x78: {  	[sflag:s22] =	ssyncset.done $0x0  }
0x79: {  	[sflag:s22] =	ssyncadd.s32 $0xFFFFC000  }
0x7a: {  	[tilespmem:s24], [sflag:$0x2] =	stream.linear.gather [hbm4b:s17+s3], $0x80, $0x38;
	[tilespmem:$0x1BA00] =	vst v63  }
0x7b: {  	_ = 	snop  }
0x7c: {  	[tilespmem:s25], [sflag:$0x2] =	stream.linear.gather [hbm4b:s18+s3], $0x4000, $0x38;
	[tilespmem:$0x1BA00] =	vst v63  }
0x7d: {  	_ =	swait.ge [sflag:s26], $0x80  }
0x7e: {  	[sflag:s26] =	ssyncset.done $0x0  }
0x7f: {  	[sflag:s26] =	ssyncadd.s32 $0xFFFFFF80  }
0x80: {  	_ =	swait.ge [sflag:s26], $0x4000  }
0x81: {  	[sflag:s26] =	ssyncset.done $0x0  }
0x82: {  	[sflag:s26] =	ssyncadd.s32 $0xFFFFC000  }
0x83: {  	[spmem:s2] =	stream.indirect.scatter.add.f32 [tilespmem:s23], [sflag:$0x3], $0x80, s3, s24, $0xb8;
	[tilespmem:$0x1BA00] =	vst v63  }
0x84: {  	_ =	swait.ge [sflag:s22], $0x4000  }
0x85: {  	[sflag:s22] =	ssyncset.done $0x0  }
0x86: {  	[sflag:s22] =	ssyncadd.s32 $0xFFFFC000  }
0x87: {  	_ =	swait.ge [sflag:s28], $0x80  }
0x88: {  	[sflag:s28] =	ssyncset.done $0x0  }
0x89: {  	[sflag:s28] =	ssyncadd.s32 $0xFFFFFF80  }
0x8a: {  	_ =	swait.ge [sflag:s28], $0x4000  }
0x8b: {  	[sflag:s28] =	ssyncset.done $0x0  }
0x8c: {  	[sflag:s28] =	ssyncadd.s32 $0xFFFFC000  }
0x8d: {  	[spmem:s2] =	stream.indirect.scatter.add.f32 [tilespmem:s25], [sflag:$0x3], $0x80, s24, s24, $0xb8;
	[tilespmem:$0x1BA00] =	vst v63  }
0x8e: {  	_ =	swait.ge [sflag:s22], $0x4000  }
0x8f: {  	[sflag:s22] =	ssyncset.done $0x0  }
0x90: {  	[sflag:s22] =	ssyncadd.s32 $0xFFFFC000  }
0x91: {  	[tilespmem:s3], [sflag:$0x3] =	stream.linear.gather [hbm4b:s12+s3], $0x10, $0x38;
	[tilespmem:$0x1BA00] =	vst v63  }
0x92: {  	_ =	swait.ge [sflag:s22], $0x10  }
0x93: {  	[sflag:s22] =	ssyncset.done $0x0  }
0x94: {  	[sflag:s22] =	ssyncadd.s32 $0xFFFFFFF0  }
0x95: {  	[tilespmem:s23], [sflag:$0x3] =	stream.linear.gather [hbm4b:s13+s3], $0x800, $0x38;
	[tilespmem:$0x1BA00] =	vst v63  }
0x96: {  	_ =	swait.ge [sflag:s22], $0x800  }
0x97: {  	[sflag:s22] =	ssyncset.done $0x0  }
0x98: {  	[sflag:s22] =	ssyncadd.s32 $0xFFFFF800  }
0x99: {  	[tilespmem:$0x10] =	vst v0  }
0x9a: {  	[tilespmem:$0x20] =	vst v0  }
0x9b: {  	[tilespmem:$0x30] =	vst v0  }
0x9c: {  	[tilespmem:$0x40] =	vst v0  }
0x9d: {  	[tilespmem:$0x50] =	vst v0  }
0x9e: {  	[tilespmem:$0x60] =	vst v0  }
0x9f: {  	[tilespmem:$0x70] =	vst v0  }
0xa0: {  	[spmem:s2] =	stream.indirect.scatter.add.f32 [tilespmem:s23], [sflag:$0x3], $0x80, s3, s24, $0xb8;
	[tilespmem:$0x1BA00] =	vst v63  }
0xa1: {  	_ =	swait.ge [sflag:s22], $0x4000  }
0xa2: {  	[sflag:s22] =	ssyncset.done $0x0  }
0xa3: {  	[sflag:s22] =	ssyncadd.s32 $0xFFFFC000  }
0xa4: {  	[bflag:$0x0] =	sbarrier.arrive $0xFFFF  }
0xa5: {  	[hbm:s14], [sflag:s7] =	dma.local [spmem:s30], $0x2700  }
0xa6: {  	s29 =	sadd.s32 $0x1, s29;
	_ =	swait.ge [sflag:s22], $0x2700  }
0xa7: {  	p1 =	sne.s32 s29, s16;
	[sflag:s22] =	ssyncset.done $0x0  }
.Ltmp1:
0xa8: {  	s0 =	simm.s32 @!p0 $0x3;
	[sflag:s22] =	ssyncadd.s32 $0xFFFFD900;
	(pc) =	sbr.rel @p1 .LBB2_1-.Ltmp1, $4  }
0xa9: {  	[hbm:s15], [sflag:s7] =	dma.local @!p0 [spmem:s31], $0x100  }
0xaa: {  	_ =	swait.ge @!p0 [sflag:s0], $0x100  }
0xab: {  	[sflag:s0] =	ssyncset.done @!p0 $0x0  }
0xac: {  	[sflag:s0] =	ssyncadd.s32 @!p0 $0xFFFFFF00  }
0xad: {  	_ =	sfence.sel $0x180000  }
0xae: {  	[bflag:$0x0] =	sbarrier.arrive $0xFFFF  }
0xaf: {  	_ =	strace $0x9000004D  }
0xb0: {  	s0 =	stileid.u32;
	[bflag:$0x2] =	sbarrier.arrive $0xFFFF  }
0xb1: {  	p0 =	sne.s32 s0, $0x0;
	s0 =	rddreg [dreg:$0x3]  }
0xb2: {  	s0 =	sadd.s32 @!p0 $0x100000, s0  }
0xb3: {  	[sflag:s0] =	ssyncadd.tile.s32 @!p0 $0x1;
	_ =	shalt  }
.Lfunc_end2:
_tile_overlayer_lowered:
.L_overlay_start_2:
0xb4: {  	(tag) =	ssettag $0x2  }
0xb5: {  	s0 =	rddreg [dreg:$0x0];
	s2 =	stileid.u32  }
0xb6: {  	s1 =	rddreg [dreg:$0x1];
	p0 =	sne.s32 s2, $0x0  }
0xb7: {  	s3 =	rddreg [dreg:$0x2];
	[bflag:$0x3] =	sbarrier.arrive $0xFFFF;
	s2 =	simm.s32 @!p0 $0x1C03  }
0xb8: {  	[timem:s3], [sflag:s2] =	dma.local @!p0 [hbm:s0], s1  }
0xb9: {  	s0 =	simm.s32 @!p0 $0x3  }
0xba: {  	_ =	swait.ge @!p0 [sflag:s0], s1  }
0xbb: {  	s1 =	ssub.s32 @!p0 $0x0, s1;
	[sflag:s0] =	ssyncset.done @!p0 $0x0  }
0xbc: {  	[sflag:s0] =	ssyncadd.s32 @!p0 s1  }
0xbd: {  	[bflag:$0x3] =	sbarrier.arrive $0xFFFF  }
0xbe: {  	_ =	shalt  }

// kernel: kernel.8.cloned.1.call-start
scs
__scs_entry_jumppad:
0x0: {  	(pc) =	sbr.rel $0x88, $3  }
0x1: {  	(tag) =	ssettag $0x0;
	lr =	simm.s32 $0x1  }
0x2: {  	[smem:$0x3F96] =	sst lr;
	_ =	strace $0xD0000000  }
0x3: {  	_ = 	snop  }
0x4: {  	_ = 	snop  }
0x5: {  	_ = 	snop  }
0x6: {  	_ = 	snop  }
0x7: {  	_ = 	snop  }
__scs_overlays_trampoline_lowered:
0x8: {  	[smem:$0x3FA5] =	sst s0  }
0x9: {  	[smem:$0x3FA6] =	sst s1  }
0xa: {  	[smem:$0x3FA7] =	sst s2  }
0xb: {  	[smem:$0x3FA8] =	sst s3  }
0xc: {  	[smem:$0x3FA9] =	sst s4  }
0xd: {  	[smem:$0x3FAA] =	sst s5  }
0xe: {  	[smem:$0x3FAB] =	sst s6  }
0xf: {  	[smem:$0x3FAC] =	sst s7  }
0x10: {  	[smem:$0x3FAD] =	sst s8  }
0x11: {  	[smem:$0x3FAE] =	sst s9;
	s0 =	simm.s32 @!p0 $0x0  }
0x12: {  	s1 =	sld [smem:$0x3F94];
	s0 =	simm.s32 @p0 $0x1  }
0x13: {  	[smem:$0x3FAF] =	sst s0;
	s0 =	simm.s32 @!p1 $0x0  }
0x14: {  	s2 =	sld [smem:$0x3F93];
	s0 =	simm.s32 @p1 $0x1  }
0x15: {  	[smem:$0x3FB0] =	sst s0;
	s0 =	simm.s32 @!p2 $0x0  }
0x16: {  	s3 =	sld [smem:$0x3FDB];
	s0 =	simm.s32 @p2 $0x1  }
0x17: {  	s4 =	simm.s32 $0x1BF5;
	[smem:$0x3FB2] =	sst s0  }
0x18: {  	s0 =	sld [smem:$0x3F95];
	_ =	swait.ge [sflag:s4], $0x0  }
0x19: {  	s7 =	sld [smem:$0x3F96]  }
0x1a: {  	s8 =	sadd.s32 $0xFFFFE003, lr  }
0x1b: {  	s9 =	sadd.s32 $0xFFFFFEF7, lr;
	s5 =	simm.s32 $0xFFFFFFFF;
	p2 =	slt.u32 s8, $0xFFFFF086  }
0x1c: {  	p1 =	slt.u32 s9, $0xF7A;
	s5 =	simm.s32 @!p2 $0x0  }
0x1d: {  	s5 =	simm.s32 @p1 $0x1;
	p0 =	seq.s32 s7, s2  }
0x1e: {  	s7 =	smul.u32 @!p0 $0xF7A, s2;
	p2 =	seq.s32 @!p0 s5, $0x0  }
0x1f: {  	s9 =	smul.u32 $0xF7A, s1;
	s8 =	simm.s32 @!p0 $0x1BF5;
	p2 =	por !p2, p0  }
0x20: {  	[sflag:s8] =	ssyncset.s32 @!p0 $0xFFFFF086;
	s6 =	sadd.s32 @!p0 s3, s7;
	s7 =	simm.s32 @!p0 $0x108  }
0x21: {  	s3 =	sadd.s32 s3, s9;
	s6 =	sadd.s32 @!p0 $0x88, s6;
	s7 =	simm.s32 @p2 $0x1082  }
0x22: {  	[simem:s7], [sflag:s8] =	dma.local @!p0 [hbm:s6], $0xF7A  }
0x23: {  	s9 =	sor.u32 $0xD0000000, s2;
	s6 =	simm.s32 $0x108;
	_ =	swait.ge @!p0 [sflag:s8], $0x0  }
0x24: {  	s3 =	sadd.s32 $0x88, s3;
	s6 =	simm.s32 @!p1 $0x1082;
	[sflag:s4] =	ssyncset.s32 $0xFFFFF086  }
0x25: {  	[simem:s6], [sflag:s4] =	dma.local [hbm:s3], $0xF7A  }
0x26: {  	[smem:$0x3F96] =	sst s1;
	(tag) =	ssettag s2;
	_ =	strace s9  }
0x27: {  	s1 =	sld [smem:$0x3FA6]  }
0x28: {  	s2 =	sld [smem:$0x3FA7]  }
0x29: {  	s4 =	sld [smem:$0x3FA9]  }
0x2a: {  	p0 =	seq.s32 s5, $0x0;
	s5 =	sld [smem:$0x3FAA]  }
0x2b: {  	s6 =	sld [smem:$0x3FAB]  }
0x2c: {  	s7 =	sld [smem:$0x3FAC]  }
0x2d: {  	s3 =	simm.s32 $0x108;
	s8 =	sld [smem:$0x3FAD]  }
0x2e: {  	s3 =	simm.s32 @!p0 $0x1082;
	s9 =	sld [smem:$0x3FAE]  }
0x2f: {  	lr =	sadd.s32 s0, s3;
	s0 =	sld [smem:$0x3FA5]  }
0x30: {  	s3 =	sld [smem:$0x3FA8]  }
0x31: {  	[smem:$0x3FB1] =	sst s10  }
0x32: {  	s10 =	sld [smem:$0x3FAF];
	_ =	sdelay $0x3  }
0x33: {  	p0 =	seq.s32 s10, $0x1;
	s10 =	sld [smem:$0x3FB1];
	_ =	sdelay $0x3  }
0x34: {  	[smem:$0x3FB1] =	sst s10  }
0x35: {  	s10 =	sld [smem:$0x3FB0];
	_ =	sdelay $0x3  }
0x36: {  	p1 =	seq.s32 s10, $0x1;
	s10 =	sld [smem:$0x3FB1];
	_ =	sdelay $0x3  }
0x37: {  	[smem:$0x3FB1] =	sst s10  }
0x38: {  	s10 =	sld [smem:$0x3FB2]  }
0x39: {  	_ = 	snop;
	(pc) =	sbr.ind lr, $3  }
0x3a: {  	_ = 	snop  }
0x3b: {  	_ = 	snop  }
0x3c: {  	p2 =	seq.s32 s10, $0x1;
	s10 =	sld [smem:$0x3FB1]  }
0x3d: {  	_ =	shalt  }
0x3e: {  	_ =	shalt  }
0x3f: {  	_ =	shalt  }
0x40: {  	_ =	shalt  }
0x41: {  	_ =	shalt  }
0x42: {  	_ =	shalt  }
0x43: {  	_ =	shalt  }
0x44: {  	_ =	shalt  }
0x45: {  	_ =	shalt  }
0x46: {  	_ =	shalt  }
0x47: {  	_ =	shalt  }
0x48: {  	_ =	shalt  }
0x49: {  	_ =	shalt  }
0x4a: {  	_ =	shalt  }
0x4b: {  	_ =	shalt  }
0x4c: {  	_ =	shalt  }
0x4d: {  	_ =	shalt  }
0x4e: {  	_ =	shalt  }
0x4f: {  	_ =	shalt  }
0x50: {  	_ =	shalt  }
0x51: {  	_ =	shalt  }
0x52: {  	_ =	shalt  }
0x53: {  	_ =	shalt  }
0x54: {  	_ =	shalt  }
0x55: {  	_ =	shalt  }
0x56: {  	_ =	shalt  }
0x57: {  	_ =	shalt  }
0x58: {  	_ =	shalt  }
0x59: {  	_ =	shalt  }
0x5a: {  	_ =	shalt  }
0x5b: {  	_ =	shalt  }
0x5c: {  	_ =	shalt  }
0x5d: {  	_ =	shalt  }
0x5e: {  	_ =	shalt  }
0x5f: {  	_ =	shalt  }
0x60: {  	_ =	shalt  }
0x61: {  	_ =	shalt  }
0x62: {  	_ =	shalt  }
0x63: {  	_ =	shalt  }
0x64: {  	_ =	shalt  }
0x65: {  	_ =	shalt  }
0x66: {  	_ =	shalt  }
0x67: {  	_ =	shalt  }
0x68: {  	_ =	shalt  }
0x69: {  	_ =	shalt  }
0x6a: {  	_ =	shalt  }
0x6b: {  	_ =	shalt  }
0x6c: {  	_ =	shalt  }
0x6d: {  	_ =	shalt  }
0x6e: {  	_ =	shalt  }
0x6f: {  	_ =	shalt  }
0x70: {  	_ =	shalt  }
0x71: {  	_ =	shalt  }
0x72: {  	_ =	shalt  }
0x73: {  	_ =	shalt  }
0x74: {  	_ =	shalt  }
0x75: {  	_ =	shalt  }
0x76: {  	_ =	shalt  }
0x77: {  	_ =	shalt  }
0x78: {  	_ =	shalt  }
0x79: {  	_ =	shalt  }
0x7a: {  	_ =	shalt  }
0x7b: {  	_ =	shalt  }
0x7c: {  	_ =	shalt  }
0x7d: {  	_ =	shalt  }
0x7e: {  	_ =	shalt  }
0x7f: {  	_ =	shalt  }
0x80: {  	_ =	shalt  }
0x81: {  	_ =	shalt  }
0x82: {  	_ =	shalt  }
0x83: {  	_ =	shalt  }
0x84: {  	_ =	shalt  }
0x85: {  	_ =	shalt  }
0x86: {  	_ =	shalt  }
0x87: {  	_ =	shalt  }
.Lfunc_end0:
.L_simem_size_0:
called_computation_lowered:
.L_overlay_start_0:
0x88: {  	s2 =	sld [smem:$0x3FD9]  }
0x89: {  	s3 =	sld [smem:$0x3FFE];
	_ =	sdelay $0x1  }
0x8a: {  	s1 =	srdreg.scid  }
0x8b: {  	s0 =	sand.u32 $0x1, s1  }
0x8c: {  	s14 =	sshll.u32 s0, $0xA;
	s2 =	sadd.s32 s3, s2  }
0x8d: {  	s2 =	sadd.s32 s2, s14  }
0x8e: {  	[smem:$0x3FBD] =	sst s2  }
0x8f: {  	_ = 	snop  }
0x90: {  	s2 =	sld [smem:$0x3FD0];
	_ =	sdelay $0x2  }
0x91: {  	s15 =	simm.s32 $0xB;
	s4 =	simm.s32 $0x10  }
0x92: {  	[smem:s4], [sflag:s15] =	dma.local [hbm:s2], $0x1  }
0x93: {  	_ =	swait.eq [sflag:s15], $0x1  }
0x94: {  	[sflag:s15] =	ssyncset.done $0x0  }
0x95: {  	s16 =	sld [smem:$0x10];
	[sflag:s15] =	ssyncadd.s32 $0xFFFFFFFF  }
0x96: {  	s17 =	sld [smem:$0x11];
	(tm) =	ssettm $0x1  }
0x97: {  	s18 =	sld [smem:$0x3FFB];
	_ =	sdelay $0x3  }
0x98: {  	_ =	strace s18  }
0x99: {  	s4 =	sld [smem:$0x3FFC];
	_ =	sdelay $0x3  }
0x9a: {  	_ =	strace s4  }
0x9b: {  	s4 =	sld [smem:$0x3FFD];
	_ =	sdelay $0x3  }
0x9c: {  	_ =	strace s4  }
0x9d: {  	_ =	strace $0x8FFFFFFF  }
0x9e: {  	s19 =	sld [smem:$0x3FDB];
	_ =	sdelay $0x1  }
0x9f: {  	s5 =	simm.s32 $_scs_section_size  }
0xa0: {  	s6 =	simm.s32 $_size__tile_overlayer_lowered;
	s7 =	simm.s32 $_tile_overlayer_lowered  }
0xa1: {  	s22 =	simm.s32 $0x1BFF;
	s21 =	sshll.u32 s7, $0x1;
	s4 =	sadd.s32 s5, s19  }
0xa2: {  	s8 =	simm.s32 $0x0;
	s20 =	sshll.u32 s6, $0x1;
	s6 =	sadd.s32 s21, s4  }
0xa3: {  	[timem:s8], [sflag:s22] =	dma.local [hbm:s6], s20  }
0xa4: {  	_ =	swait.ge [sflag:s22], s20  }
0xa5: {  	s5 =	ssub.s32 $0x0, s20;
	[sflag:s22] =	ssyncset.done $0x0  }
0xa6: {  	[sflag:s22] =	ssyncadd.s32 s5;
	_ =	sdelay $0x1  }
0xa7: {  	s23 =	simm.s32 $0x1B8B  }
0xa8: {  	_ =	swait.ge [sflag:s23], $0x1  }
0xa9: {  	[sflag:s23] =	ssyncset.done $0x0  }
0xaa: {  	s25 =	simm.s32 $0x1B8E;
	s24 =	sld [smem:$0x3FFE];
	[sflag:s23] =	ssyncadd.s32 $0xFFFFFFFF  }
0xab: {  	s26 =	simm.s32 $execute0_lowered;
	[smem:$0x3FD2] =	sst s25  }
0xac: {  	s6 =	sshll.u32 s26, $0x1;
	_ =	strace $0x80000046;
	[dreg:$0x1] =	wrdreg $0xFFFFFFFF  }
0xad: {  	s28 =	simm.s32 $_size_execute0_lowered;
	s4 =	sadd.s32 s4, s6;
	[dreg:$0x0] =	wrdreg $0x0  }
0xae: {  	s6 =	sshll.u32 s28, $0x1;
	[dreg:$0x2] =	wrdreg s4  }
0xaf: {  	[dreg:$0x3] =	wrdreg s6  }
0xb0: {  	[dreg:$0x4] =	wrdreg $0xC0  }
0xb1: {  	_ =	task [dreg:s8], $0x5FFFF  }
0xb2: {  	[dreg:$0x1] =	wrdreg $0xFFFFFFFF  }
0xb3: {  	[dreg:$0x0] =	wrdreg $0x60  }
0xb4: {  	[dreg:$0x2] =	wrdreg s16  }
0xb5: {  	[dreg:$0x3] =	wrdreg s17  }
0xb6: {  	[dreg:$0x4] =	wrdreg s24  }
0xb7: {  	[dreg:$0x5] =	wrdreg $0xA  }
0xb8: {  	_ =	task.clear_ibuf [dreg:s8], $0x6FFFF;
	_ =	strace $0x90000046  }
0xb9: {  	s29 =	simm.s32 $0xA;
	_ =	strace $0x80000048  }
0xba: {  	_ =	swait.ge [sflag:s29], $0x1  }
0xbb: {  	[sflag:s29] =	ssyncadd.s32 $0xFFFFFFFF  }
0xbc: {  	_ =	strace $0x90000048  }
0xbd: {  	_ =	sfence  }
0xbe: {  	s30 =	sld [smem:$0x0];
	_ =	sdelay $0x2  }
0xbf: {  	s31 =	sshll.u32 s1, $0xD;
	s1 =	sshrl.u32 s1, $0x2  }
0xc0: {  	s3 =	sand.u32 $0x4000, s31;
	s1 =	sadd.s32 s1, s30  }
0xc1: {  	s0 =	sor.u32 s3, s0;
	s1 =	sshll.u32 s1, $0x11  }
0xc2: {  	s0 =	sor.u32 s1, s0  }
0xc3: {  	s0 =	sadd.s32 $0x8F2B, s0  }
0xc4: {  	[sflag:s0] =	ssyncadd.remote.s32 $0x1  }
0xc5: {  	_ =	sfence.sel $0xFFFF  }
0xc6: {  	[dreg:$0x0] =	wrdreg $0xFFFFFFFF;
	(pc) =	sbr.abs _section_cstart, $3  }
0xc7: {  	[dreg:$0x1] =	wrdreg $0xFFFFFFFF  }
0xc8: {  	_ =	task.clear_ibuf [dreg:s8], $0x2FFFF;
	_ =	strace $0x9FFFFFFF  }
0xc9: {  	(tm) =	ssettm $0x7FFFFFFF  }
tec
execute0_lowered:
.L_overlay_start_1:
0x0: {  	(tag) =	ssettag $0x1  }
0x1: {  	s1 =	rddreg [dreg:$0x0]  }
0x2: {  	s2 =	rddreg [dreg:$0x1]  }
0x3: {  	s0 =	rddreg [dreg:$0x2]  }
0x4: {  	s4 =	simm.s32 $0x0;
	s3 =	srdreg.scid;
	s5 =	stileid.u32  }
0x5: {  	s17 =	simm.s32 $0x8200;
	s28 =	simm.s32 $0xC200;
	s29 =	simm.s32 $0x2  }
0x6: {  	s30 =	simm.s32 $0x3;
	s31 =	simm.s32 $0x5;
	[smem:$0x7FF] =	sst s4  }
0x7: {  	s3 =	sand.u32 $0x1, s3;
	s5 =	sshll.u32 s5, $0x1;
	s6 =	sadd.s32 $0xBE00, s0  }
0x8: {  	s7 =	sadd.s32 $0x15C00, s0;
	s9 =	sor.u32 s3, s5;
	s3 =	ssub.s32 $0x2, s3  }
0x9: {  	_ =	strace $0x80000047;
	s10 =	smul.u32 $0x2710, s9;
	s20 =	sshrl.u32 s3, $0x1  }
0xa: {  	s5 =	sadd.s32 $0x2000, s0;
	s13 =	smul.u32 $0x138800, s9;
	s0 =	ssub.s32 s3, s20  }
0xb: {  	s20 =	simm.s32 $0x100;
	s21 =	sshrl.u32 s10, $0x3;
	s8 =	sadd.s32 $0x80, s10  }
0xc: {  	s24 =	sadd.s32 $0x2700, s10;
	s14 =	sadd.s32 $0x100, s10;
	s15 =	sadd.s32 $0x180, s10  }
0xd: {  	s19 =	smax.u32 s0, $0x1;
	s0 =	simm.s32 $0x4;
	s11 =	sadd.s32 s5, s21  }
0xe: {  	s3 =	sadd.s32 s6, s21;
	s22 =	sshrl.u32 s8, $0x3;
	[dreg:$0x4] =	wrdreg s11  }
0xf: {  	s10 =	simm.s32 $0x0;
	[dreg:$0x5] =	wrdreg s3;
	s23 =	sadd.s32 s5, s22  }
0x10: {  	s25 =	sshrl.u32 s24, $0x3;
	s3 =	sadd.s32 s6, s22;
	[dreg:$0x6] =	wrdreg s23  }
0x11: {  	s21 =	simm.s32 $0x1;
	s26 =	sadd.s32 s5, s25;
	[dreg:$0x7] =	wrdreg s3  }
0x12: {  	s9 =	sadd.s32 s6, s25;
	s22 =	simm.s32 $0x80;
	[dreg:$0x8] =	wrdreg s26  }
0x13: {  	s25 =	simm.s32 $0x180;
	s3 =	sshll.u32 s24, $0x4;
	[dreg:$0x9] =	wrdreg s9  }
0x14: {  	s23 =	simm.s32 $0x200;
	s26 =	simm.s32 $0x4200;
	s3 =	sadd.s32 s7, s3  }
0x15: {  	s9 =	simm.s32 $0x10;
	[dreg:$0xa] =	wrdreg s3;
	s3 =	simm.s32 $0x6  }
.LBB2_1:
0x16: {  	s11 =	rddreg [dreg:$0x4]  }
0x17: {  	[tilespmem:s4], [sflag:$0x1] =	stream.linear.gather [hbm4b:s11+s4], $0x80, $0x38;
	[tilespmem:$0x10200] =	vst v63  }
0x18: {  	s16 =	rddreg [dreg:$0x5]  }
0x19: {  	[tilespmem:s20], [sflag:$0x1] =	stream.linear.gather [hbm4b:s16+s4], $0x80, $0x38;
	[tilespmem:$0x10200] =	vst v63  }
0x1a: {  	_ =	swait.ge [sflag:s21], $0x80  }
0x1b: {  	[sflag:s21] =	ssyncset.done $0x0  }
0x1c: {  	[sflag:s21] =	ssyncadd.s32 $0xFFFFFF80  }
0x1d: {  	_ =	swait.ge [sflag:s21], $0x80  }
0x1e: {  	[sflag:s21] =	ssyncset.done $0x0  }
0x1f: {  	[sflag:s21] =	ssyncadd.s32 $0xFFFFFF80  }
0x20: {  	[tilespmem:s23], [sflag:$0x2] =	stream.indirect.gather [hbm4b:s1+s22], $0x80, s4, s22, $0xb8;
	[tilespmem:$0x10200] =	vst v63  }
0x21: {  	_ = 	snop  }
0x22: {  	[tilespmem:s17], [sflag:$0x2] =	stream.indirect.gather [hbm4b:s2+s22], $0x80, s20, s22, $0xb8;
	[tilespmem:$0x10200] =	vst v63  }
0x23: {  	s18 =	rddreg [dreg:$0x6]  }
0x24: {  	[tilespmem:s22], [sflag:$0x1] =	stream.linear.gather [hbm4b:s18+s4], $0x80, $0x38;
	[tilespmem:$0x10200] =	vst v63  }
0x25: {  	s11 =	simm.s32 $0x0;
	s24 =	rddreg [dreg:$0x7]  }
0x26: {  	[tilespmem:s25], [sflag:$0x1] =	stream.linear.gather [hbm4b:s24+s4], $0x80, $0x38;
	[tilespmem:$0x10200] =	vst v63  }
.LBB2_2:
0x27: {  	_ =	swait.ge [sflag:s21], $0x80  }
0x28: {  	[sflag:s21] =	ssyncset.done $0x0  }
0x29: {  	[sflag:s21] =	ssyncadd.s32 $0xFFFFFF80  }
0x2a: {  	_ =	swait.ge [sflag:s21], $0x80  }
0x2b: {  	p0 =	seq.s32 s11, $0x0;
	[sflag:s21] =	ssyncset.done $0x0  }
0x2c: {  	s12 =	simm.s32 @!p0 $0x5;
	[sflag:s21] =	ssyncadd.s32 $0xFFFFFF80  }
0x2d: {  	_ =	swait.ge @!p0 [sflag:s12], $0x4000  }
0x2e: {  	[sflag:s12] =	ssyncset.done @!p0 $0x0  }
0x2f: {  	[sflag:s12] =	ssyncadd.s32 @!p0 $0xFFFFC000  }
0x30: {  	[tilespmem:s26], [sflag:$0x3] =	stream.indirect.gather [hbm4b:s1+s22], $0x80, s22, s22, $0xb8;
	[tilespmem:$0x10200] =	vst v63  }
0x31: {  	_ = 	snop  }
0x32: {  	[tilespmem:s28], [sflag:$0x3] =	stream.indirect.gather [hbm4b:s2+s22], $0x80, s25, s22, $0xb8;
	[tilespmem:$0x10200] =	vst v63  }
0x33: {  	_ =	swait.ge [sflag:s29], $0x4000  }
0x34: {  	[sflag:s29] =	ssyncset.done $0x0  }
0x35: {  	[sflag:s29] =	ssyncadd.s32 $0xFFFFC000  }
0x36: {  	_ =	swait.ge [sflag:s29], $0x4000  }
0x37: {  	[sflag:s29] =	ssyncset.done $0x0  }
0x38: {  	s16 =	simm.s32 $0x0;
	[sflag:s29] =	ssyncadd.s32 $0xFFFFC000  }
0x39: {  	v7 =	vld [tilespmem:s16+$0x8200]  }
0x3a: {  	v11 =	vld [tilespmem:s16+$0x8210]  }
0x3b: {  	v5 =	vld [tilespmem:s16+$0x8220]  }
0x3c: {  	v4 =	vld [tilespmem:s16+$0x8230]  }
0x3d: {  	v3 =	vld [tilespmem:s16+$0x8240]  }
0x3e: {  	v2 =	vld [tilespmem:s16+$0x8250]  }
0x3f: {  	v1 =	vld [tilespmem:s16+$0x8260]  }
0x40: {  	v0 =	vld [tilespmem:s16+$0x8270]  }
0x41: {  	v12 =	vld [tilespmem:s16+$0x200]  }
0x42: {  	v13 =	vld [tilespmem:s16+$0x210]  }
0x43: {  	v10 =	vld [tilespmem:s16+$0x220]  }
0x44: {  	v9 =	vld [tilespmem:s16+$0x230]  }
0x45: {  	v8 =	vld [tilespmem:s16+$0x240]  }
0x46: {  	v6 =	vld [tilespmem:s16+$0x250];
	v12 =	vadd.f32 v7, v12  }
0x47: {  	s17 =	simm.s32 $0x200;
	s12 =	sshll.u32 s11, $0x8;
	v11 =	vadd.f32 v11, v13;
	v7 =	vld [tilespmem:s16+$0x260]  }
.LBB2_3:
0x48: {  	s24 =	sshra.s32 s17, $0x2;
	p0 =	sne.s32 s17, $0xFE00;
	[tilespmem:s16+$0x200] =	vst v12;
	v5 =	vadd.f32 v5, v10;
	v10 =	vld [tilespmem:s16+$0x270]  }
0x49: {  	v12 =	vld [tilespmem:s24+$0x8200];
	[tilespmem:s16+$0x210] =	vst v11;
	v4 =	vadd.f32 v4, v9  }
0x4a: {  	v11 =	vld [tilespmem:s24+$0x8210];
	[tilespmem:s16+$0x220] =	vst v5;
	v3 =	vadd.f32 v3, v8  }
0x4b: {  	v5 =	vld [tilespmem:s24+$0x8220];
	[tilespmem:s16+$0x230] =	vst v4;
	v2 =	vadd.f32 v2, v6  }
0x4c: {  	v4 =	vld [tilespmem:s24+$0x8230];
	[tilespmem:s16+$0x240] =	vst v3;
	v1 =	vadd.f32 v1, v7  }
0x4d: {  	v3 =	vld [tilespmem:s24+$0x8240];
	[tilespmem:s16+$0x250] =	vst v2;
	v0 =	vadd.f32 v0, v10  }
0x4e: {  	v2 =	vld [tilespmem:s24+$0x8250];
	[tilespmem:s16+$0x260] =	vst v1  }
0x4f: {  	v1 =	vld [tilespmem:s24+$0x8260];
	[tilespmem:s16+$0x270] =	vst v0;
	s16 =	smov.u32 s24  }
0x50: {  	v0 =	vld [tilespmem:s16+$0x8270]  }
0x51: {  	v6 =	vld [tilespmem:s16+$0x200]  }
0x52: {  	v7 =	vld [tilespmem:s16+$0x210]  }
.Ltmp0:
0x53: {  	v10 =	vld [tilespmem:s16+$0x220];
	(pc) =	sbr.rel @p0 .LBB2_3-.Ltmp0, $4  }
0x54: {  	v9 =	vld [tilespmem:s16+$0x230]  }
0x55: {  	v8 =	vld [tilespmem:s16+$0x240]  }
0x56: {  	v12 =	vadd.f32 v12, v6;
	v6 =	vld [tilespmem:s16+$0x250]  }
0x57: {  	s17 =	sadd.s32 $0x200, s17;
	v11 =	vadd.f32 v11, v7;
	v7 =	vld [tilespmem:s16+$0x260]  }
0x58: {  	[tilespmem:s16+$0x200] =	vst v12;
	v5 =	vadd.f32 v5, v10;
	v10 =	vld [tilespmem:s16+$0x270]  }
0x59: {  	[tilespmem:s16+$0x210] =	vst v11;
	v4 =	vadd.f32 v4, v9  }
0x5a: {  	[tilespmem:s16+$0x220] =	vst v5;
	v3 =	vadd.f32 v3, v8  }
0x5b: {  	[tilespmem:s16+$0x230] =	vst v4;
	v2 =	vadd.f32 v2, v6  }
0x5c: {  	s17 =	sshll.u32 s11, $0xF;
	[tilespmem:s16+$0x240] =	vst v3;
	v1 =	vadd.f32 v1, v7  }
0x5d: {  	s17 =	sadd.s32 s13, s17;
	[tilespmem:s16+$0x250] =	vst v2;
	v0 =	vadd.f32 v0, v10  }
0x5e: {  	p0 =	seq.s32 s11, $0x26;
	s17 =	sshrl.u32 s17, $0x3;
	[tilespmem:s16+$0x260] =	vst v1  }
0x5f: {  	s24 =	sadd.s32 s7, s17;
	[tilespmem:s16+$0x270] =	vst v0;
	s16 =	sadd.s32 @!p0 s12, s14  }
0x60: {  	[hbm4b:s24+s4] =	stream.linear.scatter [tilespmem:s23], [sflag:$0x4], $0x4000, $0x38;
	[tilespmem:$0x10200] =	vst v63  }
0x61: {  	s16 =	sshrl.u32 @!p0 s16, $0x3  }
0x62: {  	s24 =	simm.s32 @!p0 $0x0;
	s17 =	sadd.s32 @!p0 s5, s16  }
0x63: {  	[tilespmem:s24], [sflag:$0x1] =	stream.linear.gather @!p0 [hbm4b:s17+s24], $0x80, $0x38;
	[tilespmem:$0x10200] =	vst v63  }
0x64: {  	s16 =	sadd.s32 @!p0 s6, s16;
	s17 =	simm.s32 @!p0 $0x100  }
0x65: {  	[tilespmem:s17], [sflag:$0x1] =	stream.linear.gather @!p0 [hbm4b:s16+s24], $0x80, $0x38;
	[tilespmem:$0x10200] =	vst v63  }
0x66: {  	s16 =	simm.s32 @!p0 $0x1  }
0x67: {  	_ =	swait.ge @!p0 [sflag:s16], $0x80  }
0x68: {  	[sflag:s16] =	ssyncset.done @!p0 $0x0  }
0x69: {  	[sflag:s16] =	ssyncadd.s32 @!p0 $0xFFFFFF80  }
0x6a: {  	_ =	swait.ge @!p0 [sflag:s16], $0x80  }
0x6b: {  	[sflag:s16] =	ssyncset.done @!p0 $0x0  }
0x6c: {  	[sflag:s16] =	ssyncadd.s32 @!p0 $0xFFFFFF80;
	s16 =	simm.s32 @!p0 $0x4  }
0x6d: {  	_ =	swait.ge @!p0 [sflag:s16], $0x4000  }
0x6e: {  	[sflag:s16] =	ssyncset.done @!p0 $0x0  }
0x6f: {  	s18 =	simm.s32 @!p0 $0x200;
	[sflag:s16] =	ssyncadd.s32 @!p0 $0xFFFFC000;
	s16 =	simm.s32 @!p0 $0x80  }
0x70: {  	[tilespmem:s18], [sflag:$0x2] =	stream.indirect.gather @!p0 [hbm4b:s1+s16], $0x80, s24, s16, $0xb8;
	[tilespmem:$0x10200] =	vst v63  }
0x71: {  	s18 =	simm.s32 @!p0 $0x8200  }
0x72: {  	[tilespmem:s18], [sflag:$0x2] =	stream.indirect.gather @!p0 [hbm4b:s2+s16], $0x80, s17, s16, $0xb8;
	[tilespmem:$0x10200] =	vst v63  }
0x73: {  	_ =	swait.ge [sflag:s30], $0x4000  }
0x74: {  	[sflag:s30] =	ssyncset.done $0x0  }
0x75: {  	[sflag:s30] =	ssyncadd.s32 $0xFFFFC000  }
0x76: {  	_ =	swait.ge [sflag:s30], $0x4000  }
0x77: {  	[sflag:s30] =	ssyncset.done $0x0  }
0x78: {  	s16 =	simm.s32 $0x0;
	[sflag:s30] =	ssyncadd.s32 $0xFFFFC000  }
0x79: {  	v7 =	vld [tilespmem:s16+$0xC200]  }
0x7a: {  	v11 =	vld [tilespmem:s16+$0xC210]  }
0x7b: {  	v5 =	vld [tilespmem:s16+$0xC220]  }
0x7c: {  	v4 =	vld [tilespmem:s16+$0xC230]  }
0x7d: {  	v3 =	vld [tilespmem:s16+$0xC240]  }
0x7e: {  	v2 =	vld [tilespmem:s16+$0xC250]  }
0x7f: {  	v1 =	vld [tilespmem:s16+$0xC260]  }
0x80: {  	v0 =	vld [tilespmem:s16+$0xC270]  }
0x81: {  	v12 =	vld [tilespmem:s16+$0x4200]  }
0x82: {  	v13 =	vld [tilespmem:s16+$0x4210]  }
0x83: {  	v10 =	vld [tilespmem:s16+$0x4220]  }
0x84: {  	v9 =	vld [tilespmem:s16+$0x4230]  }
0x85: {  	v8 =	vld [tilespmem:s16+$0x4240]  }
0x86: {  	v6 =	vld [tilespmem:s16+$0x4250];
	v12 =	vadd.f32 v7, v12  }
0x87: {  	s17 =	simm.s32 $0x200;
	v11 =	vadd.f32 v11, v13;
	v7 =	vld [tilespmem:s16+$0x4260]  }
.LBB2_5:
0x88: {  	s18 =	sshra.s32 s17, $0x2;
	p1 =	sne.s32 s17, $0xFE00;
	[tilespmem:s16+$0x4200] =	vst v12;
	v5 =	vadd.f32 v5, v10;
	v10 =	vld [tilespmem:s16+$0x4270]  }
0x89: {  	v12 =	vld [tilespmem:s18+$0xC200];
	[tilespmem:s16+$0x4210] =	vst v11;
	v4 =	vadd.f32 v4, v9  }
0x8a: {  	v11 =	vld [tilespmem:s18+$0xC210];
	[tilespmem:s16+$0x4220] =	vst v5;
	v3 =	vadd.f32 v3, v8  }
0x8b: {  	v5 =	vld [tilespmem:s18+$0xC220];
	[tilespmem:s16+$0x4230] =	vst v4;
	v2 =	vadd.f32 v2, v6  }
0x8c: {  	v4 =	vld [tilespmem:s18+$0xC230];
	[tilespmem:s16+$0x4240] =	vst v3;
	v1 =	vadd.f32 v1, v7  }
0x8d: {  	v3 =	vld [tilespmem:s18+$0xC240];
	[tilespmem:s16+$0x4250] =	vst v2;
	v0 =	vadd.f32 v0, v10  }
0x8e: {  	v2 =	vld [tilespmem:s18+$0xC250];
	[tilespmem:s16+$0x4260] =	vst v1  }
0x8f: {  	v1 =	vld [tilespmem:s18+$0xC260];
	[tilespmem:s16+$0x4270] =	vst v0;
	s16 =	smov.u32 s18  }
0x90: {  	v0 =	vld [tilespmem:s16+$0xC270]  }
0x91: {  	v6 =	vld [tilespmem:s16+$0x4200]  }
0x92: {  	v7 =	vld [tilespmem:s16+$0x4210]  }
.Ltmp1:
0x93: {  	v10 =	vld [tilespmem:s16+$0x4220];
	(pc) =	sbr.rel @p1 .LBB2_5-.Ltmp1, $4  }
0x94: {  	v9 =	vld [tilespmem:s16+$0x4230]  }
0x95: {  	v8 =	vld [tilespmem:s16+$0x4240]  }
0x96: {  	v12 =	vadd.f32 v12, v6;
	v6 =	vld [tilespmem:s16+$0x4250]  }
0x97: {  	s17 =	sadd.s32 $0x200, s17;
	v11 =	vadd.f32 v11, v7;
	v7 =	vld [tilespmem:s16+$0x4260]  }
0x98: {  	[tilespmem:s16+$0x4200] =	vst v12;
	v5 =	vadd.f32 v5, v10;
	v63 =	vld [tilespmem:s16+$0x4270]  }
0x99: {  	[tilespmem:s16+$0x4210] =	vst v11;
	v4 =	vadd.f32 v4, v9  }
0x9a: {  	[tilespmem:s16+$0x4220] =	vst v5;
	v3 =	vadd.f32 v3, v8  }
0x9b: {  	[tilespmem:s16+$0x4230] =	vst v4;
	v2 =	vadd.f32 v2, v6  }
.Ltmp2:
0x9c: {  	[tilespmem:s16+$0x4240] =	vst v3;
	v1 =	vadd.f32 v1, v7;
	(pc) =	sbr.rel @p0 .LBB2_8-.Ltmp2, $4  }
0x9d: {  	s17 =	sadd.s32 s12, s8;
	[tilespmem:s16+$0x4250] =	vst v2;
	v0 =	vadd.f32 v0, v63  }
0x9e: {  	s17 =	sshll.u32 s17, $0x4;
	[tilespmem:s16+$0x4260] =	vst v1  }
0x9f: {  	s24 =	sadd.s32 s7, s17;
	[tilespmem:s16+$0x4270] =	vst v0  }
0xa0: {  	[hbm4b:s24+s4] =	stream.linear.scatter [tilespmem:s26], [sflag:$0x5], $0x4000, $0x38;
	[tilespmem:$0x10200] =	vst v63  }
0xa1: {  	s12 =	sadd.s32 s12, s15  }
.Ltmp3:
0xa2: {  	s12 =	sshrl.u32 s12, $0x3;
	(pc) =	sbr.rel .LBB2_2-.Ltmp3, $4  }
0xa3: {  	s16 =	sadd.s32 s5, s12  }
0xa4: {  	[tilespmem:s22], [sflag:$0x1] =	stream.linear.gather [hbm4b:s16+s4], $0x80, $0x38;
	[tilespmem:$0x10200] =	vst v63  }
0xa5: {  	s11 =	sadd.s32 $0x1, s11;
	s12 =	sadd.s32 s6, s12  }
0xa6: {  	[tilespmem:s25], [sflag:$0x1] =	stream.linear.gather [hbm4b:s12+s4], $0x80, $0x38;
	[tilespmem:$0x10200] =	vst v63  }
.LBB2_8:
0xa7: {  	_ =	swait.ge [sflag:s31], $0x4000  }
0xa8: {  	[sflag:s31] =	ssyncset.done $0x0  }
0xa9: {  	[sflag:s31] =	ssyncadd.s32 $0xFFFFC000  }
0xaa: {  	_ =	swait.ge [sflag:s0], $0x4000  }
0xab: {  	[sflag:s0] =	ssyncset.done $0x0  }
0xac: {  	s11 =	simm.s32 $0x0;
	s12 =	rddreg [dreg:$0x8];
	[sflag:s0] =	ssyncadd.s32 $0xFFFFC000  }
0xad: {  	[tilespmem:s11], [sflag:$0x6] =	stream.linear.gather [hbm4b:s12+s11], $0x10, $0x38;
	[tilespmem:$0x10200] =	vst v63  }
0xae: {  	_ =	swait.ge [sflag:s3], $0x10  }
0xaf: {  	[sflag:s3] =	ssyncset.done $0x0  }
0xb0: {  	s24 =	rddreg [dreg:$0x9];
	[sflag:s3] =	ssyncadd.s32 $0xFFFFFFF0  }
0xb1: {  	[tilespmem:s20], [sflag:$0x6] =	stream.linear.gather [hbm4b:s24+s11], $0x10, $0x38;
	[tilespmem:$0x10200] =	vst v63  }
0xb2: {  	_ =	swait.ge [sflag:s3], $0x10  }
0xb3: {  	[sflag:s3] =	ssyncset.done $0x0  }
0xb4: {  	[sflag:s3] =	ssyncadd.s32 $0xFFFFFFF0  }
0xb5: {  	[tilespmem:s23], [sflag:$0x2] =	stream.indirect.gather [hbm4b:s1+s9], $0x80, s11, s9, $0xb8;
	[tilespmem:$0x10200] =	vst v63  }
0xb6: {  	s17 =	simm.s32 $0x8200  }
0xb7: {  	[tilespmem:s17], [sflag:$0x3] =	stream.indirect.gather [hbm4b:s2+s9], $0x80, s20, s9, $0xb8;
	[tilespmem:$0x10200] =	vst v63  }
0xb8: {  	_ =	swait.ge [sflag:s29], $0x800  }
0xb9: {  	[sflag:s29] =	ssyncset.done $0x0  }
0xba: {  	[sflag:s29] =	ssyncadd.s32 $0xFFFFF800  }
0xbb: {  	_ =	swait.ge [sflag:s30], $0x800  }
0xbc: {  	[sflag:s30] =	ssyncset.done $0x0  }
0xbd: {  	s11 =	simm.s32 $0x0;
	[sflag:s30] =	ssyncadd.s32 $0xFFFFF800  }
0xbe: {  	v7 =	vld [tilespmem:s11+$0x8200]  }
0xbf: {  	v11 =	vld [tilespmem:s11+$0x8210]  }
0xc0: {  	v5 =	vld [tilespmem:s11+$0x8220]  }
0xc1: {  	v4 =	vld [tilespmem:s11+$0x8230]  }
0xc2: {  	v3 =	vld [tilespmem:s11+$0x8240]  }
0xc3: {  	v2 =	vld [tilespmem:s11+$0x8250]  }
0xc4: {  	v1 =	vld [tilespmem:s11+$0x8260]  }
0xc5: {  	v0 =	vld [tilespmem:s11+$0x8270]  }
0xc6: {  	v12 =	vld [tilespmem:s11+$0x200]  }
0xc7: {  	v13 =	vld [tilespmem:s11+$0x210]  }
0xc8: {  	v10 =	vld [tilespmem:s11+$0x220]  }
0xc9: {  	v9 =	vld [tilespmem:s11+$0x230]  }
0xca: {  	v8 =	vld [tilespmem:s11+$0x240]  }
0xcb: {  	v6 =	vld [tilespmem:s11+$0x250];
	v12 =	vadd.f32 v7, v12  }
0xcc: {  	s12 =	simm.s32 $0x200;
	v11 =	vadd.f32 v11, v13;
	v7 =	vld [tilespmem:s11+$0x260]  }
.LBB2_9:
0xcd: {  	s16 =	sshra.s32 s12, $0x2;
	p0 =	sne.s32 s12, $0x1E00;
	[tilespmem:s11+$0x200] =	vst v12;
	v5 =	vadd.f32 v5, v10;
	v10 =	vld [tilespmem:s11+$0x270]  }
0xce: {  	v12 =	vld [tilespmem:s16+$0x8200];
	[tilespmem:s11+$0x210] =	vst v11;
	v4 =	vadd.f32 v4, v9  }
0xcf: {  	v11 =	vld [tilespmem:s16+$0x8210];
	[tilespmem:s11+$0x220] =	vst v5;
	v3 =	vadd.f32 v3, v8  }
0xd0: {  	v5 =	vld [tilespmem:s16+$0x8220];
	[tilespmem:s11+$0x230] =	vst v4;
	v2 =	vadd.f32 v2, v6  }
0xd1: {  	v4 =	vld [tilespmem:s16+$0x8230];
	[tilespmem:s11+$0x240] =	vst v3;
	v1 =	vadd.f32 v1, v7  }
0xd2: {  	v3 =	vld [tilespmem:s16+$0x8240];
	[tilespmem:s11+$0x250] =	vst v2;
	v0 =	vadd.f32 v0, v10  }
0xd3: {  	v2 =	vld [tilespmem:s16+$0x8250];
	[tilespmem:s11+$0x260] =	vst v1  }
0xd4: {  	v1 =	vld [tilespmem:s16+$0x8260];
	[tilespmem:s11+$0x270] =	vst v0;
	s11 =	smov.u32 s16  }
0xd5: {  	v0 =	vld [tilespmem:s11+$0x8270]  }
0xd6: {  	v6 =	vld [tilespmem:s11+$0x200]  }
0xd7: {  	v7 =	vld [tilespmem:s11+$0x210]  }
.Ltmp4:
0xd8: {  	v10 =	vld [tilespmem:s11+$0x220];
	(pc) =	sbr.rel @p0 .LBB2_9-.Ltmp4, $4  }
0xd9: {  	v9 =	vld [tilespmem:s11+$0x230]  }
0xda: {  	v8 =	vld [tilespmem:s11+$0x240]  }
0xdb: {  	v12 =	vadd.f32 v12, v6;
	v6 =	vld [tilespmem:s11+$0x250]  }
0xdc: {  	s12 =	sadd.s32 $0x200, s12;
	v11 =	vadd.f32 v11, v7;
	v7 =	vld [tilespmem:s11+$0x260]  }
0xdd: {  	[tilespmem:s11+$0x200] =	vst v12;
	v5 =	vadd.f32 v5, v10;
	v63 =	vld [tilespmem:s11+$0x270]  }
0xde: {  	[tilespmem:s11+$0x210] =	vst v11;
	v4 =	vadd.f32 v4, v9  }
0xdf: {  	[tilespmem:s11+$0x220] =	vst v5;
	v3 =	vadd.f32 v3, v8  }
0xe0: {  	[tilespmem:s11+$0x230] =	vst v4;
	v2 =	vadd.f32 v2, v6  }
0xe1: {  	[tilespmem:s11+$0x240] =	vst v3;
	v1 =	vadd.f32 v1, v7  }
0xe2: {  	s10 =	sadd.s32 $0x1, s10;
	[tilespmem:s11+$0x250] =	vst v2;
	v0 =	vadd.f32 v0, v63  }
0xe3: {  	p0 =	sne.s32 s10, s19;
	[tilespmem:s11+$0x260] =	vst v1  }
.Ltmp5:
0xe4: {  	s24 =	rddreg [dreg:$0xa];
	[tilespmem:s11+$0x270] =	vst v0;
	(pc) =	sbr.rel @p0 .LBB2_1-.Ltmp5, $4  }
0xe5: {  	[hbm4b:s24+s4] =	stream.linear.scatter [tilespmem:s23], [sflag:$0x6], $0x800, $0x38;
	[tilespmem:$0x10200] =	vst v63  }
0xe6: {  	_ =	swait.ge [sflag:s3], $0x800  }
0xe7: {  	[sflag:s3] =	ssyncset.done $0x0  }
0xe8: {  	[sflag:s3] =	ssyncadd.s32 $0xFFFFF800  }
0xe9: {  	_ =	sfence.sel $0x180000  }
0xea: {  	[bflag:$0x0] =	sbarrier.arrive $0xFFFF  }
0xeb: {  	_ =	strace $0x90000047  }
0xec: {  	s0 =	stileid.u32;
	[bflag:$0x2] =	sbarrier.arrive $0xFFFF  }
0xed: {  	p0 =	sne.s32 s0, $0x0;
	s0 =	rddreg [dreg:$0x3]  }
0xee: {  	s0 =	sadd.s32 @!p0 $0x100000, s0  }
0xef: {  	[sflag:s0] =	ssyncadd.tile.s32 @!p0 $0x1;
	_ =	shalt  }
.Lfunc_end2:
_tile_overlayer_lowered:
.L_overlay_start_2:
0xf0: {  	(tag) =	ssettag $0x2  }
0xf1: {  	s0 =	rddreg [dreg:$0x0];
	s2 =	stileid.u32  }
0xf2: {  	s1 =	rddreg [dreg:$0x1];
	p0 =	sne.s32 s2, $0x0  }
0xf3: {  	s3 =	rddreg [dreg:$0x2];
	[bflag:$0x3] =	sbarrier.arrive $0xFFFF;
	s2 =	simm.s32 @!p0 $0x1C06  }
0xf4: {  	[timem:s3], [sflag:s2] =	dma.local @!p0 [hbm:s0], s1  }
0xf5: {  	s0 =	simm.s32 @!p0 $0x6  }
0xf6: {  	_ =	swait.ge @!p0 [sflag:s0], s1  }
0xf7: {  	s1 =	ssub.s32 @!p0 $0x0, s1;
	[sflag:s0] =	ssyncset.done @!p0 $0x0  }
0xf8: {  	[sflag:s0] =	ssyncadd.s32 @!p0 s1  }
0xf9: {  	[bflag:$0x3] =	sbarrier.arrive $0xFFFF  }
0xfa: {  	_ =	shalt  }

</sc_bundles>
